<compile_context>
chip_gen: v7x
topology: tpu7x:2x2x1
jax: 0.10.2.dev20260603
libtpu: 0.0.44.dev20260713+nightly
codegen_flags: <defaults>
</compile_context>

<pallas_src>
import functools

import jax
import jax.numpy as jnp
from jax import lax
from jax.experimental import pallas as pl
from jax.experimental.pallas import tpu as pltpu
from jax.experimental.pallas import tpu_sc as plsc

N = 29040
E = 929280
D = 64
H = 64

TW = 128
NC = 2
NS = 16
GCH = 120

K_CHUNKS = 2

EDGE_BLOCK = 3840
PRE_BLOCK = 2904
LAT_ROWS = 121
ROW_LEN = 240

_MESH = plsc.VectorSubcoreMesh(core_axis_name="c", subcore_axis_name="s")


def _pre_body(h, u, v, W1a, W1b, eb1, t1, t2):
    h_ = h[...]
    pad = jnp.zeros((h_.shape[0], TW - 86), jnp.float32)
    a = jnp.dot(h_, W1a[...], preferred_element_type=jnp.float32) + eb1[...]
    b = jnp.dot(h_, W1b[...], preferred_element_type=jnp.float32)
    t1[...] = jnp.concatenate([a, u[...], v[...], pad], axis=1)
    t2[...] = jnp.concatenate([b, u[...], v[...], pad], axis=1)


def _sc_gather(t1, t2, rowc, colc, n_edges):
    epw = n_edges // (NC * NS)

    @functools.partial(
        pl.kernel,
        out_type=[jax.ShapeDtypeStruct((n_edges, TW), jnp.float32),
                  jax.ShapeDtypeStruct((n_edges, TW), jnp.float32)],
        mesh=_MESH,
        scratch_types=[pltpu.VMEM((GCH,), jnp.int32),
                       pltpu.VMEM((GCH,), jnp.int32),
                       pltpu.VMEM((GCH,), jnp.int32),
                       pltpu.VMEM((GCH,), jnp.int32),
                       pltpu.VMEM((GCH, TW), jnp.float32),
                       pltpu.VMEM((GCH, TW), jnp.float32),
                       pltpu.VMEM((GCH, TW), jnp.float32),
                       pltpu.VMEM((GCH, TW), jnp.float32),
                       pltpu.SemaphoreType.DMA,
                       pltpu.SemaphoreType.DMA,
                       pltpu.SemaphoreType.DMA,
                       pltpu.SemaphoreType.DMA,
                       pltpu.SemaphoreType.DMA,
                       pltpu.SemaphoreType.DMA,
                       pltpu.SemaphoreType.DMA,
                       pltpu.SemaphoreType.DMA],
    )
    def k(t1_hbm, t2_hbm, row_hbm, col_hbm, g1_hbm, g2_hbm,
          i1a, i2a, i1b, i2b, b1a, b2a, b1b, b2b,
          s1, s2, s3, s4, s5, s6, s7, s8):
        wid = lax.axis_index("s") * NC + lax.axis_index("c")
        base = wid * epw

        @pl.loop(0, epw // (2 * GCH))
        def _(j):
            offa = base + 2 * j * GCH
            offb = offa + GCH
            pltpu.sync_copy(row_hbm.at[pl.ds(offa, GCH)], i1a)
            pltpu.sync_copy(col_hbm.at[pl.ds(offa, GCH)], i2a)
            ga1 = pltpu.async_copy(t1_hbm.at[i1a], b1a, s1)
            ga2 = pltpu.async_copy(t2_hbm.at[i2a], b2a, s2)
            pltpu.sync_copy(row_hbm.at[pl.ds(offb, GCH)], i1b)
            pltpu.sync_copy(col_hbm.at[pl.ds(offb, GCH)], i2b)
            gb1 = pltpu.async_copy(t1_hbm.at[i1b], b1b, s3)
            gb2 = pltpu.async_copy(t2_hbm.at[i2b], b2b, s4)
            ga1.wait()
            ga2.wait()
            wa1 = pltpu.async_copy(b1a, g1_hbm.at[pl.ds(offa, GCH)], s5)
            wa2 = pltpu.async_copy(b2a, g2_hbm.at[pl.ds(offa, GCH)], s6)
            gb1.wait()
            gb2.wait()
            wb1 = pltpu.async_copy(b1b, g1_hbm.at[pl.ds(offb, GCH)], s7)
            wb2 = pltpu.async_copy(b2b, g2_hbm.at[pl.ds(offb, GCH)], s8)
            wa1.wait()
            wa2.wait()
            wb1.wait()
            wb2.wait()

        if (epw // GCH) % 2 == 1:
            off = base + (epw // GCH - 1) * GCH
            pltpu.sync_copy(row_hbm.at[pl.ds(off, GCH)], i1a)
            pltpu.sync_copy(col_hbm.at[pl.ds(off, GCH)], i2a)
            g1 = pltpu.async_copy(t1_hbm.at[i1a], b1a, s1)
            g2 = pltpu.async_copy(t2_hbm.at[i2a], b2a, s2)
            g1.wait()
            g2.wait()
            pltpu.sync_copy(b1a, g1_hbm.at[pl.ds(off, GCH)])
            pltpu.sync_copy(b2a, g2_hbm.at[pl.ds(off, GCH)])

    return k(t1, t2, rowc, colc)


def _edge_body(g1, g2, ea, Ww, Wa, eW2, eb2, cW1, cb1, cW2, p):
    g1_ = g1[...]
    g2_ = g2[...]
    ur = g1_[:, 64:75]
    vr = g1_[:, 75:86]
    uc = g2_[:, 64:75]
    vc = g2_[:, 75:86]
    cs = jnp.sqrt(uc * uc + vc * vc)
    rs = jnp.sqrt(ur * ur + vr * vr)
    rd = (uc * ur + vc * vr) / (cs * rs)
    bf = jnp.bfloat16
    wdiff = jnp.concatenate([rd, cs, rs], axis=1).astype(bf)
    pre = (g1_[:, :64] + g2_[:, :64]
           + jnp.dot(wdiff, Ww[...].astype(bf), preferred_element_type=jnp.float32)
           + ea[...] * Wa[...])
    hid = jax.nn.relu(pre).astype(bf)
    ef = jax.nn.relu(jnp.dot(hid, eW2[...].astype(bf), preferred_element_type=jnp.float32) + eb2[...])
    ch = jax.nn.relu(jnp.dot(ef.astype(bf), cW1[...].astype(bf), preferred_element_type=jnp.float32) + cb1[...]).astype(bf)
    cf = jnp.dot(ch, cW2[...].astype(bf), preferred_element_type=jnp.float32)
    wu = cf[:, :11] * uc
    wv = cf[:, 11:] * vc
    ones = jnp.ones((g1_.shape[0], 1), jnp.float32)
    zpad = jnp.zeros((g1_.shape[0], TW - 87), jnp.float32)
    p[...] = jnp.concatenate([ef, wu, wv, ones, zpad], axis=1)


NH = N // NC
ACC_ROWS = NH + 8
SCH = 40
ZR = 1816


def _sc_scatter(p, row0c, row1c, o_prev, n_edges):
    epw = n_edges // NS

    @functools.partial(
        pl.kernel,
        out_type=jax.ShapeDtypeStruct((N, TW), jnp.float32),
        mesh=_MESH,
        scratch_types=[pltpu.VMEM((SCH,), jnp.int32),
                       pltpu.VMEM((SCH,), jnp.int32),
                       pltpu.VMEM((SCH, TW), jnp.float32),
                       pltpu.VMEM((SCH, TW), jnp.float32),
                       pltpu.VMEM_SHARED((ACC_ROWS, TW), jnp.float32),
                       pltpu.SemaphoreType.DMA,
                       pltpu.SemaphoreType.DMA,
                       pltpu.SemaphoreType.DMA,
                       pltpu.SemaphoreType.DMA],

    )
    def k(p_hbm, row0_hbm, row1_hbm, oprev_hbm, o_hbm,
          ia, ib, ba, bb, acc, s1, s2, s3, s4):
        c = lax.axis_index("c")
        s = lax.axis_index("s")
        c_lo = c * NH

        @pl.when(s < 7)
        def _():
            pltpu.sync_copy(oprev_hbm.at[pl.ds(c_lo + s * ZR, ZR)],
                            acc.at[pl.ds(s * ZR, ZR)])

        @pl.when(s == 7)
        def _():
            pltpu.sync_copy(oprev_hbm.at[pl.ds(c_lo + 7 * ZR, NH - 7 * ZR)],
                            acc.at[pl.ds(7 * ZR, NH - 7 * ZR)])

        plsc.subcore_barrier()
        base = s * epw

        def chunk_loop(row_hbm):
            @pl.loop(0, epw // (2 * SCH))
            def _(j):
                offa = base + 2 * j * SCH
                offb = offa + SCH
                la = pltpu.async_copy(row_hbm.at[pl.ds(offa, SCH)], ia, s1)
                da = pltpu.async_copy(p_hbm.at[pl.ds(offa, SCH)], ba, s2)
                lb = pltpu.async_copy(row_hbm.at[pl.ds(offb, SCH)], ib, s3)
                db = pltpu.async_copy(p_hbm.at[pl.ds(offb, SCH)], bb, s4)
                la.wait()
                da.wait()
                pltpu.sync_copy(ba, acc.at[ia], add=True)
                lb.wait()
                db.wait()
                pltpu.sync_copy(bb, acc.at[ib], add=True)

        @pl.when(c == 0)
        def _():
            chunk_loop(row0_hbm)

        @pl.when(c == 1)
        def _():
            chunk_loop(row1_hbm)

        plsc.subcore_barrier()

        @pl.when(s < 7)
        def _():
            pltpu.sync_copy(acc.at[pl.ds(s * ZR, ZR)],
                            o_hbm.at[pl.ds(c_lo + s * ZR, ZR)])

        @pl.when(s == 7)
        def _():
            pltpu.sync_copy(acc.at[pl.ds(7 * ZR, NH - 7 * ZR)],
                            o_hbm.at[pl.ds(c_lo + 7 * ZR, NH - 7 * ZR)])

    return k(p, row0c, row1c, o_prev)


def _node_body(h, o, nW1, nb1, nW2, nb2, h_out, u_out, v_out):
    h_ = h[...]
    o_ = o[...]
    agg = o_[:, :64]
    sums = o_[:, 64:86]
    cnt = jnp.maximum(o_[:, 86:87], 1.0)
    mean = jnp.clip(sums / cnt, -100.0, 100.0)
    u_out[...] = mean[:, :11]
    v_out[...] = mean[:, 11:]
    lat = jnp.mean(agg, axis=0, keepdims=True)
    cat = jnp.concatenate([h_, agg, jnp.broadcast_to(lat, agg.shape)], axis=1)
    hid = jax.nn.relu(jnp.dot(cat, nW1[...], preferred_element_type=jnp.float32) + nb1[...])
    h_out[...] = jnp.dot(hid, nW2[...], preferred_element_type=jnp.float32) + nb2[...] + h_


@jax.jit
def kernel(h, edge_index, u, v, edge_attr, eW1, eb1, eW2, eb2,
           nW1, nb1, nW2, nb2, cW1, cb1, cW2):
    row = edge_index[0]
    col = edge_index[1]
    W1a = eW1[0:64]
    W1b = eW1[64:128]
    Ww = eW1[128:161]
    Wa = eW1[161:162]

    wb = lambda a: pl.BlockSpec(a.shape, lambda i: (0,) * a.ndim)
    pb = lambda d: pl.BlockSpec((PRE_BLOCK, d), lambda i: (i, 0))
    t1, t2 = pl.pallas_call(
        _pre_body,
        grid=(N // PRE_BLOCK,),
        in_specs=[pb(D), pb(11), pb(11), wb(W1a), wb(W1b), wb(eb1)],
        out_specs=[pb(TW), pb(TW)],
        out_shape=[jax.ShapeDtypeStruct((N, TW), jnp.float32),
                   jax.ShapeDtypeStruct((N, TW), jnp.float32)],
    )(h, u, v, W1a, W1b, eb1)

    sink = NH + (jnp.arange(E, dtype=jnp.int32) & 7)
    row0 = jnp.where(row < NH, row, sink)
    row1 = jnp.where(row >= NH, row - NH, sink)

    ebk = lambda d: pl.BlockSpec((EDGE_BLOCK, d), lambda i: (i, 0))
    eh = E // K_CHUNKS
    o = jnp.zeros((N, TW), jnp.float32)
    for kc in range(K_CHUNKS):
        sl = slice(kc * eh, (kc + 1) * eh)
        g1, g2 = _sc_gather(t1, t2, row[sl], col[sl], eh)
        p = pl.pallas_call(
            _edge_body,
            grid=(eh // EDGE_BLOCK,),
            in_specs=[ebk(TW), ebk(TW), ebk(1),
                      wb(Ww), wb(Wa), wb(eW2), wb(eb2), wb(cW1), wb(cb1), wb(cW2)],
            out_specs=[ebk(TW)],
            out_shape=[jax.ShapeDtypeStruct((eh, TW), jnp.float32)],
        )(g1, g2, edge_attr[sl], Ww, Wa, eW2, eb2, cW1, cb1, cW2)[0]
        o = _sc_scatter(p, row0[sl], row1[sl], o, eh)

    nbk = lambda d: pl.BlockSpec((ROW_LEN, d), lambda i: (i, 0))
    h_out, agg_u, agg_v = pl.pallas_call(
        _node_body,
        grid=(LAT_ROWS,),
        in_specs=[nbk(D), nbk(TW),
                  wb(nW1), wb(nb1), wb(nW2), wb(nb2)],
        out_specs=[nbk(D), nbk(11), nbk(11)],
        out_shape=[jax.ShapeDtypeStruct((N, D), jnp.float32),
                   jax.ShapeDtypeStruct((N, 11), jnp.float32),
                   jax.ShapeDtypeStruct((N, 11), jnp.float32)],
    )(h, o, nW1, nb1, nW2, nb2)
    return (h_out, agg_u, agg_v)

# --- scband reference (transcript-rebuilt; emitter-appended) ---
"""Pipeline reference for scband-e-gcl-78065325572140 (READ-ONLY COPY).

The authoritative reference and input builder live on the scoring server;
editing this copy changes nothing except your own understanding.
"""

import jax, jax.numpy as jnp
import numpy as np

N = 29040  # 121*240, hardcoded in node_model
E = 929280
D = 64  # input_nf == output_nf
H = 64  # hidden_nf


def _seg_sum(data, seg, n):
    return jax.ops.segment_sum(data, seg, num_segments=n)


def _seg_mean(data, seg, n):
    s = jax.ops.segment_sum(data, seg, num_segments=n)
    c = jax.ops.segment_sum(jnp.ones_like(data), seg, num_segments=n)
    return s / jnp.maximum(c, 1.0)


def setup_inputs(seed: int = 0):
    key = jax.random.key(seed)
    ks = jax.random.split(key, 17)

    def lin(i, fi, fo):
        lim = 1.0 / np.sqrt(fi)
        W = jax.random.uniform(ks[i], (fi, fo), minval=-lim, maxval=lim, dtype=jnp.float32)
        b = jax.random.uniform(ks[i + 1], (fo,), minval=-lim, maxval=lim, dtype=jnp.float32)
        return W, b

    h = jax.random.normal(ks[0], (N, D), dtype=jnp.float32)
    edge_index = jax.random.randint(ks[1], (2, E), 0, N, dtype=jnp.int32)
    u = jax.random.normal(ks[2], (N, 11), dtype=jnp.float32)
    v = jax.random.normal(ks[3], (N, 11), dtype=jnp.float32)
    edge_attr = jax.random.normal(ks[4], (E, 1), dtype=jnp.float32)
    eW1, eb1 = lin(5, 2 * D + 34, H)
    eW2, eb2 = lin(7, H, H)
    nW1, nb1 = lin(9, 2 * H + D, H)
    nW2, nb2 = lin(11, H, D)
    cW1, cb1 = lin(13, H, H)
    lim2 = 0.001 * np.sqrt(6.0 / (H + 22))  # xavier_uniform gain=0.001, no bias
    cW2 = jax.random.uniform(ks[15], (H, 22), minval=-lim2, maxval=lim2, dtype=jnp.float32)
    return {"h": h, "edge_index": edge_index, "u": u, "v": v, "edge_attr": edge_attr,
            "eW1": eW1, "eb1": eb1, "eW2": eW2, "eb2": eb2,
            "nW1": nW1, "nb1": nb1, "nW2": nW2, "nb2": nb2,
            "cW1": cW1, "cb1": cb1, "cW2": cW2}


def reference(h, edge_index, u, v, edge_attr, eW1, eb1, eW2, eb2, nW1, nb1, nW2, nb2, cW1, cb1, cW2):
    row, col = edge_index[0], edge_index[1]
    uc, vc = u[col], v[col]
    ur, vr = u[row], v[row]
    # coord2radial
    col_speed = jnp.sqrt(uc ** 2 + vc ** 2)
    row_speed = jnp.sqrt(ur ** 2 + vr ** 2)
    rel_dirt = (uc * ur + vc * vr) / (col_speed * row_speed)
    w_diff = jnp.concatenate([rel_dirt, col_speed, row_speed], axis=1)  # [E, 33]
    radial = jnp.stack([uc, vc], axis=1)  # [E, 2, 11]
    # edge_model (attention=False)
    x = jnp.concatenate([h[row], h[col], w_diff, edge_attr], axis=1)  # [E, 162]
    ef = jax.nn.relu(jax.nn.relu(x @ eW1 + eb1) @ eW2 + eb2)
    # coord_model
    cf = (jax.nn.relu(ef @ cW1 + cb1) @ cW2).reshape(-1, 2, 11)
    wind = cf * radial
    agg_u = jnp.clip(_seg_mean(wind[:, 0, :], row, N), -100.0, 100.0)
    agg_v = jnp.clip(_seg_mean(wind[:, 1, :], row, N), -100.0, 100.0)
    # node_model (node_attr=None; global_agg is dead code in the original)
    agg = _seg_sum(ef, row, N)
    lat = agg.reshape(121, 240, H).mean(axis=1, keepdims=True)
    lat = jnp.tile(lat, (1, 240, 1)).reshape(N, H)
    cat = jnp.concatenate([h, agg, lat], axis=1)
    h_out = jax.nn.relu(cat @ nW1 + nb1) @ nW2 + nb2 + h
    return (h_out, agg_u, agg_v)

if __name__ == "__main__":
    import jax
    _d = setup_inputs()
    print(jax.jit(kernel)(*tuple(_d.values())))

</pallas_src>

<mosaic_0001>
#map = affine_map<(d0, d1) -> (0, 0)>
#map1 = affine_map<(d0, d1) -> (0)>
module attributes {stable_mosaic.version = 14 : i64} {
  func.func @k(%arg0: i32, %arg1: i32, %arg2: memref<29040x128xf32, #tpu.memory_space<hbm>>, %arg3: memref<29040x128xf32, #tpu.memory_space<hbm>>, %arg4: memref<464640xi32, #tpu.memory_space<hbm>>, %arg5: memref<464640xi32, #tpu.memory_space<hbm>>, %arg6: memref<464640x128xf32, #tpu.memory_space<hbm>>, %arg7: memref<464640x128xf32, #tpu.memory_space<hbm>>, %arg8: memref<120xi32, #tpu.memory_space<vmem>>, %arg9: memref<120xi32, #tpu.memory_space<vmem>>, %arg10: memref<120xi32, #tpu.memory_space<vmem>>, %arg11: memref<120xi32, #tpu.memory_space<vmem>>, %arg12: memref<120x128xf32, #tpu.memory_space<vmem>>, %arg13: memref<120x128xf32, #tpu.memory_space<vmem>>, %arg14: memref<120x128xf32, #tpu.memory_space<vmem>>, %arg15: memref<120x128xf32, #tpu.memory_space<vmem>>, %arg16: memref<!tpu.dma_semaphore, #tpu.memory_space<semaphore_mem>>, %arg17: memref<!tpu.dma_semaphore, #tpu.memory_space<semaphore_mem>>, %arg18: memref<!tpu.dma_semaphore, #tpu.memory_space<semaphore_mem>>, %arg19: memref<!tpu.dma_semaphore, #tpu.memory_space<semaphore_mem>>, %arg20: memref<!tpu.dma_semaphore, #tpu.memory_space<semaphore_mem>>, %arg21: memref<!tpu.dma_semaphore, #tpu.memory_space<semaphore_mem>>, %arg22: memref<!tpu.dma_semaphore, #tpu.memory_space<semaphore_mem>>, %arg23: memref<!tpu.dma_semaphore, #tpu.memory_space<semaphore_mem>>) attributes {dimension_semantics = [#tpu.dimension_semantics<core_parallel>, #tpu.dimension_semantics<subcore_parallel>], iteration_bounds = array<i64: 2, 16>, scalar_prefetch = 0 : i64, scratch_operands = 16 : i64, tpu.core_type = #tpu.core_type<sc_vector_subcore>, window_params = [{transform_indices = #map}, {transform_indices = #map}, {transform_indices = #map1}, {transform_indices = #map1}, {transform_indices = #map}, {transform_indices = #map}]} {
    %mul3A = arith.constant 2 : i32
    %mul3A_0 = arith.muli %arg1, %mul3A : i32
    %add3A = arith.addi %mul3A_0, %arg0 : i32
    %mul3A_1 = arith.constant 14520 : i32
    %mul3A_2 = arith.muli %add3A, %mul3A_1 : i32
    %scan3A = arith.constant 0 : i32
    %scan3A_3 = arith.constant 60 : i32
    %scan3A_4 = arith.addi %scan3A, %scan3A_3 : i32
    %scan3A_5 = arith.constant 1 : i32
    scf.for %scan3A_19 = %scan3A to %scan3A_4 step %scan3A_5  : i32 {
      %mul3A_20 = arith.constant 1 : i32
      %mul3A_21 = arith.muli %scan3A_19, %mul3A_20 : i32
      %add3A_22 = arith.constant 0 : i32
      %add3A_23 = arith.addi %add3A_22, %mul3A_21 : i32
      %mul3A_24 = arith.constant 2 : i32
      %mul3A_25 = arith.muli %mul3A_24, %add3A_23 : i32
      %mul3A_26 = arith.constant 120 : i32
      %mul3A_27 = arith.muli %mul3A_25, %mul3A_26 : i32
      %add3A_28 = arith.addi %mul3A_2, %mul3A_27 : i32
      %add3A_29 = arith.constant 120 : i32
      %add3A_30 = arith.addi %add3A_28, %add3A_29 : i32
      "tpu.region"() ({
        %run_scoped3A = tpu.sem_alloc : memref<!tpu.dma_semaphore, #tpu.memory_space<semaphore_mem>>
        %dma_start3A_87 = tpu.memref_slice %arg4[%add3A_28] : memref<464640xi32, #tpu.memory_space<hbm>> -> memref<120xi32, #tpu.memory_space<hbm>>
        %dma_start3A_88 = tpu.memref_slice %arg4[%add3A_28] : memref<464640xi32, #tpu.memory_space<hbm>> -> memref<120xi32, #tpu.memory_space<hbm>>
        tpu.enqueue_dma source(%dma_start3A_88 : memref<120xi32, #tpu.memory_space<hbm>>) target(%arg8 : memref<120xi32, #tpu.memory_space<vmem>>) target_semaphore(%run_scoped3A : memref<!tpu.dma_semaphore, #tpu.memory_space<semaphore_mem>>)
        %dma_wait3A_89 = tpu.memref_slice %arg4[%add3A_28] : memref<464640xi32, #tpu.memory_space<hbm>> -> memref<120xi32, #tpu.memory_space<hbm>>
        %dma_wait3A_90 = tpu.memref_slice %arg4[%add3A_28] : memref<464640xi32, #tpu.memory_space<hbm>> -> memref<120xi32, #tpu.memory_space<hbm>>
        tpu.wait_dma2 semaphore(%run_scoped3A : memref<!tpu.dma_semaphore, #tpu.memory_space<semaphore_mem>>) src(%dma_wait3A_90 : memref<120xi32, #tpu.memory_space<hbm>>) dst(%arg8 : memref<120xi32, #tpu.memory_space<vmem>>)
        tpu.yield
      }) : () -> ()
      "tpu.region"() ({
        %run_scoped3A = tpu.sem_alloc : memref<!tpu.dma_semaphore, #tpu.memory_space<semaphore_mem>>
        %dma_start3A_87 = tpu.memref_slice %arg5[%add3A_28] : memref<464640xi32, #tpu.memory_space<hbm>> -> memref<120xi32, #tpu.memory_space<hbm>>
        %dma_start3A_88 = tpu.memref_slice %arg5[%add3A_28] : memref<464640xi32, #tpu.memory_space<hbm>> -> memref<120xi32, #tpu.memory_space<hbm>>
        tpu.enqueue_dma source(%dma_start3A_88 : memref<120xi32, #tpu.memory_space<hbm>>) target(%arg9 : memref<120xi32, #tpu.memory_space<vmem>>) target_semaphore(%run_scoped3A : memref<!tpu.dma_semaphore, #tpu.memory_space<semaphore_mem>>)
        %dma_wait3A_89 = tpu.memref_slice %arg5[%add3A_28] : memref<464640xi32, #tpu.memory_space<hbm>> -> memref<120xi32, #tpu.memory_space<hbm>>
        %dma_wait3A_90 = tpu.memref_slice %arg5[%add3A_28] : memref<464640xi32, #tpu.memory_space<hbm>> -> memref<120xi32, #tpu.memory_space<hbm>>
        tpu.wait_dma2 semaphore(%run_scoped3A : memref<!tpu.dma_semaphore, #tpu.memory_space<semaphore_mem>>) src(%dma_wait3A_90 : memref<120xi32, #tpu.memory_space<hbm>>) dst(%arg9 : memref<120xi32, #tpu.memory_space<vmem>>)
        tpu.yield
      }) : () -> ()
      %dma_start3A_31 = arith.constant 0 : i32
      %dma_start3A_32 = arith.constant 0 : i32
      %dma_start3A_33 = tpu.memref_slice %arg2[%dma_start3A_31, %dma_start3A_32] : memref<29040x128xf32, #tpu.memory_space<hbm>> -> memref<29040x128xf32, #tpu.memory_space<hbm>>
      tpu.enqueue_indirect_dma source(%dma_start3A_33 : memref<29040x128xf32, #tpu.memory_space<hbm>>) target(%arg12 : memref<120x128xf32, #tpu.memory_space<vmem>>) offsets(%arg8 : memref<120xi32, #tpu.memory_space<vmem>>) semaphore(%arg16 : memref<!tpu.dma_semaphore, #tpu.memory_space<semaphore_mem>>)
      %dma_start3A_34 = arith.constant 0 : i32
      %dma_start3A_35 = arith.constant 0 : i32
      %dma_start3A_36 = tpu.memref_slice %arg3[%dma_start3A_34, %dma_start3A_35] : memref<29040x128xf32, #tpu.memory_space<hbm>> -> memref<29040x128xf32, #tpu.memory_space<hbm>>
      tpu.enqueue_indirect_dma source(%dma_start3A_36 : memref<29040x128xf32, #tpu.memory_space<hbm>>) target(%arg13 : memref<120x128xf32, #tpu.memory_space<vmem>>) offsets(%arg9 : memref<120xi32, #tpu.memory_space<vmem>>) semaphore(%arg17 : memref<!tpu.dma_semaphore, #tpu.memory_space<semaphore_mem>>)
      "tpu.region"() ({
        %run_scoped3A = tpu.sem_alloc : memref<!tpu.dma_semaphore, #tpu.memory_space<semaphore_mem>>
        %dma_start3A_87 = tpu.memref_slice %arg4[%add3A_30] : memref<464640xi32, #tpu.memory_space<hbm>> -> memref<120xi32, #tpu.memory_space<hbm>>
        %dma_start3A_88 = tpu.memref_slice %arg4[%add3A_30] : memref<464640xi32, #tpu.memory_space<hbm>> -> memref<120xi32, #tpu.memory_space<hbm>>
        tpu.enqueue_dma source(%dma_start3A_88 : memref<120xi32, #tpu.memory_space<hbm>>) target(%arg10 : memref<120xi32, #tpu.memory_space<vmem>>) target_semaphore(%run_scoped3A : memref<!tpu.dma_semaphore, #tpu.memory_space<semaphore_mem>>)
        %dma_wait3A_89 = tpu.memref_slice %arg4[%add3A_30] : memref<464640xi32, #tpu.memory_space<hbm>> -> memref<120xi32, #tpu.memory_space<hbm>>
        %dma_wait3A_90 = tpu.memref_slice %arg4[%add3A_30] : memref<464640xi32, #tpu.memory_space<hbm>> -> memref<120xi32, #tpu.memory_space<hbm>>
        tpu.wait_dma2 semaphore(%run_scoped3A : memref<!tpu.dma_semaphore, #tpu.memory_space<semaphore_mem>>) src(%dma_wait3A_90 : memref<120xi32, #tpu.memory_space<hbm>>) dst(%arg10 : memref<120xi32, #tpu.memory_space<vmem>>)
        tpu.yield
      }) : () -> ()
      "tpu.region"() ({
        %run_scoped3A = tpu.sem_alloc : memref<!tpu.dma_semaphore, #tpu.memory_space<semaphore_mem>>
        %dma_start3A_87 = tpu.memref_slice %arg5[%add3A_30] : memref<464640xi32, #tpu.memory_space<hbm>> -> memref<120xi32, #tpu.memory_space<hbm>>
        %dma_start3A_88 = tpu.memref_slice %arg5[%add3A_30] : memref<464640xi32, #tpu.memory_space<hbm>> -> memref<120xi32, #tpu.memory_space<hbm>>
        tpu.enqueue_dma source(%dma_start3A_88 : memref<120xi32, #tpu.memory_space<hbm>>) target(%arg11 : memref<120xi32, #tpu.memory_space<vmem>>) target_semaphore(%run_scoped3A : memref<!tpu.dma_semaphore, #tpu.memory_space<semaphore_mem>>)
        %dma_wait3A_89 = tpu.memref_slice %arg5[%add3A_30] : memref<464640xi32, #tpu.memory_space<hbm>> -> memref<120xi32, #tpu.memory_space<hbm>>
        %dma_wait3A_90 = tpu.memref_slice %arg5[%add3A_30] : memref<464640xi32, #tpu.memory_space<hbm>> -> memref<120xi32, #tpu.memory_space<hbm>>
        tpu.wait_dma2 semaphore(%run_scoped3A : memref<!tpu.dma_semaphore, #tpu.memory_space<semaphore_mem>>) src(%dma_wait3A_90 : memref<120xi32, #tpu.memory_space<hbm>>) dst(%arg11 : memref<120xi32, #tpu.memory_space<vmem>>)
        tpu.yield
      }) : () -> ()
      %dma_start3A_37 = arith.constant 0 : i32
      %dma_start3A_38 = arith.constant 0 : i32
      %dma_start3A_39 = tpu.memref_slice %arg2[%dma_start3A_37, %dma_start3A_38] : memref<29040x128xf32, #tpu.memory_space<hbm>> -> memref<29040x128xf32, #tpu.memory_space<hbm>>
      tpu.enqueue_indirect_dma source(%dma_start3A_39 : memref<29040x128xf32, #tpu.memory_space<hbm>>) target(%arg14 : memref<120x128xf32, #tpu.memory_space<vmem>>) offsets(%arg10 : memref<120xi32, #tpu.memory_space<vmem>>) semaphore(%arg18 : memref<!tpu.dma_semaphore, #tpu.memory_space<semaphore_mem>>)
      %dma_start3A_40 = arith.constant 0 : i32
      %dma_start3A_41 = arith.constant 0 : i32
      %dma_start3A_42 = tpu.memref_slice %arg3[%dma_start3A_40, %dma_start3A_41] : memref<29040x128xf32, #tpu.memory_space<hbm>> -> memref<29040x128xf32, #tpu.memory_space<hbm>>
      tpu.enqueue_indirect_dma source(%dma_start3A_42 : memref<29040x128xf32, #tpu.memory_space<hbm>>) target(%arg15 : memref<120x128xf32, #tpu.memory_space<vmem>>) offsets(%arg11 : memref<120xi32, #tpu.memory_space<vmem>>) semaphore(%arg19 : memref<!tpu.dma_semaphore, #tpu.memory_space<semaphore_mem>>)
      %dma_wait3A_43 = arith.constant 0 : i32
      %dma_wait3A_44 = arith.constant 0 : i32
      %dma_wait3A_45 = tpu.memref_slice %arg2[%dma_wait3A_43, %dma_wait3A_44] : memref<29040x128xf32, #tpu.memory_space<hbm>> -> memref<29040x128xf32, #tpu.memory_space<hbm>>
      tpu.wait_indirect_dma semaphore(%arg16 : memref<!tpu.dma_semaphore, #tpu.memory_space<semaphore_mem>>) src(%dma_wait3A_45 : memref<29040x128xf32, #tpu.memory_space<hbm>>) dst(%arg12 : memref<120x128xf32, #tpu.memory_space<vmem>>)
      %dma_wait3A_46 = arith.constant 0 : i32
      %dma_wait3A_47 = arith.constant 0 : i32
      %dma_wait3A_48 = tpu.memref_slice %arg3[%dma_wait3A_46, %dma_wait3A_47] : memref<29040x128xf32, #tpu.memory_space<hbm>> -> memref<29040x128xf32, #tpu.memory_space<hbm>>
      tpu.wait_indirect_dma semaphore(%arg17 : memref<!tpu.dma_semaphore, #tpu.memory_space<semaphore_mem>>) src(%dma_wait3A_48 : memref<29040x128xf32, #tpu.memory_space<hbm>>) dst(%arg13 : memref<120x128xf32, #tpu.memory_space<vmem>>)
      %dma_start3A_49 = arith.constant 0 : i32
      %dma_start3A_50 = tpu.memref_slice %arg6[%add3A_28, %dma_start3A_49] : memref<464640x128xf32, #tpu.memory_space<hbm>> -> memref<120x128xf32, #tpu.memory_space<hbm>>
      %dma_start3A_51 = arith.constant 0 : i32
      %dma_start3A_52 = tpu.memref_slice %arg6[%add3A_28, %dma_start3A_51] : memref<464640x128xf32, #tpu.memory_space<hbm>> -> memref<120x128xf32, #tpu.memory_space<hbm>>
      tpu.enqueue_dma source(%arg12 : memref<120x128xf32, #tpu.memory_space<vmem>>) target(%dma_start3A_52 : memref<120x128xf32, #tpu.memory_space<hbm>>) target_semaphore(%arg20 : memref<!tpu.dma_semaphore, #tpu.memory_space<semaphore_mem>>)
      %dma_start3A_53 = arith.constant 0 : i32
      %dma_start3A_54 = tpu.memref_slice %arg7[%add3A_28, %dma_start3A_53] : memref<464640x128xf32, #tpu.memory_space<hbm>> -> memref<120x128xf32, #tpu.memory_space<hbm>>
      %dma_start3A_55 = arith.constant 0 : i32
      %dma_start3A_56 = tpu.memref_slice %arg7[%add3A_28, %dma_start3A_55] : memref<464640x128xf32, #tpu.memory_space<hbm>> -> memref<120x128xf32, #tpu.memory_space<hbm>>
      tpu.enqueue_dma source(%arg13 : memref<120x128xf32, #tpu.memory_space<vmem>>) target(%dma_start3A_56 : memref<120x128xf32, #tpu.memory_space<hbm>>) target_semaphore(%arg21 : memref<!tpu.dma_semaphore, #tpu.memory_space<semaphore_mem>>)
      %dma_wait3A_57 = arith.constant 0 : i32
      %dma_wait3A_58 = arith.constant 0 : i32
      %dma_wait3A_59 = tpu.memref_slice %arg2[%dma_wait3A_57, %dma_wait3A_58] : memref<29040x128xf32, #tpu.memory_space<hbm>> -> memref<29040x128xf32, #tpu.memory_space<hbm>>
      tpu.wait_indirect_dma semaphore(%arg18 : memref<!tpu.dma_semaphore, #tpu.memory_space<semaphore_mem>>) src(%dma_wait3A_59 : memref<29040x128xf32, #tpu.memory_space<hbm>>) dst(%arg14 : memref<120x128xf32, #tpu.memory_space<vmem>>)
      %dma_wait3A_60 = arith.constant 0 : i32
      %dma_wait3A_61 = arith.constant 0 : i32
      %dma_wait3A_62 = tpu.memref_slice %arg3[%dma_wait3A_60, %dma_wait3A_61] : memref<29040x128xf32, #tpu.memory_space<hbm>> -> memref<29040x128xf32, #tpu.memory_space<hbm>>
      tpu.wait_indirect_dma semaphore(%arg19 : memref<!tpu.dma_semaphore, #tpu.memory_space<semaphore_mem>>) src(%dma_wait3A_62 : memref<29040x128xf32, #tpu.memory_space<hbm>>) dst(%arg15 : memref<120x128xf32, #tpu.memory_space<vmem>>)
      %dma_start3A_63 = arith.constant 0 : i32
      %dma_start3A_64 = tpu.memref_slice %arg6[%add3A_30, %dma_start3A_63] : memref<464640x128xf32, #tpu.memory_space<hbm>> -> memref<120x128xf32, #tpu.memory_space<hbm>>
      %dma_start3A_65 = arith.constant 0 : i32
      %dma_start3A_66 = tpu.memref_slice %arg6[%add3A_30, %dma_start3A_65] : memref<464640x128xf32, #tpu.memory_space<hbm>> -> memref<120x128xf32, #tpu.memory_space<hbm>>
      tpu.enqueue_dma source(%arg14 : memref<120x128xf32, #tpu.memory_space<vmem>>) target(%dma_start3A_66 : memref<120x128xf32, #tpu.memory_space<hbm>>) target_semaphore(%arg22 : memref<!tpu.dma_semaphore, #tpu.memory_space<semaphore_mem>>)
      %dma_start3A_67 = arith.constant 0 : i32
      %dma_start3A_68 = tpu.memref_slice %arg7[%add3A_30, %dma_start3A_67] : memref<464640x128xf32, #tpu.memory_space<hbm>> -> memref<120x128xf32, #tpu.memory_space<hbm>>
      %dma_start3A_69 = arith.constant 0 : i32
      %dma_start3A_70 = tpu.memref_slice %arg7[%add3A_30, %dma_start3A_69] : memref<464640x128xf32, #tpu.memory_space<hbm>> -> memref<120x128xf32, #tpu.memory_space<hbm>>
      tpu.enqueue_dma source(%arg15 : memref<120x128xf32, #tpu.memory_space<vmem>>) target(%dma_start3A_70 : memref<120x128xf32, #tpu.memory_space<hbm>>) target_semaphore(%arg23 : memref<!tpu.dma_semaphore, #tpu.memory_space<semaphore_mem>>)
      %dma_wait3A_71 = arith.constant 0 : i32
      %dma_wait3A_72 = tpu.memref_slice %arg6[%add3A_28, %dma_wait3A_71] : memref<464640x128xf32, #tpu.memory_space<hbm>> -> memref<120x128xf32, #tpu.memory_space<hbm>>
      %dma_wait3A_73 = arith.constant 0 : i32
      %dma_wait3A_74 = tpu.memref_slice %arg6[%add3A_28, %dma_wait3A_73] : memref<464640x128xf32, #tpu.memory_space<hbm>> -> memref<120x128xf32, #tpu.memory_space<hbm>>
      tpu.wait_dma2 semaphore(%arg20 : memref<!tpu.dma_semaphore, #tpu.memory_space<semaphore_mem>>) src(%arg12 : memref<120x128xf32, #tpu.memory_space<vmem>>) dst(%dma_wait3A_74 : memref<120x128xf32, #tpu.memory_space<hbm>>)
      %dma_wait3A_75 = arith.constant 0 : i32
      %dma_wait3A_76 = tpu.memref_slice %arg7[%add3A_28, %dma_wait3A_75] : memref<464640x128xf32, #tpu.memory_space<hbm>> -> memref<120x128xf32, #tpu.memory_space<hbm>>
      %dma_wait3A_77 = arith.constant 0 : i32
      %dma_wait3A_78 = tpu.memref_slice %arg7[%add3A_28, %dma_wait3A_77] : memref<464640x128xf32, #tpu.memory_space<hbm>> -> memref<120x128xf32, #tpu.memory_space<hbm>>
      tpu.wait_dma2 semaphore(%arg21 : memref<!tpu.dma_semaphore, #tpu.memory_space<semaphore_mem>>) src(%arg13 : memref<120x128xf32, #tpu.memory_space<vmem>>) dst(%dma_wait3A_78 : memref<120x128xf32, #tpu.memory_space<hbm>>)
      %dma_wait3A_79 = arith.constant 0 : i32
      %dma_wait3A_80 = tpu.memref_slice %arg6[%add3A_30, %dma_wait3A_79] : memref<464640x128xf32, #tpu.memory_space<hbm>> -> memref<120x128xf32, #tpu.memory_space<hbm>>
      %dma_wait3A_81 = arith.constant 0 : i32
      %dma_wait3A_82 = tpu.memref_slice %arg6[%add3A_30, %dma_wait3A_81] : memref<464640x128xf32, #tpu.memory_space<hbm>> -> memref<120x128xf32, #tpu.memory_space<hbm>>
      tpu.wait_dma2 semaphore(%arg22 : memref<!tpu.dma_semaphore, #tpu.memory_space<semaphore_mem>>) src(%arg14 : memref<120x128xf32, #tpu.memory_space<vmem>>) dst(%dma_wait3A_82 : memref<120x128xf32, #tpu.memory_space<hbm>>)
      %dma_wait3A_83 = arith.constant 0 : i32
      %dma_wait3A_84 = tpu.memref_slice %arg7[%add3A_30, %dma_wait3A_83] : memref<464640x128xf32, #tpu.memory_space<hbm>> -> memref<120x128xf32, #tpu.memory_space<hbm>>
      %dma_wait3A_85 = arith.constant 0 : i32
      %dma_wait3A_86 = tpu.memref_slice %arg7[%add3A_30, %dma_wait3A_85] : memref<464640x128xf32, #tpu.memory_space<hbm>> -> memref<120x128xf32, #tpu.memory_space<hbm>>
      tpu.wait_dma2 semaphore(%arg23 : memref<!tpu.dma_semaphore, #tpu.memory_space<semaphore_mem>>) src(%arg15 : memref<120x128xf32, #tpu.memory_space<vmem>>) dst(%dma_wait3A_86 : memref<120x128xf32, #tpu.memory_space<hbm>>)
    }
    %scan3A_6 = arith.constant 60 : i32
    %add3A_7 = arith.constant 14400 : i32
    %add3A_8 = arith.addi %mul3A_2, %add3A_7 : i32
    "tpu.region"() ({
      %run_scoped3A = tpu.sem_alloc : memref<!tpu.dma_semaphore, #tpu.memory_space<semaphore_mem>>
      %dma_start3A_19 = tpu.memref_slice %arg4[%add3A_8] : memref<464640xi32, #tpu.memory_space<hbm>> -> memref<120xi32, #tpu.memory_space<hbm>>
      %dma_start3A_20 = tpu.memref_slice %arg4[%add3A_8] : memref<464640xi32, #tpu.memory_space<hbm>> -> memref<120xi32, #tpu.memory_space<hbm>>
      tpu.enqueue_dma source(%dma_start3A_20 : memref<120xi32, #tpu.memory_space<hbm>>) target(%arg8 : memref<120xi32, #tpu.memory_space<vmem>>) target_semaphore(%run_scoped3A : memref<!tpu.dma_semaphore, #tpu.memory_space<semaphore_mem>>)
      %dma_wait3A_21 = tpu.memref_slice %arg4[%add3A_8] : memref<464640xi32, #tpu.memory_space<hbm>> -> memref<120xi32, #tpu.memory_space<hbm>>
      %dma_wait3A_22 = tpu.memref_slice %arg4[%add3A_8] : memref<464640xi32, #tpu.memory_space<hbm>> -> memref<120xi32, #tpu.memory_space<hbm>>
      tpu.wait_dma2 semaphore(%run_scoped3A : memref<!tpu.dma_semaphore, #tpu.memory_space<semaphore_mem>>) src(%dma_wait3A_22 : memref<120xi32, #tpu.memory_space<hbm>>) dst(%arg8 : memref<120xi32, #tpu.memory_space<vmem>>)
      tpu.yield
    }) : () -> ()
    "tpu.region"() ({
      %run_scoped3A = tpu.sem_alloc : memref<!tpu.dma_semaphore, #tpu.memory_space<semaphore_mem>>
      %dma_start3A_19 = tpu.memref_slice %arg5[%add3A_8] : memref<464640xi32, #tpu.memory_space<hbm>> -> memref<120xi32, #tpu.memory_space<hbm>>
      %dma_start3A_20 = tpu.memref_slice %arg5[%add3A_8] : memref<464640xi32, #tpu.memory_space<hbm>> -> memref<120xi32, #tpu.memory_space<hbm>>
      tpu.enqueue_dma source(%dma_start3A_20 : memref<120xi32, #tpu.memory_space<hbm>>) target(%arg9 : memref<120xi32, #tpu.memory_space<vmem>>) target_semaphore(%run_scoped3A : memref<!tpu.dma_semaphore, #tpu.memory_space<semaphore_mem>>)
      %dma_wait3A_21 = tpu.memref_slice %arg5[%add3A_8] : memref<464640xi32, #tpu.memory_space<hbm>> -> memref<120xi32, #tpu.memory_space<hbm>>
      %dma_wait3A_22 = tpu.memref_slice %arg5[%add3A_8] : memref<464640xi32, #tpu.memory_space<hbm>> -> memref<120xi32, #tpu.memory_space<hbm>>
      tpu.wait_dma2 semaphore(%run_scoped3A : memref<!tpu.dma_semaphore, #tpu.memory_space<semaphore_mem>>) src(%dma_wait3A_22 : memref<120xi32, #tpu.memory_space<hbm>>) dst(%arg9 : memref<120xi32, #tpu.memory_space<vmem>>)
      tpu.yield
    }) : () -> ()
    %dma_start3A = arith.constant 0 : i32
    %dma_start3A_9 = arith.constant 0 : i32
    %dma_start3A_10 = tpu.memref_slice %arg2[%dma_start3A, %dma_start3A_9] : memref<29040x128xf32, #tpu.memory_space<hbm>> -> memref<29040x128xf32, #tpu.memory_space<hbm>>
    tpu.enqueue_indirect_dma source(%dma_start3A_10 : memref<29040x128xf32, #tpu.memory_space<hbm>>) target(%arg12 : memref<120x128xf32, #tpu.memory_space<vmem>>) offsets(%arg8 : memref<120xi32, #tpu.memory_space<vmem>>) semaphore(%arg16 : memref<!tpu.dma_semaphore, #tpu.memory_space<semaphore_mem>>)
    %dma_start3A_11 = arith.constant 0 : i32
    %dma_start3A_12 = arith.constant 0 : i32
    %dma_start3A_13 = tpu.memref_slice %arg3[%dma_start3A_11, %dma_start3A_12] : memref<29040x128xf32, #tpu.memory_space<hbm>> -> memref<29040x128xf32, #tpu.memory_space<hbm>>
    tpu.enqueue_indirect_dma source(%dma_start3A_13 : memref<29040x128xf32, #tpu.memory_space<hbm>>) target(%arg13 : memref<120x128xf32, #tpu.memory_space<vmem>>) offsets(%arg9 : memref<120xi32, #tpu.memory_space<vmem>>) semaphore(%arg17 : memref<!tpu.dma_semaphore, #tpu.memory_space<semaphore_mem>>)
    %dma_wait3A = arith.constant 0 : i32
    %dma_wait3A_14 = arith.constant 0 : i32
    %dma_wait3A_15 = tpu.memref_slice %arg2[%dma_wait3A, %dma_wait3A_14] : memref<29040x128xf32, #tpu.memory_space<hbm>> -> memref<29040x128xf32, #tpu.memory_space<hbm>>
    tpu.wait_indirect_dma semaphore(%arg16 : memref<!tpu.dma_semaphore, #tpu.memory_space<semaphore_mem>>) src(%dma_wait3A_15 : memref<29040x128xf32, #tpu.memory_space<hbm>>) dst(%arg12 : memref<120x128xf32, #tpu.memory_space<vmem>>)
    %dma_wait3A_16 = arith.constant 0 : i32
    %dma_wait3A_17 = arith.constant 0 : i32
    %dma_wait3A_18 = tpu.memref_slice %arg3[%dma_wait3A_16, %dma_wait3A_17] : memref<29040x128xf32, #tpu.memory_space<hbm>> -> memref<29040x128xf32, #tpu.memory_space<hbm>>
    tpu.wait_indirect_dma semaphore(%arg17 : memref<!tpu.dma_semaphore, #tpu.memory_space<semaphore_mem>>) src(%dma_wait3A_18 : memref<29040x128xf32, #tpu.memory_space<hbm>>) dst(%arg13 : memref<120x128xf32, #tpu.memory_space<vmem>>)
    "tpu.region"() ({
      %run_scoped3A = tpu.sem_alloc : memref<!tpu.dma_semaphore, #tpu.memory_space<semaphore_mem>>
      %dma_start3A_19 = arith.constant 0 : i32
      %dma_start3A_20 = tpu.memref_slice %arg6[%add3A_8, %dma_start3A_19] : memref<464640x128xf32, #tpu.memory_space<hbm>> -> memref<120x128xf32, #tpu.memory_space<hbm>>
      %dma_start3A_21 = arith.constant 0 : i32
      %dma_start3A_22 = tpu.memref_slice %arg6[%add3A_8, %dma_start3A_21] : memref<464640x128xf32, #tpu.memory_space<hbm>> -> memref<120x128xf32, #tpu.memory_space<hbm>>
      tpu.enqueue_dma source(%arg12 : memref<120x128xf32, #tpu.memory_space<vmem>>) target(%dma_start3A_22 : memref<120x128xf32, #tpu.memory_space<hbm>>) target_semaphore(%run_scoped3A : memref<!tpu.dma_semaphore, #tpu.memory_space<semaphore_mem>>)
      %dma_wait3A_23 = arith.constant 0 : i32
      %dma_wait3A_24 = tpu.memref_slice %arg6[%add3A_8, %dma_wait3A_23] : memref<464640x128xf32, #tpu.memory_space<hbm>> -> memref<120x128xf32, #tpu.memory_space<hbm>>
      %dma_wait3A_25 = arith.constant 0 : i32
      %dma_wait3A_26 = tpu.memref_slice %arg6[%add3A_8, %dma_wait3A_25] : memref<464640x128xf32, #tpu.memory_space<hbm>> -> memref<120x128xf32, #tpu.memory_space<hbm>>
      tpu.wait_dma2 semaphore(%run_scoped3A : memref<!tpu.dma_semaphore, #tpu.memory_space<semaphore_mem>>) src(%arg12 : memref<120x128xf32, #tpu.memory_space<vmem>>) dst(%dma_wait3A_26 : memref<120x128xf32, #tpu.memory_space<hbm>>)
      tpu.yield
    }) : () -> ()
    "tpu.region"() ({
      %run_scoped3A = tpu.sem_alloc : memref<!tpu.dma_semaphore, #tpu.memory_space<semaphore_mem>>
      %dma_start3A_19 = arith.constant 0 : i32
      %dma_start3A_20 = tpu.memref_slice %arg7[%add3A_8, %dma_start3A_19] : memref<464640x128xf32, #tpu.memory_space<hbm>> -> memref<120x128xf32, #tpu.memory_space<hbm>>
      %dma_start3A_21 = arith.constant 0 : i32
      %dma_start3A_22 = tpu.memref_slice %arg7[%add3A_8, %dma_start3A_21] : memref<464640x128xf32, #tpu.memory_space<hbm>> -> memref<120x128xf32, #tpu.memory_space<hbm>>
      tpu.enqueue_dma source(%arg13 : memref<120x128xf32, #tpu.memory_space<vmem>>) target(%dma_start3A_22 : memref<120x128xf32, #tpu.memory_space<hbm>>) target_semaphore(%run_scoped3A : memref<!tpu.dma_semaphore, #tpu.memory_space<semaphore_mem>>)
      %dma_wait3A_23 = arith.constant 0 : i32
      %dma_wait3A_24 = tpu.memref_slice %arg7[%add3A_8, %dma_wait3A_23] : memref<464640x128xf32, #tpu.memory_space<hbm>> -> memref<120x128xf32, #tpu.memory_space<hbm>>
      %dma_wait3A_25 = arith.constant 0 : i32
      %dma_wait3A_26 = tpu.memref_slice %arg7[%add3A_8, %dma_wait3A_25] : memref<464640x128xf32, #tpu.memory_space<hbm>> -> memref<120x128xf32, #tpu.memory_space<hbm>>
      tpu.wait_dma2 semaphore(%run_scoped3A : memref<!tpu.dma_semaphore, #tpu.memory_space<semaphore_mem>>) src(%arg13 : memref<120x128xf32, #tpu.memory_space<vmem>>) dst(%dma_wait3A_26 : memref<120x128xf32, #tpu.memory_space<hbm>>)
      tpu.yield
    }) : () -> ()
    return
  }
}

#map = affine_map<(d0, d1) -> (0, 0)>
#map1 = affine_map<(d0, d1) -> (0)>
module attributes {stable_mosaic.version = 14 : i64} {
  func.func @k(%arg0: i32, %arg1: i32, %arg2: memref<29040x128xf32, #tpu.memory_space<hbm>>, %arg3: memref<29040x128xf32, #tpu.memory_space<hbm>>, %arg4: memref<464640xi32, #tpu.memory_space<hbm>>, %arg5: memref<464640xi32, #tpu.memory_space<hbm>>, %arg6: memref<464640x128xf32, #tpu.memory_space<hbm>>, %arg7: memref<464640x128xf32, #tpu.memory_space<hbm>>, %arg8: memref<120xi32, #tpu.memory_space<vmem>>, %arg9: memref<120xi32, #tpu.memory_space<vmem>>, %arg10: memref<120xi32, #tpu.memory_space<vmem>>, %arg11: memref<120xi32, #tpu.memory_space<vmem>>, %arg12: memref<120x128xf32, #tpu.memory_space<vmem>>, %arg13: memref<120x128xf32, #tpu.memory_space<vmem>>, %arg14: memref<120x128xf32, #tpu.memory_space<vmem>>, %arg15: memref<120x128xf32, #tpu.memory_space<vmem>>, %arg16: memref<!tpu.dma_semaphore, #tpu.memory_space<semaphore_mem>>, %arg17: memref<!tpu.dma_semaphore, #tpu.memory_space<semaphore_mem>>, %arg18: memref<!tpu.dma_semaphore, #tpu.memory_space<semaphore_mem>>, %arg19: memref<!tpu.dma_semaphore, #tpu.memory_space<semaphore_mem>>, %arg20: memref<!tpu.dma_semaphore, #tpu.memory_space<semaphore_mem>>, %arg21: memref<!tpu.dma_semaphore, #tpu.memory_space<semaphore_mem>>, %arg22: memref<!tpu.dma_semaphore, #tpu.memory_space<semaphore_mem>>, %arg23: memref<!tpu.dma_semaphore, #tpu.memory_space<semaphore_mem>>) attributes {dimension_semantics = [#tpu.dimension_semantics<core_parallel>, #tpu.dimension_semantics<subcore_parallel>], iteration_bounds = array<i64: 2, 16>, scalar_prefetch = 0 : i64, scratch_operands = 16 : i64, tpu.core_type = #tpu.core_type<sc_vector_subcore>, window_params = [{transform_indices = #map}, {transform_indices = #map}, {transform_indices = #map1}, {transform_indices = #map1}, {transform_indices = #map}, {transform_indices = #map}]} {
    %mul3A = arith.constant 2 : i32
    %mul3A_0 = arith.muli %arg1, %mul3A : i32
    %add3A = arith.addi %mul3A_0, %arg0 : i32
    %mul3A_1 = arith.constant 14520 : i32
    %mul3A_2 = arith.muli %add3A, %mul3A_1 : i32
    %scan3A = arith.constant 0 : i32
    %scan3A_3 = arith.constant 60 : i32
    %scan3A_4 = arith.addi %scan3A, %scan3A_3 : i32
    %scan3A_5 = arith.constant 1 : i32
    scf.for %scan3A_19 = %scan3A to %scan3A_4 step %scan3A_5  : i32 {
      %mul3A_20 = arith.constant 1 : i32
      %mul3A_21 = arith.muli %scan3A_19, %mul3A_20 : i32
      %add3A_22 = arith.constant 0 : i32
      %add3A_23 = arith.addi %add3A_22, %mul3A_21 : i32
      %mul3A_24 = arith.constant 2 : i32
      %mul3A_25 = arith.muli %mul3A_24, %add3A_23 : i32
      %mul3A_26 = arith.constant 120 : i32
      %mul3A_27 = arith.muli %mul3A_25, %mul3A_26 : i32
      %add3A_28 = arith.addi %mul3A_2, %mul3A_27 : i32
      %add3A_29 = arith.constant 120 : i32
      %add3A_30 = arith.addi %add3A_28, %add3A_29 : i32
      "tpu.region"() ({
        %run_scoped3A = tpu.sem_alloc : memref<!tpu.dma_semaphore, #tpu.memory_space<semaphore_mem>>
        %dma_start3A_87 = tpu.memref_slice %arg4[%add3A_28] : memref<464640xi32, #tpu.memory_space<hbm>> -> memref<120xi32, #tpu.memory_space<hbm>>
        %dma_start3A_88 = tpu.memref_slice %arg4[%add3A_28] : memref<464640xi32, #tpu.memory_space<hbm>> -> memref<120xi32, #tpu.memory_space<hbm>>
        tpu.enqueue_dma source(%dma_start3A_88 : memref<120xi32, #tpu.memory_space<hbm>>) target(%arg8 : memref<120xi32, #tpu.memory_space<vmem>>) target_semaphore(%run_scoped3A : memref<!tpu.dma_semaphore, #tpu.memory_space<semaphore_mem>>)
        %dma_wait3A_89 = tpu.memref_slice %arg4[%add3A_28] : memref<464640xi32, #tpu.memory_space<hbm>> -> memref<120xi32, #tpu.memory_space<hbm>>
        %dma_wait3A_90 = tpu.memref_slice %arg4[%add3A_28] : memref<464640xi32, #tpu.memory_space<hbm>> -> memref<120xi32, #tpu.memory_space<hbm>>
        tpu.wait_dma2 semaphore(%run_scoped3A : memref<!tpu.dma_semaphore, #tpu.memory_space<semaphore_mem>>) src(%dma_wait3A_90 : memref<120xi32, #tpu.memory_space<hbm>>) dst(%arg8 : memref<120xi32, #tpu.memory_space<vmem>>)
        tpu.yield
      }) : () -> ()
      "tpu.region"() ({
        %run_scoped3A = tpu.sem_alloc : memref<!tpu.dma_semaphore, #tpu.memory_space<semaphore_mem>>
        %dma_start3A_87 = tpu.memref_slice %arg5[%add3A_28] : memref<464640xi32, #tpu.memory_space<hbm>> -> memref<120xi32, #tpu.memory_space<hbm>>
        %dma_start3A_88 = tpu.memref_slice %arg5[%add3A_28] : memref<464640xi32, #tpu.memory_space<hbm>> -> memref<120xi32, #tpu.memory_space<hbm>>
        tpu.enqueue_dma source(%dma_start3A_88 : memref<120xi32, #tpu.memory_space<hbm>>) target(%arg9 : memref<120xi32, #tpu.memory_space<vmem>>) target_semaphore(%run_scoped3A : memref<!tpu.dma_semaphore, #tpu.memory_space<semaphore_mem>>)
        %dma_wait3A_89 = tpu.memref_slice %arg5[%add3A_28] : memref<464640xi32, #tpu.memory_space<hbm>> -> memref<120xi32, #tpu.memory_space<hbm>>
        %dma_wait3A_90 = tpu.memref_slice %arg5[%add3A_28] : memref<464640xi32, #tpu.memory_space<hbm>> -> memref<120xi32, #tpu.memory_space<hbm>>
        tpu.wait_dma2 semaphore(%run_scoped3A : memref<!tpu.dma_semaphore, #tpu.memory_space<semaphore_mem>>) src(%dma_wait3A_90 : memref<120xi32, #tpu.memory_space<hbm>>) dst(%arg9 : memref<120xi32, #tpu.memory_space<vmem>>)
        tpu.yield
      }) : () -> ()
      %dma_start3A_31 = arith.constant 0 : i32
      %dma_start3A_32 = arith.constant 0 : i32
      %dma_start3A_33 = tpu.memref_slice %arg2[%dma_start3A_31, %dma_start3A_32] : memref<29040x128xf32, #tpu.memory_space<hbm>> -> memref<29040x128xf32, #tpu.memory_space<hbm>>
      tpu.enqueue_indirect_dma source(%dma_start3A_33 : memref<29040x128xf32, #tpu.memory_space<hbm>>) target(%arg12 : memref<120x128xf32, #tpu.memory_space<vmem>>) offsets(%arg8 : memref<120xi32, #tpu.memory_space<vmem>>) semaphore(%arg16 : memref<!tpu.dma_semaphore, #tpu.memory_space<semaphore_mem>>)
      %dma_start3A_34 = arith.constant 0 : i32
      %dma_start3A_35 = arith.constant 0 : i32
      %dma_start3A_36 = tpu.memref_slice %arg3[%dma_start3A_34, %dma_start3A_35] : memref<29040x128xf32, #tpu.memory_space<hbm>> -> memref<29040x128xf32, #tpu.memory_space<hbm>>
      tpu.enqueue_indirect_dma source(%dma_start3A_36 : memref<29040x128xf32, #tpu.memory_space<hbm>>) target(%arg13 : memref<120x128xf32, #tpu.memory_space<vmem>>) offsets(%arg9 : memref<120xi32, #tpu.memory_space<vmem>>) semaphore(%arg17 : memref<!tpu.dma_semaphore, #tpu.memory_space<semaphore_mem>>)
      "tpu.region"() ({
        %run_scoped3A = tpu.sem_alloc : memref<!tpu.dma_semaphore, #tpu.memory_space<semaphore_mem>>
        %dma_start3A_87 = tpu.memref_slice %arg4[%add3A_30] : memref<464640xi32, #tpu.memory_space<hbm>> -> memref<120xi32, #tpu.memory_space<hbm>>
        %dma_start3A_88 = tpu.memref_slice %arg4[%add3A_30] : memref<464640xi32, #tpu.memory_space<hbm>> -> memref<120xi32, #tpu.memory_space<hbm>>
        tpu.enqueue_dma source(%dma_start3A_88 : memref<120xi32, #tpu.memory_space<hbm>>) target(%arg10 : memref<120xi32, #tpu.memory_space<vmem>>) target_semaphore(%run_scoped3A : memref<!tpu.dma_semaphore, #tpu.memory_space<semaphore_mem>>)
        %dma_wait3A_89 = tpu.memref_slice %arg4[%add3A_30] : memref<464640xi32, #tpu.memory_space<hbm>> -> memref<120xi32, #tpu.memory_space<hbm>>
        %dma_wait3A_90 = tpu.memref_slice %arg4[%add3A_30] : memref<464640xi32, #tpu.memory_space<hbm>> -> memref<120xi32, #tpu.memory_space<hbm>>
        tpu.wait_dma2 semaphore(%run_scoped3A : memref<!tpu.dma_semaphore, #tpu.memory_space<semaphore_mem>>) src(%dma_wait3A_90 : memref<120xi32, #tpu.memory_space<hbm>>) dst(%arg10 : memref<120xi32, #tpu.memory_space<vmem>>)
        tpu.yield
      }) : () -> ()
      "tpu.region"() ({
        %run_scoped3A = tpu.sem_alloc : memref<!tpu.dma_semaphore, #tpu.memory_space<semaphore_mem>>
        %dma_start3A_87 = tpu.memref_slice %arg5[%add3A_30] : memref<464640xi32, #tpu.memory_space<hbm>> -> memref<120xi32, #tpu.memory_space<hbm>>
        %dma_start3A_88 = tpu.memref_slice %arg5[%add3A_30] : memref<464640xi32, #tpu.memory_space<hbm>> -> memref<120xi32, #tpu.memory_space<hbm>>
        tpu.enqueue_dma source(%dma_start3A_88 : memref<120xi32, #tpu.memory_space<hbm>>) target(%arg11 : memref<120xi32, #tpu.memory_space<vmem>>) target_semaphore(%run_scoped3A : memref<!tpu.dma_semaphore, #tpu.memory_space<semaphore_mem>>)
        %dma_wait3A_89 = tpu.memref_slice %arg5[%add3A_30] : memref<464640xi32, #tpu.memory_space<hbm>> -> memref<120xi32, #tpu.memory_space<hbm>>
        %dma_wait3A_90 = tpu.memref_slice %arg5[%add3A_30] : memref<464640xi32, #tpu.memory_space<hbm>> -> memref<120xi32, #tpu.memory_space<hbm>>
        tpu.wait_dma2 semaphore(%run_scoped3A : memref<!tpu.dma_semaphore, #tpu.memory_space<semaphore_mem>>) src(%dma_wait3A_90 : memref<120xi32, #tpu.memory_space<hbm>>) dst(%arg11 : memref<120xi32, #tpu.memory_space<vmem>>)
        tpu.yield
      }) : () -> ()
      %dma_start3A_37 = arith.constant 0 : i32
      %dma_start3A_38 = arith.constant 0 : i32
      %dma_start3A_39 = tpu.memref_slice %arg2[%dma_start3A_37, %dma_start3A_38] : memref<29040x128xf32, #tpu.memory_space<hbm>> -> memref<29040x128xf32, #tpu.memory_space<hbm>>
      tpu.enqueue_indirect_dma source(%dma_start3A_39 : memref<29040x128xf32, #tpu.memory_space<hbm>>) target(%arg14 : memref<120x128xf32, #tpu.memory_space<vmem>>) offsets(%arg10 : memref<120xi32, #tpu.memory_space<vmem>>) semaphore(%arg18 : memref<!tpu.dma_semaphore, #tpu.memory_space<semaphore_mem>>)
      %dma_start3A_40 = arith.constant 0 : i32
      %dma_start3A_41 = arith.constant 0 : i32
      %dma_start3A_42 = tpu.memref_slice %arg3[%dma_start3A_40, %dma_start3A_41] : memref<29040x128xf32, #tpu.memory_space<hbm>> -> memref<29040x128xf32, #tpu.memory_space<hbm>>
      tpu.enqueue_indirect_dma source(%dma_start3A_42 : memref<29040x128xf32, #tpu.memory_space<hbm>>) target(%arg15 : memref<120x128xf32, #tpu.memory_space<vmem>>) offsets(%arg11 : memref<120xi32, #tpu.memory_space<vmem>>) semaphore(%arg19 : memref<!tpu.dma_semaphore, #tpu.memory_space<semaphore_mem>>)
      %dma_wait3A_43 = arith.constant 0 : i32
      %dma_wait3A_44 = arith.constant 0 : i32
      %dma_wait3A_45 = tpu.memref_slice %arg2[%dma_wait3A_43, %dma_wait3A_44] : memref<29040x128xf32, #tpu.memory_space<hbm>> -> memref<29040x128xf32, #tpu.memory_space<hbm>>
      tpu.wait_indirect_dma semaphore(%arg16 : memref<!tpu.dma_semaphore, #tpu.memory_space<semaphore_mem>>) src(%dma_wait3A_45 : memref<29040x128xf32, #tpu.memory_space<hbm>>) dst(%arg12 : memref<120x128xf32, #tpu.memory_space<vmem>>)
      %dma_wait3A_46 = arith.constant 0 : i32
      %dma_wait3A_47 = arith.constant 0 : i32
      %dma_wait3A_48 = tpu.memref_slice %arg3[%dma_wait3A_46, %dma_wait3A_47] : memref<29040x128xf32, #tpu.memory_space<hbm>> -> memref<29040x128xf32, #tpu.memory_space<hbm>>
      tpu.wait_indirect_dma semaphore(%arg17 : memref<!tpu.dma_semaphore, #tpu.memory_space<semaphore_mem>>) src(%dma_wait3A_48 : memref<29040x128xf32, #tpu.memory_space<hbm>>) dst(%arg13 : memref<120x128xf32, #tpu.memory_space<vmem>>)
      %dma_start3A_49 = arith.constant 0 : i32
      %dma_start3A_50 = tpu.memref_slice %arg6[%add3A_28, %dma_start3A_49] : memref<464640x128xf32, #tpu.memory_space<hbm>> -> memref<120x128xf32, #tpu.memory_space<hbm>>
      %dma_start3A_51 = arith.constant 0 : i32
      %dma_start3A_52 = tpu.memref_slice %arg6[%add3A_28, %dma_start3A_51] : memref<464640x128xf32, #tpu.memory_space<hbm>> -> memref<120x128xf32, #tpu.memory_space<hbm>>
      tpu.enqueue_dma source(%arg12 : memref<120x128xf32, #tpu.memory_space<vmem>>) target(%dma_start3A_52 : memref<120x128xf32, #tpu.memory_space<hbm>>) target_semaphore(%arg20 : memref<!tpu.dma_semaphore, #tpu.memory_space<semaphore_mem>>)
      %dma_start3A_53 = arith.constant 0 : i32
      %dma_start3A_54 = tpu.memref_slice %arg7[%add3A_28, %dma_start3A_53] : memref<464640x128xf32, #tpu.memory_space<hbm>> -> memref<120x128xf32, #tpu.memory_space<hbm>>
      %dma_start3A_55 = arith.constant 0 : i32
      %dma_start3A_56 = tpu.memref_slice %arg7[%add3A_28, %dma_start3A_55] : memref<464640x128xf32, #tpu.memory_space<hbm>> -> memref<120x128xf32, #tpu.memory_space<hbm>>
      tpu.enqueue_dma source(%arg13 : memref<120x128xf32, #tpu.memory_space<vmem>>) target(%dma_start3A_56 : memref<120x128xf32, #tpu.memory_space<hbm>>) target_semaphore(%arg21 : memref<!tpu.dma_semaphore, #tpu.memory_space<semaphore_mem>>)
      %dma_wait3A_57 = arith.constant 0 : i32
      %dma_wait3A_58 = arith.constant 0 : i32
      %dma_wait3A_59 = tpu.memref_slice %arg2[%dma_wait3A_57, %dma_wait3A_58] : memref<29040x128xf32, #tpu.memory_space<hbm>> -> memref<29040x128xf32, #tpu.memory_space<hbm>>
      tpu.wait_indirect_dma semaphore(%arg18 : memref<!tpu.dma_semaphore, #tpu.memory_space<semaphore_mem>>) src(%dma_wait3A_59 : memref<29040x128xf32, #tpu.memory_space<hbm>>) dst(%arg14 : memref<120x128xf32, #tpu.memory_space<vmem>>)
      %dma_wait3A_60 = arith.constant 0 : i32
      %dma_wait3A_61 = arith.constant 0 : i32
      %dma_wait3A_62 = tpu.memref_slice %arg3[%dma_wait3A_60, %dma_wait3A_61] : memref<29040x128xf32, #tpu.memory_space<hbm>> -> memref<29040x128xf32, #tpu.memory_space<hbm>>
      tpu.wait_indirect_dma semaphore(%arg19 : memref<!tpu.dma_semaphore, #tpu.memory_space<semaphore_mem>>) src(%dma_wait3A_62 : memref<29040x128xf32, #tpu.memory_space<hbm>>) dst(%arg15 : memref<120x128xf32, #tpu.memory_space<vmem>>)
      %dma_start3A_63 = arith.constant 0 : i32
      %dma_start3A_64 = tpu.memref_slice %arg6[%add3A_30, %dma_start3A_63] : memref<464640x128xf32, #tpu.memory_space<hbm>> -> memref<120x128xf32, #tpu.memory_space<hbm>>
      %dma_start3A_65 = arith.constant 0 : i32
      %dma_start3A_66 = tpu.memref_slice %arg6[%add3A_30, %dma_start3A_65] : memref<464640x128xf32, #tpu.memory_space<hbm>> -> memref<120x128xf32, #tpu.memory_space<hbm>>
      tpu.enqueue_dma source(%arg14 : memref<120x128xf32, #tpu.memory_space<vmem>>) target(%dma_start3A_66 : memref<120x128xf32, #tpu.memory_space<hbm>>) target_semaphore(%arg22 : memref<!tpu.dma_semaphore, #tpu.memory_space<semaphore_mem>>)
      %dma_start3A_67 = arith.constant 0 : i32
      %dma_start3A_68 = tpu.memref_slice %arg7[%add3A_30, %dma_start3A_67] : memref<464640x128xf32, #tpu.memory_space<hbm>> -> memref<120x128xf32, #tpu.memory_space<hbm>>
      %dma_start3A_69 = arith.constant 0 : i32
      %dma_start3A_70 = tpu.memref_slice %arg7[%add3A_30, %dma_start3A_69] : memref<464640x128xf32, #tpu.memory_space<hbm>> -> memref<120x128xf32, #tpu.memory_space<hbm>>
      tpu.enqueue_dma source(%arg15 : memref<120x128xf32, #tpu.memory_space<vmem>>) target(%dma_start3A_70 : memref<120x128xf32, #tpu.memory_space<hbm>>) target_semaphore(%arg23 : memref<!tpu.dma_semaphore, #tpu.memory_space<semaphore_mem>>)
      %dma_wait3A_71 = arith.constant 0 : i32
      %dma_wait3A_72 = tpu.memref_slice %arg6[%add3A_28, %dma_wait3A_71] : memref<464640x128xf32, #tpu.memory_space<hbm>> -> memref<120x128xf32, #tpu.memory_space<hbm>>
      %dma_wait3A_73 = arith.constant 0 : i32
      %dma_wait3A_74 = tpu.memref_slice %arg6[%add3A_28, %dma_wait3A_73] : memref<464640x128xf32, #tpu.memory_space<hbm>> -> memref<120x128xf32, #tpu.memory_space<hbm>>
      tpu.wait_dma2 semaphore(%arg20 : memref<!tpu.dma_semaphore, #tpu.memory_space<semaphore_mem>>) src(%arg12 : memref<120x128xf32, #tpu.memory_space<vmem>>) dst(%dma_wait3A_74 : memref<120x128xf32, #tpu.memory_space<hbm>>)
      %dma_wait3A_75 = arith.constant 0 : i32
      %dma_wait3A_76 = tpu.memref_slice %arg7[%add3A_28, %dma_wait3A_75] : memref<464640x128xf32, #tpu.memory_space<hbm>> -> memref<120x128xf32, #tpu.memory_space<hbm>>
      %dma_wait3A_77 = arith.constant 0 : i32
      %dma_wait3A_78 = tpu.memref_slice %arg7[%add3A_28, %dma_wait3A_77] : memref<464640x128xf32, #tpu.memory_space<hbm>> -> memref<120x128xf32, #tpu.memory_space<hbm>>
      tpu.wait_dma2 semaphore(%arg21 : memref<!tpu.dma_semaphore, #tpu.memory_space<semaphore_mem>>) src(%arg13 : memref<120x128xf32, #tpu.memory_space<vmem>>) dst(%dma_wait3A_78 : memref<120x128xf32, #tpu.memory_space<hbm>>)
      %dma_wait3A_79 = arith.constant 0 : i32
      %dma_wait3A_80 = tpu.memref_slice %arg6[%add3A_30, %dma_wait3A_79] : memref<464640x128xf32, #tpu.memory_space<hbm>> -> memref<120x128xf32, #tpu.memory_space<hbm>>
      %dma_wait3A_81 = arith.constant 0 : i32
      %dma_wait3A_82 = tpu.memref_slice %arg6[%add3A_30, %dma_wait3A_81] : memref<464640x128xf32, #tpu.memory_space<hbm>> -> memref<120x128xf32, #tpu.memory_space<hbm>>
      tpu.wait_dma2 semaphore(%arg22 : memref<!tpu.dma_semaphore, #tpu.memory_space<semaphore_mem>>) src(%arg14 : memref<120x128xf32, #tpu.memory_space<vmem>>) dst(%dma_wait3A_82 : memref<120x128xf32, #tpu.memory_space<hbm>>)
      %dma_wait3A_83 = arith.constant 0 : i32
      %dma_wait3A_84 = tpu.memref_slice %arg7[%add3A_30, %dma_wait3A_83] : memref<464640x128xf32, #tpu.memory_space<hbm>> -> memref<120x128xf32, #tpu.memory_space<hbm>>
      %dma_wait3A_85 = arith.constant 0 : i32
      %dma_wait3A_86 = tpu.memref_slice %arg7[%add3A_30, %dma_wait3A_85] : memref<464640x128xf32, #tpu.memory_space<hbm>> -> memref<120x128xf32, #tpu.memory_space<hbm>>
      tpu.wait_dma2 semaphore(%arg23 : memref<!tpu.dma_semaphore, #tpu.memory_space<semaphore_mem>>) src(%arg15 : memref<120x128xf32, #tpu.memory_space<vmem>>) dst(%dma_wait3A_86 : memref<120x128xf32, #tpu.memory_space<hbm>>)
    }
    %scan3A_6 = arith.constant 60 : i32
    %add3A_7 = arith.constant 14400 : i32
    %add3A_8 = arith.addi %mul3A_2, %add3A_7 : i32
    "tpu.region"() ({
      %run_scoped3A = tpu.sem_alloc : memref<!tpu.dma_semaphore, #tpu.memory_space<semaphore_mem>>
      %dma_start3A_19 = tpu.memref_slice %arg4[%add3A_8] : memref<464640xi32, #tpu.memory_space<hbm>> -> memref<120xi32, #tpu.memory_space<hbm>>
      %dma_start3A_20 = tpu.memref_slice %arg4[%add3A_8] : memref<464640xi32, #tpu.memory_space<hbm>> -> memref<120xi32, #tpu.memory_space<hbm>>
      tpu.enqueue_dma source(%dma_start3A_20 : memref<120xi32, #tpu.memory_space<hbm>>) target(%arg8 : memref<120xi32, #tpu.memory_space<vmem>>) target_semaphore(%run_scoped3A : memref<!tpu.dma_semaphore, #tpu.memory_space<semaphore_mem>>)
      %dma_wait3A_21 = tpu.memref_slice %arg4[%add3A_8] : memref<464640xi32, #tpu.memory_space<hbm>> -> memref<120xi32, #tpu.memory_space<hbm>>
      %dma_wait3A_22 = tpu.memref_slice %arg4[%add3A_8] : memref<464640xi32, #tpu.memory_space<hbm>> -> memref<120xi32, #tpu.memory_space<hbm>>
      tpu.wait_dma2 semaphore(%run_scoped3A : memref<!tpu.dma_semaphore, #tpu.memory_space<semaphore_mem>>) src(%dma_wait3A_22 : memref<120xi32, #tpu.memory_space<hbm>>) dst(%arg8 : memref<120xi32, #tpu.memory_space<vmem>>)
      tpu.yield
    }) : () -> ()
    "tpu.region"() ({
      %run_scoped3A = tpu.sem_alloc : memref<!tpu.dma_semaphore, #tpu.memory_space<semaphore_mem>>
      %dma_start3A_19 = tpu.memref_slice %arg5[%add3A_8] : memref<464640xi32, #tpu.memory_space<hbm>> -> memref<120xi32, #tpu.memory_space<hbm>>
      %dma_start3A_20 = tpu.memref_slice %arg5[%add3A_8] : memref<464640xi32, #tpu.memory_space<hbm>> -> memref<120xi32, #tpu.memory_space<hbm>>
      tpu.enqueue_dma source(%dma_start3A_20 : memref<120xi32, #tpu.memory_space<hbm>>) target(%arg9 : memref<120xi32, #tpu.memory_space<vmem>>) target_semaphore(%run_scoped3A : memref<!tpu.dma_semaphore, #tpu.memory_space<semaphore_mem>>)
      %dma_wait3A_21 = tpu.memref_slice %arg5[%add3A_8] : memref<464640xi32, #tpu.memory_space<hbm>> -> memref<120xi32, #tpu.memory_space<hbm>>
      %dma_wait3A_22 = tpu.memref_slice %arg5[%add3A_8] : memref<464640xi32, #tpu.memory_space<hbm>> -> memref<120xi32, #tpu.memory_space<hbm>>
      tpu.wait_dma2 semaphore(%run_scoped3A : memref<!tpu.dma_semaphore, #tpu.memory_space<semaphore_mem>>) src(%dma_wait3A_22 : memref<120xi32, #tpu.memory_space<hbm>>) dst(%arg9 : memref<120xi32, #tpu.memory_space<vmem>>)
      tpu.yield
    }) : () -> ()
    %dma_start3A = arith.constant 0 : i32
    %dma_start3A_9 = arith.constant 0 : i32
    %dma_start3A_10 = tpu.memref_slice %arg2[%dma_start3A, %dma_start3A_9] : memref<29040x128xf32, #tpu.memory_space<hbm>> -> memref<29040x128xf32, #tpu.memory_space<hbm>>
    tpu.enqueue_indirect_dma source(%dma_start3A_10 : memref<29040x128xf32, #tpu.memory_space<hbm>>) target(%arg12 : memref<120x128xf32, #tpu.memory_space<vmem>>) offsets(%arg8 : memref<120xi32, #tpu.memory_space<vmem>>) semaphore(%arg16 : memref<!tpu.dma_semaphore, #tpu.memory_space<semaphore_mem>>)
    %dma_start3A_11 = arith.constant 0 : i32
    %dma_start3A_12 = arith.constant 0 : i32
    %dma_start3A_13 = tpu.memref_slice %arg3[%dma_start3A_11, %dma_start3A_12] : memref<29040x128xf32, #tpu.memory_space<hbm>> -> memref<29040x128xf32, #tpu.memory_space<hbm>>
    tpu.enqueue_indirect_dma source(%dma_start3A_13 : memref<29040x128xf32, #tpu.memory_space<hbm>>) target(%arg13 : memref<120x128xf32, #tpu.memory_space<vmem>>) offsets(%arg9 : memref<120xi32, #tpu.memory_space<vmem>>) semaphore(%arg17 : memref<!tpu.dma_semaphore, #tpu.memory_space<semaphore_mem>>)
    %dma_wait3A = arith.constant 0 : i32
    %dma_wait3A_14 = arith.constant 0 : i32
    %dma_wait3A_15 = tpu.memref_slice %arg2[%dma_wait3A, %dma_wait3A_14] : memref<29040x128xf32, #tpu.memory_space<hbm>> -> memref<29040x128xf32, #tpu.memory_space<hbm>>
    tpu.wait_indirect_dma semaphore(%arg16 : memref<!tpu.dma_semaphore, #tpu.memory_space<semaphore_mem>>) src(%dma_wait3A_15 : memref<29040x128xf32, #tpu.memory_space<hbm>>) dst(%arg12 : memref<120x128xf32, #tpu.memory_space<vmem>>)
    %dma_wait3A_16 = arith.constant 0 : i32
    %dma_wait3A_17 = arith.constant 0 : i32
    %dma_wait3A_18 = tpu.memref_slice %arg3[%dma_wait3A_16, %dma_wait3A_17] : memref<29040x128xf32, #tpu.memory_space<hbm>> -> memref<29040x128xf32, #tpu.memory_space<hbm>>
    tpu.wait_indirect_dma semaphore(%arg17 : memref<!tpu.dma_semaphore, #tpu.memory_space<semaphore_mem>>) src(%dma_wait3A_18 : memref<29040x128xf32, #tpu.memory_space<hbm>>) dst(%arg13 : memref<120x128xf32, #tpu.memory_space<vmem>>)
    "tpu.region"() ({
      %run_scoped3A = tpu.sem_alloc : memref<!tpu.dma_semaphore, #tpu.memory_space<semaphore_mem>>
      %dma_start3A_19 = arith.constant 0 : i32
      %dma_start3A_20 = tpu.memref_slice %arg6[%add3A_8, %dma_start3A_19] : memref<464640x128xf32, #tpu.memory_space<hbm>> -> memref<120x128xf32, #tpu.memory_space<hbm>>
      %dma_start3A_21 = arith.constant 0 : i32
      %dma_start3A_22 = tpu.memref_slice %arg6[%add3A_8, %dma_start3A_21] : memref<464640x128xf32, #tpu.memory_space<hbm>> -> memref<120x128xf32, #tpu.memory_space<hbm>>
      tpu.enqueue_dma source(%arg12 : memref<120x128xf32, #tpu.memory_space<vmem>>) target(%dma_start3A_22 : memref<120x128xf32, #tpu.memory_space<hbm>>) target_semaphore(%run_scoped3A : memref<!tpu.dma_semaphore, #tpu.memory_space<semaphore_mem>>)
      %dma_wait3A_23 = arith.constant 0 : i32
      %dma_wait3A_24 = tpu.memref_slice %arg6[%add3A_8, %dma_wait3A_23] : memref<464640x128xf32, #tpu.memory_space<hbm>> -> memref<120x128xf32, #tpu.memory_space<hbm>>
      %dma_wait3A_25 = arith.constant 0 : i32
      %dma_wait3A_26 = tpu.memref_slice %arg6[%add3A_8, %dma_wait3A_25] : memref<464640x128xf32, #tpu.memory_space<hbm>> -> memref<120x128xf32, #tpu.memory_space<hbm>>
      tpu.wait_dma2 semaphore(%run_scoped3A : memref<!tpu.dma_semaphore, #tpu.memory_space<semaphore_mem>>) src(%arg12 : memref<120x128xf32, #tpu.memory_space<vmem>>) dst(%dma_wait3A_26 : memref<120x128xf32, #tpu.memory_space<hbm>>)
      tpu.yield
    }) : () -> ()
    "tpu.region"() ({
      %run_scoped3A = tpu.sem_alloc : memref<!tpu.dma_semaphore, #tpu.memory_space<semaphore_mem>>
      %dma_start3A_19 = arith.constant 0 : i32
      %dma_start3A_20 = tpu.memref_slice %arg7[%add3A_8, %dma_start3A_19] : memref<464640x128xf32, #tpu.memory_space<hbm>> -> memref<120x128xf32, #tpu.memory_space<hbm>>
      %dma_start3A_21 = arith.constant 0 : i32
      %dma_start3A_22 = tpu.memref_slice %arg7[%add3A_8, %dma_start3A_21] : memref<464640x128xf32, #tpu.memory_space<hbm>> -> memref<120x128xf32, #tpu.memory_space<hbm>>
      tpu.enqueue_dma source(%arg13 : memref<120x128xf32, #tpu.memory_space<vmem>>) target(%dma_start3A_22 : memref<120x128xf32, #tpu.memory_space<hbm>>) target_semaphore(%run_scoped3A : memref<!tpu.dma_semaphore, #tpu.memory_space<semaphore_mem>>)
      %dma_wait3A_23 = arith.constant 0 : i32
      %dma_wait3A_24 = tpu.memref_slice %arg7[%add3A_8, %dma_wait3A_23] : memref<464640x128xf32, #tpu.memory_space<hbm>> -> memref<120x128xf32, #tpu.memory_space<hbm>>
      %dma_wait3A_25 = arith.constant 0 : i32
      %dma_wait3A_26 = tpu.memref_slice %arg7[%add3A_8, %dma_wait3A_25] : memref<464640x128xf32, #tpu.memory_space<hbm>> -> memref<120x128xf32, #tpu.memory_space<hbm>>
      tpu.wait_dma2 semaphore(%run_scoped3A : memref<!tpu.dma_semaphore, #tpu.memory_space<semaphore_mem>>) src(%arg13 : memref<120x128xf32, #tpu.memory_space<vmem>>) dst(%dma_wait3A_26 : memref<120x128xf32, #tpu.memory_space<hbm>>)
      tpu.yield
    }) : () -> ()
    return
  }
}

#map = affine_map<(d0, d1) -> (0, 0)>
#map1 = affine_map<(d0, d1) -> (0)>
module attributes {stable_mosaic.version = 14 : i64} {
  func.func @k(%arg0: i32, %arg1: i32, %arg2: memref<464640x128xf32, #tpu.memory_space<hbm>>, %arg3: memref<464640xi32, #tpu.memory_space<hbm>>, %arg4: memref<464640xi32, #tpu.memory_space<hbm>>, %arg5: memref<29040x128xf32, #tpu.memory_space<hbm>>, %arg6: memref<29040x128xf32, #tpu.memory_space<hbm>>, %arg7: memref<40xi32, #tpu.memory_space<vmem>>, %arg8: memref<40xi32, #tpu.memory_space<vmem>>, %arg9: memref<40x128xf32, #tpu.memory_space<vmem>>, %arg10: memref<40x128xf32, #tpu.memory_space<vmem>>, %arg11: memref<14528x128xf32, #tpu.memory_space<vmem_shared>>, %arg12: memref<!tpu.dma_semaphore, #tpu.memory_space<semaphore_mem>>, %arg13: memref<!tpu.dma_semaphore, #tpu.memory_space<semaphore_mem>>, %arg14: memref<!tpu.dma_semaphore, #tpu.memory_space<semaphore_mem>>, %arg15: memref<!tpu.dma_semaphore, #tpu.memory_space<semaphore_mem>>) attributes {dimension_semantics = [#tpu.dimension_semantics<core_parallel>, #tpu.dimension_semantics<subcore_parallel>], iteration_bounds = array<i64: 2, 16>, scalar_prefetch = 0 : i64, scratch_operands = 9 : i64, tpu.core_type = #tpu.core_type<sc_vector_subcore>, window_params = [{transform_indices = #map}, {transform_indices = #map1}, {transform_indices = #map1}, {transform_indices = #map}, {transform_indices = #map}]} {
    %mul3A = arith.constant 14520 : i32
    %mul3A_0 = arith.muli %arg0, %mul3A : i32
    %lt3A = arith.constant 7 : i32
    %lt3A_1 = arith.cmpi slt, %arg1, %lt3A : i32
    %convert_element_type3A = arith.extui %lt3A_1 : i1 to i32
    %cond3A = arith.constant 0 : i32
    %cond3A_2 = arith.cmpi ne, %convert_element_type3A, %cond3A : i32
    scf.if %cond3A_2 {
      %mul3A_30 = arith.constant 1816 : i32
      %mul3A_31 = arith.muli %arg1, %mul3A_30 : i32
      %add3A = arith.addi %mul3A_0, %mul3A_31 : i32
      %mul3A_32 = arith.constant 1816 : i32
      %mul3A_33 = arith.muli %arg1, %mul3A_32 : i32
      "tpu.region"() ({
        %run_scoped3A = tpu.sem_alloc : memref<!tpu.dma_semaphore, #tpu.memory_space<semaphore_mem>>
        %dma_start3A = arith.constant 0 : i32
        %dma_start3A_34 = tpu.memref_slice %arg11[%mul3A_33, %dma_start3A] : memref<14528x128xf32, #tpu.memory_space<vmem_shared>> -> memref<1816x128xf32, #tpu.memory_space<vmem_shared>>
        %dma_start3A_35 = arith.constant 0 : i32
        %dma_start3A_36 = tpu.memref_slice %arg5[%add3A, %dma_start3A_35] : memref<29040x128xf32, #tpu.memory_space<hbm>> -> memref<1816x128xf32, #tpu.memory_space<hbm>>
        tpu.enqueue_dma source(%dma_start3A_36 : memref<1816x128xf32, #tpu.memory_space<hbm>>) target(%dma_start3A_34 : memref<1816x128xf32, #tpu.memory_space<vmem_shared>>) target_semaphore(%run_scoped3A : memref<!tpu.dma_semaphore, #tpu.memory_space<semaphore_mem>>)
        %dma_wait3A = arith.constant 0 : i32
        %dma_wait3A_37 = tpu.memref_slice %arg11[%mul3A_33, %dma_wait3A] : memref<14528x128xf32, #tpu.memory_space<vmem_shared>> -> memref<1816x128xf32, #tpu.memory_space<vmem_shared>>
        %dma_wait3A_38 = arith.constant 0 : i32
        %dma_wait3A_39 = tpu.memref_slice %arg5[%add3A, %dma_wait3A_38] : memref<29040x128xf32, #tpu.memory_space<hbm>> -> memref<1816x128xf32, #tpu.memory_space<hbm>>
        tpu.wait_dma2 semaphore(%run_scoped3A : memref<!tpu.dma_semaphore, #tpu.memory_space<semaphore_mem>>) src(%dma_wait3A_39 : memref<1816x128xf32, #tpu.memory_space<hbm>>) dst(%dma_wait3A_37 : memref<1816x128xf32, #tpu.memory_space<vmem_shared>>)
        tpu.yield
      }) : () -> ()
    } else {
    }
    %eq3A = arith.constant 7 : i32
    %eq3A_3 = arith.cmpi eq, %arg1, %eq3A : i32
    %convert_element_type3A_4 = arith.extui %eq3A_3 : i1 to i32
    %cond3A_5 = arith.constant 0 : i32
    %cond3A_6 = arith.cmpi ne, %convert_element_type3A_4, %cond3A_5 : i32
    scf.if %cond3A_6 {
      %add3A = arith.constant 12712 : i32
      %add3A_30 = arith.addi %mul3A_0, %add3A : i32
      "tpu.region"() ({
        %run_scoped3A = tpu.sem_alloc : memref<!tpu.dma_semaphore, #tpu.memory_space<semaphore_mem>>
        %dma_start3A = arith.constant 12712 : i32
        %dma_start3A_31 = arith.constant 0 : i32
        %dma_start3A_32 = tpu.memref_slice %arg11[%dma_start3A, %dma_start3A_31] : memref<14528x128xf32, #tpu.memory_space<vmem_shared>> -> memref<1808x128xf32, #tpu.memory_space<vmem_shared>>
        %dma_start3A_33 = arith.constant 0 : i32
        %dma_start3A_34 = tpu.memref_slice %arg5[%add3A_30, %dma_start3A_33] : memref<29040x128xf32, #tpu.memory_space<hbm>> -> memref<1808x128xf32, #tpu.memory_space<hbm>>
        tpu.enqueue_dma source(%dma_start3A_34 : memref<1808x128xf32, #tpu.memory_space<hbm>>) target(%dma_start3A_32 : memref<1808x128xf32, #tpu.memory_space<vmem_shared>>) target_semaphore(%run_scoped3A : memref<!tpu.dma_semaphore, #tpu.memory_space<semaphore_mem>>)
        %dma_wait3A = arith.constant 12712 : i32
        %dma_wait3A_35 = arith.constant 0 : i32
        %dma_wait3A_36 = tpu.memref_slice %arg11[%dma_wait3A, %dma_wait3A_35] : memref<14528x128xf32, #tpu.memory_space<vmem_shared>> -> memref<1808x128xf32, #tpu.memory_space<vmem_shared>>
        %dma_wait3A_37 = arith.constant 0 : i32
        %dma_wait3A_38 = tpu.memref_slice %arg5[%add3A_30, %dma_wait3A_37] : memref<29040x128xf32, #tpu.memory_space<hbm>> -> memref<1808x128xf32, #tpu.memory_space<hbm>>
        tpu.wait_dma2 semaphore(%run_scoped3A : memref<!tpu.dma_semaphore, #tpu.memory_space<semaphore_mem>>) src(%dma_wait3A_38 : memref<1808x128xf32, #tpu.memory_space<hbm>>) dst(%dma_wait3A_36 : memref<1808x128xf32, #tpu.memory_space<vmem_shared>>)
        tpu.yield
      }) : () -> ()
    } else {
    }
    %barrier3A = arith.constant 0 : index
    tpu.barrier barrier_id(%barrier3A)
    %mul3A_7 = arith.constant 29040 : i32
    %mul3A_8 = arith.muli %arg1, %mul3A_7 : i32
    %eq3A_9 = arith.constant 0 : i32
    %eq3A_10 = arith.cmpi eq, %arg0, %eq3A_9 : i32
    %convert_element_type3A_11 = arith.extui %eq3A_10 : i1 to i32
    %cond3A_12 = arith.constant 0 : i32
    %cond3A_13 = arith.cmpi ne, %convert_element_type3A_11, %cond3A_12 : i32
    scf.if %cond3A_13 {
      %scan3A = arith.constant 0 : i32
      %scan3A_30 = arith.constant 363 : i32
      %scan3A_31 = arith.addi %scan3A, %scan3A_30 : i32
      %scan3A_32 = arith.constant 1 : i32
      scf.for %scan3A_34 = %scan3A to %scan3A_31 step %scan3A_32  : i32 {
        %mul3A_35 = arith.constant 1 : i32
        %mul3A_36 = arith.muli %scan3A_34, %mul3A_35 : i32
        %add3A = arith.constant 0 : i32
        %add3A_37 = arith.addi %add3A, %mul3A_36 : i32
        %mul3A_38 = arith.constant 2 : i32
        %mul3A_39 = arith.muli %mul3A_38, %add3A_37 : i32
        %mul3A_40 = arith.constant 40 : i32
        %mul3A_41 = arith.muli %mul3A_39, %mul3A_40 : i32
        %add3A_42 = arith.addi %mul3A_8, %mul3A_41 : i32
        %add3A_43 = arith.constant 40 : i32
        %add3A_44 = arith.addi %add3A_42, %add3A_43 : i32
        %dma_start3A = tpu.memref_slice %arg3[%add3A_42] : memref<464640xi32, #tpu.memory_space<hbm>> -> memref<40xi32, #tpu.memory_space<hbm>>
        %dma_start3A_45 = tpu.memref_slice %arg3[%add3A_42] : memref<464640xi32, #tpu.memory_space<hbm>> -> memref<40xi32, #tpu.memory_space<hbm>>
        tpu.enqueue_dma source(%dma_start3A_45 : memref<40xi32, #tpu.memory_space<hbm>>) target(%arg7 : memref<40xi32, #tpu.memory_space<vmem>>) target_semaphore(%arg12 : memref<!tpu.dma_semaphore, #tpu.memory_space<semaphore_mem>>)
        %dma_start3A_46 = arith.constant 0 : i32
        %dma_start3A_47 = tpu.memref_slice %arg2[%add3A_42, %dma_start3A_46] : memref<464640x128xf32, #tpu.memory_space<hbm>> -> memref<40x128xf32, #tpu.memory_space<hbm>>
        %dma_start3A_48 = arith.constant 0 : i32
        %dma_start3A_49 = tpu.memref_slice %arg2[%add3A_42, %dma_start3A_48] : memref<464640x128xf32, #tpu.memory_space<hbm>> -> memref<40x128xf32, #tpu.memory_space<hbm>>
        tpu.enqueue_dma source(%dma_start3A_49 : memref<40x128xf32, #tpu.memory_space<hbm>>) target(%arg9 : memref<40x128xf32, #tpu.memory_space<vmem>>) target_semaphore(%arg13 : memref<!tpu.dma_semaphore, #tpu.memory_space<semaphore_mem>>)
        %dma_start3A_50 = tpu.memref_slice %arg3[%add3A_44] : memref<464640xi32, #tpu.memory_space<hbm>> -> memref<40xi32, #tpu.memory_space<hbm>>
        %dma_start3A_51 = tpu.memref_slice %arg3[%add3A_44] : memref<464640xi32, #tpu.memory_space<hbm>> -> memref<40xi32, #tpu.memory_space<hbm>>
        tpu.enqueue_dma source(%dma_start3A_51 : memref<40xi32, #tpu.memory_space<hbm>>) target(%arg8 : memref<40xi32, #tpu.memory_space<vmem>>) target_semaphore(%arg14 : memref<!tpu.dma_semaphore, #tpu.memory_space<semaphore_mem>>)
        %dma_start3A_52 = arith.constant 0 : i32
        %dma_start3A_53 = tpu.memref_slice %arg2[%add3A_44, %dma_start3A_52] : memref<464640x128xf32, #tpu.memory_space<hbm>> -> memref<40x128xf32, #tpu.memory_space<hbm>>
        %dma_start3A_54 = arith.constant 0 : i32
        %dma_start3A_55 = tpu.memref_slice %arg2[%add3A_44, %dma_start3A_54] : memref<464640x128xf32, #tpu.memory_space<hbm>> -> memref<40x128xf32, #tpu.memory_space<hbm>>
        tpu.enqueue_dma source(%dma_start3A_55 : memref<40x128xf32, #tpu.memory_space<hbm>>) target(%arg10 : memref<40x128xf32, #tpu.memory_space<vmem>>) target_semaphore(%arg15 : memref<!tpu.dma_semaphore, #tpu.memory_space<semaphore_mem>>)
        %dma_wait3A = tpu.memref_slice %arg3[%add3A_42] : memref<464640xi32, #tpu.memory_space<hbm>> -> memref<40xi32, #tpu.memory_space<hbm>>
        %dma_wait3A_56 = tpu.memref_slice %arg3[%add3A_42] : memref<464640xi32, #tpu.memory_space<hbm>> -> memref<40xi32, #tpu.memory_space<hbm>>
        tpu.wait_dma2 semaphore(%arg12 : memref<!tpu.dma_semaphore, #tpu.memory_space<semaphore_mem>>) src(%dma_wait3A_56 : memref<40xi32, #tpu.memory_space<hbm>>) dst(%arg7 : memref<40xi32, #tpu.memory_space<vmem>>)
        %dma_wait3A_57 = arith.constant 0 : i32
        %dma_wait3A_58 = tpu.memref_slice %arg2[%add3A_42, %dma_wait3A_57] : memref<464640x128xf32, #tpu.memory_space<hbm>> -> memref<40x128xf32, #tpu.memory_space<hbm>>
        %dma_wait3A_59 = arith.constant 0 : i32
        %dma_wait3A_60 = tpu.memref_slice %arg2[%add3A_42, %dma_wait3A_59] : memref<464640x128xf32, #tpu.memory_space<hbm>> -> memref<40x128xf32, #tpu.memory_space<hbm>>
        tpu.wait_dma2 semaphore(%arg13 : memref<!tpu.dma_semaphore, #tpu.memory_space<semaphore_mem>>) src(%dma_wait3A_60 : memref<40x128xf32, #tpu.memory_space<hbm>>) dst(%arg9 : memref<40x128xf32, #tpu.memory_space<vmem>>)
        "tpu.region"() ({
          %run_scoped3A = tpu.sem_alloc : memref<!tpu.dma_semaphore, #tpu.memory_space<semaphore_mem>>
          %dma_start3A_67 = arith.constant 0 : i32
          %dma_start3A_68 = arith.constant 0 : i32
          %dma_start3A_69 = tpu.memref_slice %arg11[%dma_start3A_67, %dma_start3A_68] : memref<14528x128xf32, #tpu.memory_space<vmem_shared>> -> memref<14528x128xf32, #tpu.memory_space<vmem_shared>>
          tpu.enqueue_indirect_dma source(%arg9 : memref<40x128xf32, #tpu.memory_space<vmem>>) target(%dma_start3A_69 : memref<14528x128xf32, #tpu.memory_space<vmem_shared>>) offsets(%arg7 : memref<40xi32, #tpu.memory_space<vmem>>) semaphore(%run_scoped3A : memref<!tpu.dma_semaphore, #tpu.memory_space<semaphore_mem>>) {add = true}
          %dma_wait3A_70 = arith.constant 0 : i32
          %dma_wait3A_71 = arith.constant 0 : i32
          %dma_wait3A_72 = tpu.memref_slice %arg11[%dma_wait3A_70, %dma_wait3A_71] : memref<14528x128xf32, #tpu.memory_space<vmem_shared>> -> memref<14528x128xf32, #tpu.memory_space<vmem_shared>>
          tpu.wait_indirect_dma semaphore(%run_scoped3A : memref<!tpu.dma_semaphore, #tpu.memory_space<semaphore_mem>>) src(%arg9 : memref<40x128xf32, #tpu.memory_space<vmem>>) dst(%dma_wait3A_72 : memref<14528x128xf32, #tpu.memory_space<vmem_shared>>)
          tpu.yield
        }) : () -> ()
        %dma_wait3A_61 = tpu.memref_slice %arg3[%add3A_44] : memref<464640xi32, #tpu.memory_space<hbm>> -> memref<40xi32, #tpu.memory_space<hbm>>
        %dma_wait3A_62 = tpu.memref_slice %arg3[%add3A_44] : memref<464640xi32, #tpu.memory_space<hbm>> -> memref<40xi32, #tpu.memory_space<hbm>>
        tpu.wait_dma2 semaphore(%arg14 : memref<!tpu.dma_semaphore, #tpu.memory_space<semaphore_mem>>) src(%dma_wait3A_62 : memref<40xi32, #tpu.memory_space<hbm>>) dst(%arg8 : memref<40xi32, #tpu.memory_space<vmem>>)
        %dma_wait3A_63 = arith.constant 0 : i32
        %dma_wait3A_64 = tpu.memref_slice %arg2[%add3A_44, %dma_wait3A_63] : memref<464640x128xf32, #tpu.memory_space<hbm>> -> memref<40x128xf32, #tpu.memory_space<hbm>>
        %dma_wait3A_65 = arith.constant 0 : i32
        %dma_wait3A_66 = tpu.memref_slice %arg2[%add3A_44, %dma_wait3A_65] : memref<464640x128xf32, #tpu.memory_space<hbm>> -> memref<40x128xf32, #tpu.memory_space<hbm>>
        tpu.wait_dma2 semaphore(%arg15 : memref<!tpu.dma_semaphore, #tpu.memory_space<semaphore_mem>>) src(%dma_wait3A_66 : memref<40x128xf32, #tpu.memory_space<hbm>>) dst(%arg10 : memref<40x128xf32, #tpu.memory_space<vmem>>)
        "tpu.region"() ({
          %run_scoped3A = tpu.sem_alloc : memref<!tpu.dma_semaphore, #tpu.memory_space<semaphore_mem>>
          %dma_start3A_67 = arith.constant 0 : i32
          %dma_start3A_68 = arith.constant 0 : i32
          %dma_start3A_69 = tpu.memref_slice %arg11[%dma_start3A_67, %dma_start3A_68] : memref<14528x128xf32, #tpu.memory_space<vmem_shared>> -> memref<14528x128xf32, #tpu.memory_space<vmem_shared>>
          tpu.enqueue_indirect_dma source(%arg10 : memref<40x128xf32, #tpu.memory_space<vmem>>) target(%dma_start3A_69 : memref<14528x128xf32, #tpu.memory_space<vmem_shared>>) offsets(%arg8 : memref<40xi32, #tpu.memory_space<vmem>>) semaphore(%run_scoped3A : memref<!tpu.dma_semaphore, #tpu.memory_space<semaphore_mem>>) {add = true}
          %dma_wait3A_70 = arith.constant 0 : i32
          %dma_wait3A_71 = arith.constant 0 : i32
          %dma_wait3A_72 = tpu.memref_slice %arg11[%dma_wait3A_70, %dma_wait3A_71] : memref<14528x128xf32, #tpu.memory_space<vmem_shared>> -> memref<14528x128xf32, #tpu.memory_space<vmem_shared>>
          tpu.wait_indirect_dma semaphore(%run_scoped3A : memref<!tpu.dma_semaphore, #tpu.memory_space<semaphore_mem>>) src(%arg10 : memref<40x128xf32, #tpu.memory_space<vmem>>) dst(%dma_wait3A_72 : memref<14528x128xf32, #tpu.memory_space<vmem_shared>>)
          tpu.yield
        }) : () -> ()
      }
      %scan3A_33 = arith.constant 363 : i32
    } else {
    }
    %eq3A_14 = arith.constant 1 : i32
    %eq3A_15 = arith.cmpi eq, %arg0, %eq3A_14 : i32
    %convert_element_type3A_16 = arith.extui %eq3A_15 : i1 to i32
    %cond3A_17 = arith.constant 0 : i32
    %cond3A_18 = arith.cmpi ne, %convert_element_type3A_16, %cond3A_17 : i32
    scf.if %cond3A_18 {
      %scan3A = arith.constant 0 : i32
      %scan3A_30 = arith.constant 363 : i32
      %scan3A_31 = arith.addi %scan3A, %scan3A_30 : i32
      %scan3A_32 = arith.constant 1 : i32
      scf.for %scan3A_34 = %scan3A to %scan3A_31 step %scan3A_32  : i32 {
        %mul3A_35 = arith.constant 1 : i32
        %mul3A_36 = arith.muli %scan3A_34, %mul3A_35 : i32
        %add3A = arith.constant 0 : i32
        %add3A_37 = arith.addi %add3A, %mul3A_36 : i32
        %mul3A_38 = arith.constant 2 : i32
        %mul3A_39 = arith.muli %mul3A_38, %add3A_37 : i32
        %mul3A_40 = arith.constant 40 : i32
        %mul3A_41 = arith.muli %mul3A_39, %mul3A_40 : i32
        %add3A_42 = arith.addi %mul3A_8, %mul3A_41 : i32
        %add3A_43 = arith.constant 40 : i32
        %add3A_44 = arith.addi %add3A_42, %add3A_43 : i32
        %dma_start3A = tpu.memref_slice %arg4[%add3A_42] : memref<464640xi32, #tpu.memory_space<hbm>> -> memref<40xi32, #tpu.memory_space<hbm>>
        %dma_start3A_45 = tpu.memref_slice %arg4[%add3A_42] : memref<464640xi32, #tpu.memory_space<hbm>> -> memref<40xi32, #tpu.memory_space<hbm>>
        tpu.enqueue_dma source(%dma_start3A_45 : memref<40xi32, #tpu.memory_space<hbm>>) target(%arg7 : memref<40xi32, #tpu.memory_space<vmem>>) target_semaphore(%arg12 : memref<!tpu.dma_semaphore, #tpu.memory_space<semaphore_mem>>)
        %dma_start3A_46 = arith.constant 0 : i32
        %dma_start3A_47 = tpu.memref_slice %arg2[%add3A_42, %dma_start3A_46] : memref<464640x128xf32, #tpu.memory_space<hbm>> -> memref<40x128xf32, #tpu.memory_space<hbm>>
        %dma_start3A_48 = arith.constant 0 : i32
        %dma_start3A_49 = tpu.memref_slice %arg2[%add3A_42, %dma_start3A_48] : memref<464640x128xf32, #tpu.memory_space<hbm>> -> memref<40x128xf32, #tpu.memory_space<hbm>>
        tpu.enqueue_dma source(%dma_start3A_49 : memref<40x128xf32, #tpu.memory_space<hbm>>) target(%arg9 : memref<40x128xf32, #tpu.memory_space<vmem>>) target_semaphore(%arg13 : memref<!tpu.dma_semaphore, #tpu.memory_space<semaphore_mem>>)
        %dma_start3A_50 = tpu.memref_slice %arg4[%add3A_44] : memref<464640xi32, #tpu.memory_space<hbm>> -> memref<40xi32, #tpu.memory_space<hbm>>
        %dma_start3A_51 = tpu.memref_slice %arg4[%add3A_44] : memref<464640xi32, #tpu.memory_space<hbm>> -> memref<40xi32, #tpu.memory_space<hbm>>
        tpu.enqueue_dma source(%dma_start3A_51 : memref<40xi32, #tpu.memory_space<hbm>>) target(%arg8 : memref<40xi32, #tpu.memory_space<vmem>>) target_semaphore(%arg14 : memref<!tpu.dma_semaphore, #tpu.memory_space<semaphore_mem>>)
        %dma_start3A_52 = arith.constant 0 : i32
        %dma_start3A_53 = tpu.memref_slice %arg2[%add3A_44, %dma_start3A_52] : memref<464640x128xf32, #tpu.memory_space<hbm>> -> memref<40x128xf32, #tpu.memory_space<hbm>>
        %dma_start3A_54 = arith.constant 0 : i32
        %dma_start3A_55 = tpu.memref_slice %arg2[%add3A_44, %dma_start3A_54] : memref<464640x128xf32, #tpu.memory_space<hbm>> -> memref<40x128xf32, #tpu.memory_space<hbm>>
        tpu.enqueue_dma source(%dma_start3A_55 : memref<40x128xf32, #tpu.memory_space<hbm>>) target(%arg10 : memref<40x128xf32, #tpu.memory_space<vmem>>) target_semaphore(%arg15 : memref<!tpu.dma_semaphore, #tpu.memory_space<semaphore_mem>>)
        %dma_wait3A = tpu.memref_slice %arg4[%add3A_42] : memref<464640xi32, #tpu.memory_space<hbm>> -> memref<40xi32, #tpu.memory_space<hbm>>
        %dma_wait3A_56 = tpu.memref_slice %arg4[%add3A_42] : memref<464640xi32, #tpu.memory_space<hbm>> -> memref<40xi32, #tpu.memory_space<hbm>>
        tpu.wait_dma2 semaphore(%arg12 : memref<!tpu.dma_semaphore, #tpu.memory_space<semaphore_mem>>) src(%dma_wait3A_56 : memref<40xi32, #tpu.memory_space<hbm>>) dst(%arg7 : memref<40xi32, #tpu.memory_space<vmem>>)
        %dma_wait3A_57 = arith.constant 0 : i32
        %dma_wait3A_58 = tpu.memref_slice %arg2[%add3A_42, %dma_wait3A_57] : memref<464640x128xf32, #tpu.memory_space<hbm>> -> memref<40x128xf32, #tpu.memory_space<hbm>>
        %dma_wait3A_59 = arith.constant 0 : i32
        %dma_wait3A_60 = tpu.memref_slice %arg2[%add3A_42, %dma_wait3A_59] : memref<464640x128xf32, #tpu.memory_space<hbm>> -> memref<40x128xf32, #tpu.memory_space<hbm>>
        tpu.wait_dma2 semaphore(%arg13 : memref<!tpu.dma_semaphore, #tpu.memory_space<semaphore_mem>>) src(%dma_wait3A_60 : memref<40x128xf32, #tpu.memory_space<hbm>>) dst(%arg9 : memref<40x128xf32, #tpu.memory_space<vmem>>)
        "tpu.region"() ({
          %run_scoped3A = tpu.sem_alloc : memref<!tpu.dma_semaphore, #tpu.memory_space<semaphore_mem>>
          %dma_start3A_67 = arith.constant 0 : i32
          %dma_start3A_68 = arith.constant 0 : i32
          %dma_start3A_69 = tpu.memref_slice %arg11[%dma_start3A_67, %dma_start3A_68] : memref<14528x128xf32, #tpu.memory_space<vmem_shared>> -> memref<14528x128xf32, #tpu.memory_space<vmem_shared>>
          tpu.enqueue_indirect_dma source(%arg9 : memref<40x128xf32, #tpu.memory_space<vmem>>) target(%dma_start3A_69 : memref<14528x128xf32, #tpu.memory_space<vmem_shared>>) offsets(%arg7 : memref<40xi32, #tpu.memory_space<vmem>>) semaphore(%run_scoped3A : memref<!tpu.dma_semaphore, #tpu.memory_space<semaphore_mem>>) {add = true}
          %dma_wait3A_70 = arith.constant 0 : i32
          %dma_wait3A_71 = arith.constant 0 : i32
          %dma_wait3A_72 = tpu.memref_slice %arg11[%dma_wait3A_70, %dma_wait3A_71] : memref<14528x128xf32, #tpu.memory_space<vmem_shared>> -> memref<14528x128xf32, #tpu.memory_space<vmem_shared>>
          tpu.wait_indirect_dma semaphore(%run_scoped3A : memref<!tpu.dma_semaphore, #tpu.memory_space<semaphore_mem>>) src(%arg9 : memref<40x128xf32, #tpu.memory_space<vmem>>) dst(%dma_wait3A_72 : memref<14528x128xf32, #tpu.memory_space<vmem_shared>>)
          tpu.yield
        }) : () -> ()
        %dma_wait3A_61 = tpu.memref_slice %arg4[%add3A_44] : memref<464640xi32, #tpu.memory_space<hbm>> -> memref<40xi32, #tpu.memory_space<hbm>>
        %dma_wait3A_62 = tpu.memref_slice %arg4[%add3A_44] : memref<464640xi32, #tpu.memory_space<hbm>> -> memref<40xi32, #tpu.memory_space<hbm>>
        tpu.wait_dma2 semaphore(%arg14 : memref<!tpu.dma_semaphore, #tpu.memory_space<semaphore_mem>>) src(%dma_wait3A_62 : memref<40xi32, #tpu.memory_space<hbm>>) dst(%arg8 : memref<40xi32, #tpu.memory_space<vmem>>)
        %dma_wait3A_63 = arith.constant 0 : i32
        %dma_wait3A_64 = tpu.memref_slice %arg2[%add3A_44, %dma_wait3A_63] : memref<464640x128xf32, #tpu.memory_space<hbm>> -> memref<40x128xf32, #tpu.memory_space<hbm>>
        %dma_wait3A_65 = arith.constant 0 : i32
        %dma_wait3A_66 = tpu.memref_slice %arg2[%add3A_44, %dma_wait3A_65] : memref<464640x128xf32, #tpu.memory_space<hbm>> -> memref<40x128xf32, #tpu.memory_space<hbm>>
        tpu.wait_dma2 semaphore(%arg15 : memref<!tpu.dma_semaphore, #tpu.memory_space<semaphore_mem>>) src(%dma_wait3A_66 : memref<40x128xf32, #tpu.memory_space<hbm>>) dst(%arg10 : memref<40x128xf32, #tpu.memory_space<vmem>>)
        "tpu.region"() ({
          %run_scoped3A = tpu.sem_alloc : memref<!tpu.dma_semaphore, #tpu.memory_space<semaphore_mem>>
          %dma_start3A_67 = arith.constant 0 : i32
          %dma_start3A_68 = arith.constant 0 : i32
          %dma_start3A_69 = tpu.memref_slice %arg11[%dma_start3A_67, %dma_start3A_68] : memref<14528x128xf32, #tpu.memory_space<vmem_shared>> -> memref<14528x128xf32, #tpu.memory_space<vmem_shared>>
          tpu.enqueue_indirect_dma source(%arg10 : memref<40x128xf32, #tpu.memory_space<vmem>>) target(%dma_start3A_69 : memref<14528x128xf32, #tpu.memory_space<vmem_shared>>) offsets(%arg8 : memref<40xi32, #tpu.memory_space<vmem>>) semaphore(%run_scoped3A : memref<!tpu.dma_semaphore, #tpu.memory_space<semaphore_mem>>) {add = true}
          %dma_wait3A_70 = arith.constant 0 : i32
          %dma_wait3A_71 = arith.constant 0 : i32
          %dma_wait3A_72 = tpu.memref_slice %arg11[%dma_wait3A_70, %dma_wait3A_71] : memref<14528x128xf32, #tpu.memory_space<vmem_shared>> -> memref<14528x128xf32, #tpu.memory_space<vmem_shared>>
          tpu.wait_indirect_dma semaphore(%run_scoped3A : memref<!tpu.dma_semaphore, #tpu.memory_space<semaphore_mem>>) src(%arg10 : memref<40x128xf32, #tpu.memory_space<vmem>>) dst(%dma_wait3A_72 : memref<14528x128xf32, #tpu.memory_space<vmem_shared>>)
          tpu.yield
        }) : () -> ()
      }
      %scan3A_33 = arith.constant 363 : i32
    } else {
    }
    %barrier3A_19 = arith.constant 0 : index
    tpu.barrier barrier_id(%barrier3A_19)
    %lt3A_20 = arith.constant 7 : i32
    %lt3A_21 = arith.cmpi slt, %arg1, %lt3A_20 : i32
    %convert_element_type3A_22 = arith.extui %lt3A_21 : i1 to i32
    %cond3A_23 = arith.constant 0 : i32
    %cond3A_24 = arith.cmpi ne, %convert_element_type3A_22, %cond3A_23 : i32
    scf.if %cond3A_24 {
      %mul3A_30 = arith.constant 1816 : i32
      %mul3A_31 = arith.muli %arg1, %mul3A_30 : i32
      %mul3A_32 = arith.constant 1816 : i32
      %mul3A_33 = arith.muli %arg1, %mul3A_32 : i32
      %add3A = arith.addi %mul3A_0, %mul3A_33 : i32
      "tpu.region"() ({
        %run_scoped3A = tpu.sem_alloc : memref<!tpu.dma_semaphore, #tpu.memory_space<semaphore_mem>>
        %dma_start3A = arith.constant 0 : i32
        %dma_start3A_34 = tpu.memref_slice %arg6[%add3A, %dma_start3A] : memref<29040x128xf32, #tpu.memory_space<hbm>> -> memref<1816x128xf32, #tpu.memory_space<hbm>>
        %dma_start3A_35 = arith.constant 0 : i32
        %dma_start3A_36 = tpu.memref_slice %arg11[%mul3A_31, %dma_start3A_35] : memref<14528x128xf32, #tpu.memory_space<vmem_shared>> -> memref<1816x128xf32, #tpu.memory_space<vmem_shared>>
        tpu.enqueue_dma source(%dma_start3A_36 : memref<1816x128xf32, #tpu.memory_space<vmem_shared>>) target(%dma_start3A_34 : memref<1816x128xf32, #tpu.memory_space<hbm>>) target_semaphore(%run_scoped3A : memref<!tpu.dma_semaphore, #tpu.memory_space<semaphore_mem>>)
        %dma_wait3A = arith.constant 0 : i32
        %dma_wait3A_37 = tpu.memref_slice %arg6[%add3A, %dma_wait3A] : memref<29040x128xf32, #tpu.memory_space<hbm>> -> memref<1816x128xf32, #tpu.memory_space<hbm>>
        %dma_wait3A_38 = arith.constant 0 : i32
        %dma_wait3A_39 = tpu.memref_slice %arg11[%mul3A_31, %dma_wait3A_38] : memref<14528x128xf32, #tpu.memory_space<vmem_shared>> -> memref<1816x128xf32, #tpu.memory_space<vmem_shared>>
        tpu.wait_dma2 semaphore(%run_scoped3A : memref<!tpu.dma_semaphore, #tpu.memory_space<semaphore_mem>>) src(%dma_wait3A_39 : memref<1816x128xf32, #tpu.memory_space<vmem_shared>>) dst(%dma_wait3A_37 : memref<1816x128xf32, #tpu.memory_space<hbm>>)
        tpu.yield
      }) : () -> ()
    } else {
    }
    %eq3A_25 = arith.constant 7 : i32
    %eq3A_26 = arith.cmpi eq, %arg1, %eq3A_25 : i32
    %convert_element_type3A_27 = arith.extui %eq3A_26 : i1 to i32
    %cond3A_28 = arith.constant 0 : i32
    %cond3A_29 = arith.cmpi ne, %convert_element_type3A_27, %cond3A_28 : i32
    scf.if %cond3A_29 {
      %add3A = arith.constant 12712 : i32
      %add3A_30 = arith.addi %mul3A_0, %add3A : i32
      "tpu.region"() ({
        %run_scoped3A = tpu.sem_alloc : memref<!tpu.dma_semaphore, #tpu.memory_space<semaphore_mem>>
        %dma_start3A = arith.constant 0 : i32
        %dma_start3A_31 = tpu.memref_slice %arg6[%add3A_30, %dma_start3A] : memref<29040x128xf32, #tpu.memory_space<hbm>> -> memref<1808x128xf32, #tpu.memory_space<hbm>>
        %dma_start3A_32 = arith.constant 12712 : i32
        %dma_start3A_33 = arith.constant 0 : i32
        %dma_start3A_34 = tpu.memref_slice %arg11[%dma_start3A_32, %dma_start3A_33] : memref<14528x128xf32, #tpu.memory_space<vmem_shared>> -> memref<1808x128xf32, #tpu.memory_space<vmem_shared>>
        tpu.enqueue_dma source(%dma_start3A_34 : memref<1808x128xf32, #tpu.memory_space<vmem_shared>>) target(%dma_start3A_31 : memref<1808x128xf32, #tpu.memory_space<hbm>>) target_semaphore(%run_scoped3A : memref<!tpu.dma_semaphore, #tpu.memory_space<semaphore_mem>>)
        %dma_wait3A = arith.constant 0 : i32
        %dma_wait3A_35 = tpu.memref_slice %arg6[%add3A_30, %dma_wait3A] : memref<29040x128xf32, #tpu.memory_space<hbm>> -> memref<1808x128xf32, #tpu.memory_space<hbm>>
        %dma_wait3A_36 = arith.constant 12712 : i32
        %dma_wait3A_37 = arith.constant 0 : i32
        %dma_wait3A_38 = tpu.memref_slice %arg11[%dma_wait3A_36, %dma_wait3A_37] : memref<14528x128xf32, #tpu.memory_space<vmem_shared>> -> memref<1808x128xf32, #tpu.memory_space<vmem_shared>>
        tpu.wait_dma2 semaphore(%run_scoped3A : memref<!tpu.dma_semaphore, #tpu.memory_space<semaphore_mem>>) src(%dma_wait3A_38 : memref<1808x128xf32, #tpu.memory_space<vmem_shared>>) dst(%dma_wait3A_35 : memref<1808x128xf32, #tpu.memory_space<hbm>>)
        tpu.yield
      }) : () -> ()
    } else {
    }
    return
  }
}

#map = affine_map<(d0, d1) -> (0, 0)>
#map1 = affine_map<(d0, d1) -> (0)>
module attributes {stable_mosaic.version = 14 : i64} {
  func.func @k(%arg0: i32, %arg1: i32, %arg2: memref<464640x128xf32, #tpu.memory_space<hbm>>, %arg3: memref<464640xi32, #tpu.memory_space<hbm>>, %arg4: memref<464640xi32, #tpu.memory_space<hbm>>, %arg5: memref<29040x128xf32, #tpu.memory_space<hbm>>, %arg6: memref<29040x128xf32, #tpu.memory_space<hbm>>, %arg7: memref<40xi32, #tpu.memory_space<vmem>>, %arg8: memref<40xi32, #tpu.memory_space<vmem>>, %arg9: memref<40x128xf32, #tpu.memory_space<vmem>>, %arg10: memref<40x128xf32, #tpu.memory_space<vmem>>, %arg11: memref<14528x128xf32, #tpu.memory_space<vmem_shared>>, %arg12: memref<!tpu.dma_semaphore, #tpu.memory_space<semaphore_mem>>, %arg13: memref<!tpu.dma_semaphore, #tpu.memory_space<semaphore_mem>>, %arg14: memref<!tpu.dma_semaphore, #tpu.memory_space<semaphore_mem>>, %arg15: memref<!tpu.dma_semaphore, #tpu.memory_space<semaphore_mem>>) attributes {dimension_semantics = [#tpu.dimension_semantics<core_parallel>, #tpu.dimension_semantics<subcore_parallel>], iteration_bounds = array<i64: 2, 16>, scalar_prefetch = 0 : i64, scratch_operands = 9 : i64, tpu.core_type = #tpu.core_type<sc_vector_subcore>, window_params = [{transform_indices = #map}, {transform_indices = #map1}, {transform_indices = #map1}, {transform_indices = #map}, {transform_indices = #map}]} {
    %mul3A = arith.constant 14520 : i32
    %mul3A_0 = arith.muli %arg0, %mul3A : i32
    %lt3A = arith.constant 7 : i32
    %lt3A_1 = arith.cmpi slt, %arg1, %lt3A : i32
    %convert_element_type3A = arith.extui %lt3A_1 : i1 to i32
    %cond3A = arith.constant 0 : i32
    %cond3A_2 = arith.cmpi ne, %convert_element_type3A, %cond3A : i32
    scf.if %cond3A_2 {
      %mul3A_30 = arith.constant 1816 : i32
      %mul3A_31 = arith.muli %arg1, %mul3A_30 : i32
      %add3A = arith.addi %mul3A_0, %mul3A_31 : i32
      %mul3A_32 = arith.constant 1816 : i32
      %mul3A_33 = arith.muli %arg1, %mul3A_32 : i32
      "tpu.region"() ({
        %run_scoped3A = tpu.sem_alloc : memref<!tpu.dma_semaphore, #tpu.memory_space<semaphore_mem>>
        %dma_start3A = arith.constant 0 : i32
        %dma_start3A_34 = tpu.memref_slice %arg11[%mul3A_33, %dma_start3A] : memref<14528x128xf32, #tpu.memory_space<vmem_shared>> -> memref<1816x128xf32, #tpu.memory_space<vmem_shared>>
        %dma_start3A_35 = arith.constant 0 : i32
        %dma_start3A_36 = tpu.memref_slice %arg5[%add3A, %dma_start3A_35] : memref<29040x128xf32, #tpu.memory_space<hbm>> -> memref<1816x128xf32, #tpu.memory_space<hbm>>
        tpu.enqueue_dma source(%dma_start3A_36 : memref<1816x128xf32, #tpu.memory_space<hbm>>) target(%dma_start3A_34 : memref<1816x128xf32, #tpu.memory_space<vmem_shared>>) target_semaphore(%run_scoped3A : memref<!tpu.dma_semaphore, #tpu.memory_space<semaphore_mem>>)
        %dma_wait3A = arith.constant 0 : i32
        %dma_wait3A_37 = tpu.memref_slice %arg11[%mul3A_33, %dma_wait3A] : memref<14528x128xf32, #tpu.memory_space<vmem_shared>> -> memref<1816x128xf32, #tpu.memory_space<vmem_shared>>
        %dma_wait3A_38 = arith.constant 0 : i32
        %dma_wait3A_39 = tpu.memref_slice %arg5[%add3A, %dma_wait3A_38] : memref<29040x128xf32, #tpu.memory_space<hbm>> -> memref<1816x128xf32, #tpu.memory_space<hbm>>
        tpu.wait_dma2 semaphore(%run_scoped3A : memref<!tpu.dma_semaphore, #tpu.memory_space<semaphore_mem>>) src(%dma_wait3A_39 : memref<1816x128xf32, #tpu.memory_space<hbm>>) dst(%dma_wait3A_37 : memref<1816x128xf32, #tpu.memory_space<vmem_shared>>)
        tpu.yield
      }) : () -> ()
    } else {
    }
    %eq3A = arith.constant 7 : i32
    %eq3A_3 = arith.cmpi eq, %arg1, %eq3A : i32
    %convert_element_type3A_4 = arith.extui %eq3A_3 : i1 to i32
    %cond3A_5 = arith.constant 0 : i32
    %cond3A_6 = arith.cmpi ne, %convert_element_type3A_4, %cond3A_5 : i32
    scf.if %cond3A_6 {
      %add3A = arith.constant 12712 : i32
      %add3A_30 = arith.addi %mul3A_0, %add3A : i32
      "tpu.region"() ({
        %run_scoped3A = tpu.sem_alloc : memref<!tpu.dma_semaphore, #tpu.memory_space<semaphore_mem>>
        %dma_start3A = arith.constant 12712 : i32
        %dma_start3A_31 = arith.constant 0 : i32
        %dma_start3A_32 = tpu.memref_slice %arg11[%dma_start3A, %dma_start3A_31] : memref<14528x128xf32, #tpu.memory_space<vmem_shared>> -> memref<1808x128xf32, #tpu.memory_space<vmem_shared>>
        %dma_start3A_33 = arith.constant 0 : i32
        %dma_start3A_34 = tpu.memref_slice %arg5[%add3A_30, %dma_start3A_33] : memref<29040x128xf32, #tpu.memory_space<hbm>> -> memref<1808x128xf32, #tpu.memory_space<hbm>>
        tpu.enqueue_dma source(%dma_start3A_34 : memref<1808x128xf32, #tpu.memory_space<hbm>>) target(%dma_start3A_32 : memref<1808x128xf32, #tpu.memory_space<vmem_shared>>) target_semaphore(%run_scoped3A : memref<!tpu.dma_semaphore, #tpu.memory_space<semaphore_mem>>)
        %dma_wait3A = arith.constant 12712 : i32
        %dma_wait3A_35 = arith.constant 0 : i32
        %dma_wait3A_36 = tpu.memref_slice %arg11[%dma_wait3A, %dma_wait3A_35] : memref<14528x128xf32, #tpu.memory_space<vmem_shared>> -> memref<1808x128xf32, #tpu.memory_space<vmem_shared>>
        %dma_wait3A_37 = arith.constant 0 : i32
        %dma_wait3A_38 = tpu.memref_slice %arg5[%add3A_30, %dma_wait3A_37] : memref<29040x128xf32, #tpu.memory_space<hbm>> -> memref<1808x128xf32, #tpu.memory_space<hbm>>
        tpu.wait_dma2 semaphore(%run_scoped3A : memref<!tpu.dma_semaphore, #tpu.memory_space<semaphore_mem>>) src(%dma_wait3A_38 : memref<1808x128xf32, #tpu.memory_space<hbm>>) dst(%dma_wait3A_36 : memref<1808x128xf32, #tpu.memory_space<vmem_shared>>)
        tpu.yield
      }) : () -> ()
    } else {
    }
    %barrier3A = arith.constant 0 : index
    tpu.barrier barrier_id(%barrier3A)
    %mul3A_7 = arith.constant 29040 : i32
    %mul3A_8 = arith.muli %arg1, %mul3A_7 : i32
    %eq3A_9 = arith.constant 0 : i32
    %eq3A_10 = arith.cmpi eq, %arg0, %eq3A_9 : i32
    %convert_element_type3A_11 = arith.extui %eq3A_10 : i1 to i32
    %cond3A_12 = arith.constant 0 : i32
    %cond3A_13 = arith.cmpi ne, %convert_element_type3A_11, %cond3A_12 : i32
    scf.if %cond3A_13 {
      %scan3A = arith.constant 0 : i32
      %scan3A_30 = arith.constant 363 : i32
      %scan3A_31 = arith.addi %scan3A, %scan3A_30 : i32
      %scan3A_32 = arith.constant 1 : i32
      scf.for %scan3A_34 = %scan3A to %scan3A_31 step %scan3A_32  : i32 {
        %mul3A_35 = arith.constant 1 : i32
        %mul3A_36 = arith.muli %scan3A_34, %mul3A_35 : i32
        %add3A = arith.constant 0 : i32
        %add3A_37 = arith.addi %add3A, %mul3A_36 : i32
        %mul3A_38 = arith.constant 2 : i32
        %mul3A_39 = arith.muli %mul3A_38, %add3A_37 : i32
        %mul3A_40 = arith.constant 40 : i32
        %mul3A_41 = arith.muli %mul3A_39, %mul3A_40 : i32
        %add3A_42 = arith.addi %mul3A_8, %mul3A_41 : i32
        %add3A_43 = arith.constant 40 : i32
        %add3A_44 = arith.addi %add3A_42, %add3A_43 : i32
        %dma_start3A = tpu.memref_slice %arg3[%add3A_42] : memref<464640xi32, #tpu.memory_space<hbm>> -> memref<40xi32, #tpu.memory_space<hbm>>
        %dma_start3A_45 = tpu.memref_slice %arg3[%add3A_42] : memref<464640xi32, #tpu.memory_space<hbm>> -> memref<40xi32, #tpu.memory_space<hbm>>
        tpu.enqueue_dma source(%dma_start3A_45 : memref<40xi32, #tpu.memory_space<hbm>>) target(%arg7 : memref<40xi32, #tpu.memory_space<vmem>>) target_semaphore(%arg12 : memref<!tpu.dma_semaphore, #tpu.memory_space<semaphore_mem>>)
        %dma_start3A_46 = arith.constant 0 : i32
        %dma_start3A_47 = tpu.memref_slice %arg2[%add3A_42, %dma_start3A_46] : memref<464640x128xf32, #tpu.memory_space<hbm>> -> memref<40x128xf32, #tpu.memory_space<hbm>>
        %dma_start3A_48 = arith.constant 0 : i32
        %dma_start3A_49 = tpu.memref_slice %arg2[%add3A_42, %dma_start3A_48] : memref<464640x128xf32, #tpu.memory_space<hbm>> -> memref<40x128xf32, #tpu.memory_space<hbm>>
        tpu.enqueue_dma source(%dma_start3A_49 : memref<40x128xf32, #tpu.memory_space<hbm>>) target(%arg9 : memref<40x128xf32, #tpu.memory_space<vmem>>) target_semaphore(%arg13 : memref<!tpu.dma_semaphore, #tpu.memory_space<semaphore_mem>>)
        %dma_start3A_50 = tpu.memref_slice %arg3[%add3A_44] : memref<464640xi32, #tpu.memory_space<hbm>> -> memref<40xi32, #tpu.memory_space<hbm>>
        %dma_start3A_51 = tpu.memref_slice %arg3[%add3A_44] : memref<464640xi32, #tpu.memory_space<hbm>> -> memref<40xi32, #tpu.memory_space<hbm>>
        tpu.enqueue_dma source(%dma_start3A_51 : memref<40xi32, #tpu.memory_space<hbm>>) target(%arg8 : memref<40xi32, #tpu.memory_space<vmem>>) target_semaphore(%arg14 : memref<!tpu.dma_semaphore, #tpu.memory_space<semaphore_mem>>)
        %dma_start3A_52 = arith.constant 0 : i32
        %dma_start3A_53 = tpu.memref_slice %arg2[%add3A_44, %dma_start3A_52] : memref<464640x128xf32, #tpu.memory_space<hbm>> -> memref<40x128xf32, #tpu.memory_space<hbm>>
        %dma_start3A_54 = arith.constant 0 : i32
        %dma_start3A_55 = tpu.memref_slice %arg2[%add3A_44, %dma_start3A_54] : memref<464640x128xf32, #tpu.memory_space<hbm>> -> memref<40x128xf32, #tpu.memory_space<hbm>>
        tpu.enqueue_dma source(%dma_start3A_55 : memref<40x128xf32, #tpu.memory_space<hbm>>) target(%arg10 : memref<40x128xf32, #tpu.memory_space<vmem>>) target_semaphore(%arg15 : memref<!tpu.dma_semaphore, #tpu.memory_space<semaphore_mem>>)
        %dma_wait3A = tpu.memref_slice %arg3[%add3A_42] : memref<464640xi32, #tpu.memory_space<hbm>> -> memref<40xi32, #tpu.memory_space<hbm>>
        %dma_wait3A_56 = tpu.memref_slice %arg3[%add3A_42] : memref<464640xi32, #tpu.memory_space<hbm>> -> memref<40xi32, #tpu.memory_space<hbm>>
        tpu.wait_dma2 semaphore(%arg12 : memref<!tpu.dma_semaphore, #tpu.memory_space<semaphore_mem>>) src(%dma_wait3A_56 : memref<40xi32, #tpu.memory_space<hbm>>) dst(%arg7 : memref<40xi32, #tpu.memory_space<vmem>>)
        %dma_wait3A_57 = arith.constant 0 : i32
        %dma_wait3A_58 = tpu.memref_slice %arg2[%add3A_42, %dma_wait3A_57] : memref<464640x128xf32, #tpu.memory_space<hbm>> -> memref<40x128xf32, #tpu.memory_space<hbm>>
        %dma_wait3A_59 = arith.constant 0 : i32
        %dma_wait3A_60 = tpu.memref_slice %arg2[%add3A_42, %dma_wait3A_59] : memref<464640x128xf32, #tpu.memory_space<hbm>> -> memref<40x128xf32, #tpu.memory_space<hbm>>
        tpu.wait_dma2 semaphore(%arg13 : memref<!tpu.dma_semaphore, #tpu.memory_space<semaphore_mem>>) src(%dma_wait3A_60 : memref<40x128xf32, #tpu.memory_space<hbm>>) dst(%arg9 : memref<40x128xf32, #tpu.memory_space<vmem>>)
        "tpu.region"() ({
          %run_scoped3A = tpu.sem_alloc : memref<!tpu.dma_semaphore, #tpu.memory_space<semaphore_mem>>
          %dma_start3A_67 = arith.constant 0 : i32
          %dma_start3A_68 = arith.constant 0 : i32
          %dma_start3A_69 = tpu.memref_slice %arg11[%dma_start3A_67, %dma_start3A_68] : memref<14528x128xf32, #tpu.memory_space<vmem_shared>> -> memref<14528x128xf32, #tpu.memory_space<vmem_shared>>
          tpu.enqueue_indirect_dma source(%arg9 : memref<40x128xf32, #tpu.memory_space<vmem>>) target(%dma_start3A_69 : memref<14528x128xf32, #tpu.memory_space<vmem_shared>>) offsets(%arg7 : memref<40xi32, #tpu.memory_space<vmem>>) semaphore(%run_scoped3A : memref<!tpu.dma_semaphore, #tpu.memory_space<semaphore_mem>>) {add = true}
          %dma_wait3A_70 = arith.constant 0 : i32
          %dma_wait3A_71 = arith.constant 0 : i32
          %dma_wait3A_72 = tpu.memref_slice %arg11[%dma_wait3A_70, %dma_wait3A_71] : memref<14528x128xf32, #tpu.memory_space<vmem_shared>> -> memref<14528x128xf32, #tpu.memory_space<vmem_shared>>
          tpu.wait_indirect_dma semaphore(%run_scoped3A : memref<!tpu.dma_semaphore, #tpu.memory_space<semaphore_mem>>) src(%arg9 : memref<40x128xf32, #tpu.memory_space<vmem>>) dst(%dma_wait3A_72 : memref<14528x128xf32, #tpu.memory_space<vmem_shared>>)
          tpu.yield
        }) : () -> ()
        %dma_wait3A_61 = tpu.memref_slice %arg3[%add3A_44] : memref<464640xi32, #tpu.memory_space<hbm>> -> memref<40xi32, #tpu.memory_space<hbm>>
        %dma_wait3A_62 = tpu.memref_slice %arg3[%add3A_44] : memref<464640xi32, #tpu.memory_space<hbm>> -> memref<40xi32, #tpu.memory_space<hbm>>
        tpu.wait_dma2 semaphore(%arg14 : memref<!tpu.dma_semaphore, #tpu.memory_space<semaphore_mem>>) src(%dma_wait3A_62 : memref<40xi32, #tpu.memory_space<hbm>>) dst(%arg8 : memref<40xi32, #tpu.memory_space<vmem>>)
        %dma_wait3A_63 = arith.constant 0 : i32
        %dma_wait3A_64 = tpu.memref_slice %arg2[%add3A_44, %dma_wait3A_63] : memref<464640x128xf32, #tpu.memory_space<hbm>> -> memref<40x128xf32, #tpu.memory_space<hbm>>
        %dma_wait3A_65 = arith.constant 0 : i32
        %dma_wait3A_66 = tpu.memref_slice %arg2[%add3A_44, %dma_wait3A_65] : memref<464640x128xf32, #tpu.memory_space<hbm>> -> memref<40x128xf32, #tpu.memory_space<hbm>>
        tpu.wait_dma2 semaphore(%arg15 : memref<!tpu.dma_semaphore, #tpu.memory_space<semaphore_mem>>) src(%dma_wait3A_66 : memref<40x128xf32, #tpu.memory_space<hbm>>) dst(%arg10 : memref<40x128xf32, #tpu.memory_space<vmem>>)
        "tpu.region"() ({
          %run_scoped3A = tpu.sem_alloc : memref<!tpu.dma_semaphore, #tpu.memory_space<semaphore_mem>>
          %dma_start3A_67 = arith.constant 0 : i32
          %dma_start3A_68 = arith.constant 0 : i32
          %dma_start3A_69 = tpu.memref_slice %arg11[%dma_start3A_67, %dma_start3A_68] : memref<14528x128xf32, #tpu.memory_space<vmem_shared>> -> memref<14528x128xf32, #tpu.memory_space<vmem_shared>>
          tpu.enqueue_indirect_dma source(%arg10 : memref<40x128xf32, #tpu.memory_space<vmem>>) target(%dma_start3A_69 : memref<14528x128xf32, #tpu.memory_space<vmem_shared>>) offsets(%arg8 : memref<40xi32, #tpu.memory_space<vmem>>) semaphore(%run_scoped3A : memref<!tpu.dma_semaphore, #tpu.memory_space<semaphore_mem>>) {add = true}
          %dma_wait3A_70 = arith.constant 0 : i32
          %dma_wait3A_71 = arith.constant 0 : i32
          %dma_wait3A_72 = tpu.memref_slice %arg11[%dma_wait3A_70, %dma_wait3A_71] : memref<14528x128xf32, #tpu.memory_space<vmem_shared>> -> memref<14528x128xf32, #tpu.memory_space<vmem_shared>>
          tpu.wait_indirect_dma semaphore(%run_scoped3A : memref<!tpu.dma_semaphore, #tpu.memory_space<semaphore_mem>>) src(%arg10 : memref<40x128xf32, #tpu.memory_space<vmem>>) dst(%dma_wait3A_72 : memref<14528x128xf32, #tpu.memory_space<vmem_shared>>)
          tpu.yield
        }) : () -> ()
      }
      %scan3A_33 = arith.constant 363 : i32
    } else {
    }
    %eq3A_14 = arith.constant 1 : i32
    %eq3A_15 = arith.cmpi eq, %arg0, %eq3A_14 : i32
    %convert_element_type3A_16 = arith.extui %eq3A_15 : i1 to i32
    %cond3A_17 = arith.constant 0 : i32
    %cond3A_18 = arith.cmpi ne, %convert_element_type3A_16, %cond3A_17 : i32
    scf.if %cond3A_18 {
      %scan3A = arith.constant 0 : i32
      %scan3A_30 = arith.constant 363 : i32
      %scan3A_31 = arith.addi %scan3A, %scan3A_30 : i32
      %scan3A_32 = arith.constant 1 : i32
      scf.for %scan3A_34 = %scan3A to %scan3A_31 step %scan3A_32  : i32 {
        %mul3A_35 = arith.constant 1 : i32
        %mul3A_36 = arith.muli %scan3A_34, %mul3A_35 : i32
        %add3A = arith.constant 0 : i32
        %add3A_37 = arith.addi %add3A, %mul3A_36 : i32
        %mul3A_38 = arith.constant 2 : i32
        %mul3A_39 = arith.muli %mul3A_38, %add3A_37 : i32
        %mul3A_40 = arith.constant 40 : i32
        %mul3A_41 = arith.muli %mul3A_39, %mul3A_40 : i32
        %add3A_42 = arith.addi %mul3A_8, %mul3A_41 : i32
        %add3A_43 = arith.constant 40 : i32
        %add3A_44 = arith.addi %add3A_42, %add3A_43 : i32
        %dma_start3A = tpu.memref_slice %arg4[%add3A_42] : memref<464640xi32, #tpu.memory_space<hbm>> -> memref<40xi32, #tpu.memory_space<hbm>>
        %dma_start3A_45 = tpu.memref_slice %arg4[%add3A_42] : memref<464640xi32, #tpu.memory_space<hbm>> -> memref<40xi32, #tpu.memory_space<hbm>>
        tpu.enqueue_dma source(%dma_start3A_45 : memref<40xi32, #tpu.memory_space<hbm>>) target(%arg7 : memref<40xi32, #tpu.memory_space<vmem>>) target_semaphore(%arg12 : memref<!tpu.dma_semaphore, #tpu.memory_space<semaphore_mem>>)
        %dma_start3A_46 = arith.constant 0 : i32
        %dma_start3A_47 = tpu.memref_slice %arg2[%add3A_42, %dma_start3A_46] : memref<464640x128xf32, #tpu.memory_space<hbm>> -> memref<40x128xf32, #tpu.memory_space<hbm>>
        %dma_start3A_48 = arith.constant 0 : i32
        %dma_start3A_49 = tpu.memref_slice %arg2[%add3A_42, %dma_start3A_48] : memref<464640x128xf32, #tpu.memory_space<hbm>> -> memref<40x128xf32, #tpu.memory_space<hbm>>
        tpu.enqueue_dma source(%dma_start3A_49 : memref<40x128xf32, #tpu.memory_space<hbm>>) target(%arg9 : memref<40x128xf32, #tpu.memory_space<vmem>>) target_semaphore(%arg13 : memref<!tpu.dma_semaphore, #tpu.memory_space<semaphore_mem>>)
        %dma_start3A_50 = tpu.memref_slice %arg4[%add3A_44] : memref<464640xi32, #tpu.memory_space<hbm>> -> memref<40xi32, #tpu.memory_space<hbm>>
        %dma_start3A_51 = tpu.memref_slice %arg4[%add3A_44] : memref<464640xi32, #tpu.memory_space<hbm>> -> memref<40xi32, #tpu.memory_space<hbm>>
        tpu.enqueue_dma source(%dma_start3A_51 : memref<40xi32, #tpu.memory_space<hbm>>) target(%arg8 : memref<40xi32, #tpu.memory_space<vmem>>) target_semaphore(%arg14 : memref<!tpu.dma_semaphore, #tpu.memory_space<semaphore_mem>>)
        %dma_start3A_52 = arith.constant 0 : i32
        %dma_start3A_53 = tpu.memref_slice %arg2[%add3A_44, %dma_start3A_52] : memref<464640x128xf32, #tpu.memory_space<hbm>> -> memref<40x128xf32, #tpu.memory_space<hbm>>
        %dma_start3A_54 = arith.constant 0 : i32
        %dma_start3A_55 = tpu.memref_slice %arg2[%add3A_44, %dma_start3A_54] : memref<464640x128xf32, #tpu.memory_space<hbm>> -> memref<40x128xf32, #tpu.memory_space<hbm>>
        tpu.enqueue_dma source(%dma_start3A_55 : memref<40x128xf32, #tpu.memory_space<hbm>>) target(%arg10 : memref<40x128xf32, #tpu.memory_space<vmem>>) target_semaphore(%arg15 : memref<!tpu.dma_semaphore, #tpu.memory_space<semaphore_mem>>)
        %dma_wait3A = tpu.memref_slice %arg4[%add3A_42] : memref<464640xi32, #tpu.memory_space<hbm>> -> memref<40xi32, #tpu.memory_space<hbm>>
        %dma_wait3A_56 = tpu.memref_slice %arg4[%add3A_42] : memref<464640xi32, #tpu.memory_space<hbm>> -> memref<40xi32, #tpu.memory_space<hbm>>
        tpu.wait_dma2 semaphore(%arg12 : memref<!tpu.dma_semaphore, #tpu.memory_space<semaphore_mem>>) src(%dma_wait3A_56 : memref<40xi32, #tpu.memory_space<hbm>>) dst(%arg7 : memref<40xi32, #tpu.memory_space<vmem>>)
        %dma_wait3A_57 = arith.constant 0 : i32
        %dma_wait3A_58 = tpu.memref_slice %arg2[%add3A_42, %dma_wait3A_57] : memref<464640x128xf32, #tpu.memory_space<hbm>> -> memref<40x128xf32, #tpu.memory_space<hbm>>
        %dma_wait3A_59 = arith.constant 0 : i32
        %dma_wait3A_60 = tpu.memref_slice %arg2[%add3A_42, %dma_wait3A_59] : memref<464640x128xf32, #tpu.memory_space<hbm>> -> memref<40x128xf32, #tpu.memory_space<hbm>>
        tpu.wait_dma2 semaphore(%arg13 : memref<!tpu.dma_semaphore, #tpu.memory_space<semaphore_mem>>) src(%dma_wait3A_60 : memref<40x128xf32, #tpu.memory_space<hbm>>) dst(%arg9 : memref<40x128xf32, #tpu.memory_space<vmem>>)
        "tpu.region"() ({
          %run_scoped3A = tpu.sem_alloc : memref<!tpu.dma_semaphore, #tpu.memory_space<semaphore_mem>>
          %dma_start3A_67 = arith.constant 0 : i32
          %dma_start3A_68 = arith.constant 0 : i32
          %dma_start3A_69 = tpu.memref_slice %arg11[%dma_start3A_67, %dma_start3A_68] : memref<14528x128xf32, #tpu.memory_space<vmem_shared>> -> memref<14528x128xf32, #tpu.memory_space<vmem_shared>>
          tpu.enqueue_indirect_dma source(%arg9 : memref<40x128xf32, #tpu.memory_space<vmem>>) target(%dma_start3A_69 : memref<14528x128xf32, #tpu.memory_space<vmem_shared>>) offsets(%arg7 : memref<40xi32, #tpu.memory_space<vmem>>) semaphore(%run_scoped3A : memref<!tpu.dma_semaphore, #tpu.memory_space<semaphore_mem>>) {add = true}
          %dma_wait3A_70 = arith.constant 0 : i32
          %dma_wait3A_71 = arith.constant 0 : i32
          %dma_wait3A_72 = tpu.memref_slice %arg11[%dma_wait3A_70, %dma_wait3A_71] : memref<14528x128xf32, #tpu.memory_space<vmem_shared>> -> memref<14528x128xf32, #tpu.memory_space<vmem_shared>>
          tpu.wait_indirect_dma semaphore(%run_scoped3A : memref<!tpu.dma_semaphore, #tpu.memory_space<semaphore_mem>>) src(%arg9 : memref<40x128xf32, #tpu.memory_space<vmem>>) dst(%dma_wait3A_72 : memref<14528x128xf32, #tpu.memory_space<vmem_shared>>)
          tpu.yield
        }) : () -> ()
        %dma_wait3A_61 = tpu.memref_slice %arg4[%add3A_44] : memref<464640xi32, #tpu.memory_space<hbm>> -> memref<40xi32, #tpu.memory_space<hbm>>
        %dma_wait3A_62 = tpu.memref_slice %arg4[%add3A_44] : memref<464640xi32, #tpu.memory_space<hbm>> -> memref<40xi32, #tpu.memory_space<hbm>>
        tpu.wait_dma2 semaphore(%arg14 : memref<!tpu.dma_semaphore, #tpu.memory_space<semaphore_mem>>) src(%dma_wait3A_62 : memref<40xi32, #tpu.memory_space<hbm>>) dst(%arg8 : memref<40xi32, #tpu.memory_space<vmem>>)
        %dma_wait3A_63 = arith.constant 0 : i32
        %dma_wait3A_64 = tpu.memref_slice %arg2[%add3A_44, %dma_wait3A_63] : memref<464640x128xf32, #tpu.memory_space<hbm>> -> memref<40x128xf32, #tpu.memory_space<hbm>>
        %dma_wait3A_65 = arith.constant 0 : i32
        %dma_wait3A_66 = tpu.memref_slice %arg2[%add3A_44, %dma_wait3A_65] : memref<464640x128xf32, #tpu.memory_space<hbm>> -> memref<40x128xf32, #tpu.memory_space<hbm>>
        tpu.wait_dma2 semaphore(%arg15 : memref<!tpu.dma_semaphore, #tpu.memory_space<semaphore_mem>>) src(%dma_wait3A_66 : memref<40x128xf32, #tpu.memory_space<hbm>>) dst(%arg10 : memref<40x128xf32, #tpu.memory_space<vmem>>)
        "tpu.region"() ({
          %run_scoped3A = tpu.sem_alloc : memref<!tpu.dma_semaphore, #tpu.memory_space<semaphore_mem>>
          %dma_start3A_67 = arith.constant 0 : i32
          %dma_start3A_68 = arith.constant 0 : i32
          %dma_start3A_69 = tpu.memref_slice %arg11[%dma_start3A_67, %dma_start3A_68] : memref<14528x128xf32, #tpu.memory_space<vmem_shared>> -> memref<14528x128xf32, #tpu.memory_space<vmem_shared>>
          tpu.enqueue_indirect_dma source(%arg10 : memref<40x128xf32, #tpu.memory_space<vmem>>) target(%dma_start3A_69 : memref<14528x128xf32, #tpu.memory_space<vmem_shared>>) offsets(%arg8 : memref<40xi32, #tpu.memory_space<vmem>>) semaphore(%run_scoped3A : memref<!tpu.dma_semaphore, #tpu.memory_space<semaphore_mem>>) {add = true}
          %dma_wait3A_70 = arith.constant 0 : i32
          %dma_wait3A_71 = arith.constant 0 : i32
          %dma_wait3A_72 = tpu.memref_slice %arg11[%dma_wait3A_70, %dma_wait3A_71] : memref<14528x128xf32, #tpu.memory_space<vmem_shared>> -> memref<14528x128xf32, #tpu.memory_space<vmem_shared>>
          tpu.wait_indirect_dma semaphore(%run_scoped3A : memref<!tpu.dma_semaphore, #tpu.memory_space<semaphore_mem>>) src(%arg10 : memref<40x128xf32, #tpu.memory_space<vmem>>) dst(%dma_wait3A_72 : memref<14528x128xf32, #tpu.memory_space<vmem_shared>>)
          tpu.yield
        }) : () -> ()
      }
      %scan3A_33 = arith.constant 363 : i32
    } else {
    }
    %barrier3A_19 = arith.constant 0 : index
    tpu.barrier barrier_id(%barrier3A_19)
    %lt3A_20 = arith.constant 7 : i32
    %lt3A_21 = arith.cmpi slt, %arg1, %lt3A_20 : i32
    %convert_element_type3A_22 = arith.extui %lt3A_21 : i1 to i32
    %cond3A_23 = arith.constant 0 : i32
    %cond3A_24 = arith.cmpi ne, %convert_element_type3A_22, %cond3A_23 : i32
    scf.if %cond3A_24 {
      %mul3A_30 = arith.constant 1816 : i32
      %mul3A_31 = arith.muli %arg1, %mul3A_30 : i32
      %mul3A_32 = arith.constant 1816 : i32
      %mul3A_33 = arith.muli %arg1, %mul3A_32 : i32
      %add3A = arith.addi %mul3A_0, %mul3A_33 : i32
      "tpu.region"() ({
        %run_scoped3A = tpu.sem_alloc : memref<!tpu.dma_semaphore, #tpu.memory_space<semaphore_mem>>
        %dma_start3A = arith.constant 0 : i32
        %dma_start3A_34 = tpu.memref_slice %arg6[%add3A, %dma_start3A] : memref<29040x128xf32, #tpu.memory_space<hbm>> -> memref<1816x128xf32, #tpu.memory_space<hbm>>
        %dma_start3A_35 = arith.constant 0 : i32
        %dma_start3A_36 = tpu.memref_slice %arg11[%mul3A_31, %dma_start3A_35] : memref<14528x128xf32, #tpu.memory_space<vmem_shared>> -> memref<1816x128xf32, #tpu.memory_space<vmem_shared>>
        tpu.enqueue_dma source(%dma_start3A_36 : memref<1816x128xf32, #tpu.memory_space<vmem_shared>>) target(%dma_start3A_34 : memref<1816x128xf32, #tpu.memory_space<hbm>>) target_semaphore(%run_scoped3A : memref<!tpu.dma_semaphore, #tpu.memory_space<semaphore_mem>>)
        %dma_wait3A = arith.constant 0 : i32
        %dma_wait3A_37 = tpu.memref_slice %arg6[%add3A, %dma_wait3A] : memref<29040x128xf32, #tpu.memory_space<hbm>> -> memref<1816x128xf32, #tpu.memory_space<hbm>>
        %dma_wait3A_38 = arith.constant 0 : i32
        %dma_wait3A_39 = tpu.memref_slice %arg11[%mul3A_31, %dma_wait3A_38] : memref<14528x128xf32, #tpu.memory_space<vmem_shared>> -> memref<1816x128xf32, #tpu.memory_space<vmem_shared>>
        tpu.wait_dma2 semaphore(%run_scoped3A : memref<!tpu.dma_semaphore, #tpu.memory_space<semaphore_mem>>) src(%dma_wait3A_39 : memref<1816x128xf32, #tpu.memory_space<vmem_shared>>) dst(%dma_wait3A_37 : memref<1816x128xf32, #tpu.memory_space<hbm>>)
        tpu.yield
      }) : () -> ()
    } else {
    }
    %eq3A_25 = arith.constant 7 : i32
    %eq3A_26 = arith.cmpi eq, %arg1, %eq3A_25 : i32
    %convert_element_type3A_27 = arith.extui %eq3A_26 : i1 to i32
    %cond3A_28 = arith.constant 0 : i32
    %cond3A_29 = arith.cmpi ne, %convert_element_type3A_27, %cond3A_28 : i32
    scf.if %cond3A_29 {
      %add3A = arith.constant 12712 : i32
      %add3A_30 = arith.addi %mul3A_0, %add3A : i32
      "tpu.region"() ({
        %run_scoped3A = tpu.sem_alloc : memref<!tpu.dma_semaphore, #tpu.memory_space<semaphore_mem>>
        %dma_start3A = arith.constant 0 : i32
        %dma_start3A_31 = tpu.memref_slice %arg6[%add3A_30, %dma_start3A] : memref<29040x128xf32, #tpu.memory_space<hbm>> -> memref<1808x128xf32, #tpu.memory_space<hbm>>
        %dma_start3A_32 = arith.constant 12712 : i32
        %dma_start3A_33 = arith.constant 0 : i32
        %dma_start3A_34 = tpu.memref_slice %arg11[%dma_start3A_32, %dma_start3A_33] : memref<14528x128xf32, #tpu.memory_space<vmem_shared>> -> memref<1808x128xf32, #tpu.memory_space<vmem_shared>>
        tpu.enqueue_dma source(%dma_start3A_34 : memref<1808x128xf32, #tpu.memory_space<vmem_shared>>) target(%dma_start3A_31 : memref<1808x128xf32, #tpu.memory_space<hbm>>) target_semaphore(%run_scoped3A : memref<!tpu.dma_semaphore, #tpu.memory_space<semaphore_mem>>)
        %dma_wait3A = arith.constant 0 : i32
        %dma_wait3A_35 = tpu.memref_slice %arg6[%add3A_30, %dma_wait3A] : memref<29040x128xf32, #tpu.memory_space<hbm>> -> memref<1808x128xf32, #tpu.memory_space<hbm>>
        %dma_wait3A_36 = arith.constant 12712 : i32
        %dma_wait3A_37 = arith.constant 0 : i32
        %dma_wait3A_38 = tpu.memref_slice %arg11[%dma_wait3A_36, %dma_wait3A_37] : memref<14528x128xf32, #tpu.memory_space<vmem_shared>> -> memref<1808x128xf32, #tpu.memory_space<vmem_shared>>
        tpu.wait_dma2 semaphore(%run_scoped3A : memref<!tpu.dma_semaphore, #tpu.memory_space<semaphore_mem>>) src(%dma_wait3A_38 : memref<1808x128xf32, #tpu.memory_space<vmem_shared>>) dst(%dma_wait3A_35 : memref<1808x128xf32, #tpu.memory_space<hbm>>)
        tpu.yield
      }) : () -> ()
    } else {
    }
    return
  }
}

module attributes {stable_mosaic.version = 14 : i64} {
  func.func @_pre_body(%arg0: i32, %arg1: memref<2904x64xf32, #tpu.memory_space<vmem>>, %arg2: memref<2904x11xf32, #tpu.memory_space<vmem>>, %arg3: memref<2904x11xf32, #tpu.memory_space<vmem>>, %arg4: memref<64x64xf32, #tpu.memory_space<vmem>>, %arg5: memref<64x64xf32, #tpu.memory_space<vmem>>, %arg6: memref<64xf32, #tpu.memory_space<vmem>>, %arg7: memref<2904x128xf32, #tpu.memory_space<vmem>>, %arg8: memref<2904x128xf32, #tpu.memory_space<vmem>>) attributes {dimension_semantics = [#tpu.dimension_semantics<arbitrary>], iteration_bounds = array<i64: 10>, scalar_prefetch = 0 : i64, scratch_operands = 0 : i64, tpu.core_type = #tpu.core_type<tc>, window_params = [{transform_indices = @transform_0, window_bounds = array<i64: 2904, 64>}, {transform_indices = @transform_1, window_bounds = array<i64: 2904, 11>}, {transform_indices = @transform_2, window_bounds = array<i64: 2904, 11>}, {pipeline_mode = #tpu.pipeline_mode<synchronous>, transform_indices = @transform_3, window_bounds = array<i64: 64, 64>}, {pipeline_mode = #tpu.pipeline_mode<synchronous>, transform_indices = @transform_4, window_bounds = array<i64: 64, 64>}, {pipeline_mode = #tpu.pipeline_mode<synchronous>, transform_indices = @transform_5, window_bounds = array<i64: 64>}, {transform_indices = @transform_6, window_bounds = array<i64: 2904, 128>}, {transform_indices = @transform_7, window_bounds = array<i64: 2904, 128>}]} {
    %get3A = arith.constant 0 : index
    %get3A_0 = arith.constant 0 : index
    %get3A_1 = vector.load %arg1[%get3A, %get3A_0] : memref<2904x64xf32, #tpu.memory_space<vmem>>, vector<2904x64xf32>
    %broadcast_in_dim3A = arith.constant 0.000000e+00 : f32
    %broadcast_in_dim3A_2 = vector.broadcast %broadcast_in_dim3A : f32 to vector<2904x42xf32>
    %get3A_3 = arith.constant 0 : index
    %get3A_4 = arith.constant 0 : index
    %get3A_5 = vector.load %arg4[%get3A_3, %get3A_4] : memref<64x64xf32, #tpu.memory_space<vmem>>, vector<64x64xf32>
    %dot_general3A = arith.constant dense<0.000000e+00> : vector<2904x64xf32>
    %dot_general3A_6 = tpu.matmul %get3A_1, %get3A_5, %dot_general3A {dimension_numbers = #tpu.dot_dimension_numbers<[1], [0], [0], [1], [0, 0, 1, 1], [], []>, transpose_lhs_hint = false} : vector<2904x64xf32>, vector<64x64xf32>, vector<2904x64xf32> -> vector<2904x64xf32>
    %get3A_7 = arith.constant 0 : index
    %get3A_8 = vector.load %arg6[%get3A_7] : memref<64xf32, #tpu.memory_space<vmem>>, vector<64xf32>
    %broadcast_in_dim3A_9 = vector.shape_cast %get3A_8 : vector<64xf32> to vector<1x64xf32>
    %add3A = vector.broadcast %broadcast_in_dim3A_9 : vector<1x64xf32> to vector<2904x64xf32>
    %add3A_10 = arith.addf %dot_general3A_6, %add3A : vector<2904x64xf32>
    %get3A_11 = arith.constant 0 : index
    %get3A_12 = arith.constant 0 : index
    %get3A_13 = vector.load %arg5[%get3A_11, %get3A_12] : memref<64x64xf32, #tpu.memory_space<vmem>>, vector<64x64xf32>
    %dot_general3A_14 = arith.constant dense<0.000000e+00> : vector<2904x64xf32>
    %dot_general3A_15 = tpu.matmul %get3A_1, %get3A_13, %dot_general3A_14 {dimension_numbers = #tpu.dot_dimension_numbers<[1], [0], [0], [1], [0, 0, 1, 1], [], []>, transpose_lhs_hint = false} : vector<2904x64xf32>, vector<64x64xf32>, vector<2904x64xf32> -> vector<2904x64xf32>
    %get3A_16 = arith.constant 0 : index
    %get3A_17 = arith.constant 0 : index
    %get3A_18 = vector.load %arg2[%get3A_16, %get3A_17] : memref<2904x11xf32, #tpu.memory_space<vmem>>, vector<2904x11xf32>
    %get3A_19 = arith.constant 0 : index
    %get3A_20 = arith.constant 0 : index
    %get3A_21 = vector.load %arg3[%get3A_19, %get3A_20] : memref<2904x11xf32, #tpu.memory_space<vmem>>, vector<2904x11xf32>
    %concatenate3A = tpu.concatenate %add3A_10, %get3A_18, %get3A_21, %broadcast_in_dim3A_2 in 1 : vector<2904x64xf32>, vector<2904x11xf32>, vector<2904x11xf32>, vector<2904x42xf32> -> vector<2904x128xf32>
    %swap3A = arith.constant 0 : index
    %swap3A_22 = arith.constant 0 : index
    %swap3A_23 = vector.load %arg7[%swap3A, %swap3A_22] : memref<2904x128xf32, #tpu.memory_space<vmem>>, vector<2904x128xf32>
    tpu.vector_store %arg7[%swap3A, %swap3A_22], %concatenate3A {strides = array<i32>} : memref<2904x128xf32, #tpu.memory_space<vmem>>, vector<2904x128xf32>,
    %get3A_24 = arith.constant 0 : index
    %get3A_25 = arith.constant 0 : index
    %get3A_26 = vector.load %arg2[%get3A_24, %get3A_25] : memref<2904x11xf32, #tpu.memory_space<vmem>>, vector<2904x11xf32>
    %get3A_27 = arith.constant 0 : index
    %get3A_28 = arith.constant 0 : index
    %get3A_29 = vector.load %arg3[%get3A_27, %get3A_28] : memref<2904x11xf32, #tpu.memory_space<vmem>>, vector<2904x11xf32>
    %concatenate3A_30 = tpu.concatenate %dot_general3A_15, %get3A_26, %get3A_29, %broadcast_in_dim3A_2 in 1 : vector<2904x64xf32>, vector<2904x11xf32>, vector<2904x11xf32>, vector<2904x42xf32> -> vector<2904x128xf32>
    %swap3A_31 = arith.constant 0 : index
    %swap3A_32 = arith.constant 0 : index
    %swap3A_33 = vector.load %arg8[%swap3A_31, %swap3A_32] : memref<2904x128xf32, #tpu.memory_space<vmem>>, vector<2904x128xf32>
    tpu.vector_store %arg8[%swap3A_31, %swap3A_32], %concatenate3A_30 {strides = array<i32>} : memref<2904x128xf32, #tpu.memory_space<vmem>>, vector<2904x128xf32>,
    return
  }
  func.func @transform_0(%arg0: i32) -> (i32, i32) {
    %c0_i32 = arith.constant 0 : i32
    %c0_i32_0 = arith.constant 0 : i32
    return %arg0, %c0_i32 : i32, i32
  }
  func.func @transform_1(%arg0: i32) -> (i32, i32) {
    %c0_i32 = arith.constant 0 : i32
    %c0_i32_0 = arith.constant 0 : i32
    return %arg0, %c0_i32 : i32, i32
  }
  func.func @transform_2(%arg0: i32) -> (i32, i32) {
    %c0_i32 = arith.constant 0 : i32
    %c0_i32_0 = arith.constant 0 : i32
    return %arg0, %c0_i32 : i32, i32
  }
  func.func @transform_3(%arg0: i32) -> (i32, i32) {
    %c0_i32 = arith.constant 0 : i32
    %c0_i32_0 = arith.constant 0 : i32
    %c0_i32_1 = arith.constant 0 : i32
    return %c0_i32, %c0_i32_0 : i32, i32
  }
  func.func @transform_4(%arg0: i32) -> (i32, i32) {
    %c0_i32 = arith.constant 0 : i32
    %c0_i32_0 = arith.constant 0 : i32
    %c0_i32_1 = arith.constant 0 : i32
    return %c0_i32, %c0_i32_0 : i32, i32
  }
  func.func @transform_5(%arg0: i32) -> i32 {
    %c0_i32 = arith.constant 0 : i32
    %c0_i32_0 = arith.constant 0 : i32
    return %c0_i32 : i32
  }
  func.func @transform_6(%arg0: i32) -> (i32, i32) {
    %c0_i32 = arith.constant 0 : i32
    %c0_i32_0 = arith.constant 0 : i32
    return %arg0, %c0_i32 : i32, i32
  }
  func.func @transform_7(%arg0: i32) -> (i32, i32) {
    %c0_i32 = arith.constant 0 : i32
    %c0_i32_0 = arith.constant 0 : i32
    return %arg0, %c0_i32 : i32, i32
  }
}

module attributes {stable_mosaic.version = 14 : i64} {
  func.func @_edge_body(%arg0: i32, %arg1: memref<3840x128xf32, #tpu.memory_space<vmem>>, %arg2: memref<3840x128xf32, #tpu.memory_space<vmem>>, %arg3: memref<3840x1xf32, #tpu.memory_space<vmem>>, %arg4: memref<33x64xf32, #tpu.memory_space<vmem>>, %arg5: memref<1x64xf32, #tpu.memory_space<vmem>>, %arg6: memref<64x64xf32, #tpu.memory_space<vmem>>, %arg7: memref<64xf32, #tpu.memory_space<vmem>>, %arg8: memref<64x64xf32, #tpu.memory_space<vmem>>, %arg9: memref<64xf32, #tpu.memory_space<vmem>>, %arg10: memref<64x22xf32, #tpu.memory_space<vmem>>, %arg11: memref<3840x128xf32, #tpu.memory_space<vmem>>) attributes {dimension_semantics = [#tpu.dimension_semantics<arbitrary>], iteration_bounds = array<i64: 121>, scalar_prefetch = 0 : i64, scratch_operands = 0 : i64, tpu.core_type = #tpu.core_type<tc>, window_params = [{transform_indices = @transform_0, window_bounds = array<i64: 3840, 128>}, {transform_indices = @transform_1, window_bounds = array<i64: 3840, 128>}, {transform_indices = @transform_2, window_bounds = array<i64: 3840, 1>}, {pipeline_mode = #tpu.pipeline_mode<synchronous>, transform_indices = @transform_3, window_bounds = array<i64: 33, 64>}, {pipeline_mode = #tpu.pipeline_mode<synchronous>, transform_indices = @transform_4, window_bounds = array<i64: 1, 64>}, {pipeline_mode = #tpu.pipeline_mode<synchronous>, transform_indices = @transform_5, window_bounds = array<i64: 64, 64>}, {pipeline_mode = #tpu.pipeline_mode<synchronous>, transform_indices = @transform_6, window_bounds = array<i64: 64>}, {pipeline_mode = #tpu.pipeline_mode<synchronous>, transform_indices = @transform_7, window_bounds = array<i64: 64, 64>}, {pipeline_mode = #tpu.pipeline_mode<synchronous>, transform_indices = @transform_8, window_bounds = array<i64: 64>}, {pipeline_mode = #tpu.pipeline_mode<synchronous>, transform_indices = @transform_9, window_bounds = array<i64: 64, 22>}, {transform_indices = @transform_10, window_bounds = array<i64: 3840, 128>}]} {
    %get3A = arith.constant 0 : index
    %get3A_0 = arith.constant 0 : index
    %get3A_1 = vector.load %arg1[%get3A, %get3A_0] : memref<3840x128xf32, #tpu.memory_space<vmem>>, vector<3840x128xf32>
    %get3A_2 = arith.constant 0 : index
    %get3A_3 = arith.constant 0 : index
    %get3A_4 = vector.load %arg2[%get3A_2, %get3A_3] : memref<3840x128xf32, #tpu.memory_space<vmem>>, vector<3840x128xf32>
    %slice3A = vector.extract_strided_slice %get3A_1 {offsets = [0, 64], sizes = [3840, 11], strides = [1, 1]} : vector<3840x128xf32> to vector<3840x11xf32>
    %slice3A_5 = vector.extract_strided_slice %get3A_1 {offsets = [0, 75], sizes = [3840, 11], strides = [1, 1]} : vector<3840x128xf32> to vector<3840x11xf32>
    %slice3A_6 = vector.extract_strided_slice %get3A_4 {offsets = [0, 64], sizes = [3840, 11], strides = [1, 1]} : vector<3840x128xf32> to vector<3840x11xf32>
    %slice3A_7 = vector.extract_strided_slice %get3A_4 {offsets = [0, 75], sizes = [3840, 11], strides = [1, 1]} : vector<3840x128xf32> to vector<3840x11xf32>
    %mul3A = arith.mulf %slice3A_6, %slice3A_6 : vector<3840x11xf32>
    %mul3A_8 = arith.mulf %slice3A_7, %slice3A_7 : vector<3840x11xf32>
    %add3A = arith.addf %mul3A, %mul3A_8 : vector<3840x11xf32>
    %sqrt3A = math.sqrt %add3A : vector<3840x11xf32>
    %mul3A_9 = arith.mulf %slice3A, %slice3A : vector<3840x11xf32>
    %mul3A_10 = arith.mulf %slice3A_5, %slice3A_5 : vector<3840x11xf32>
    %add3A_11 = arith.addf %mul3A_9, %mul3A_10 : vector<3840x11xf32>
    %sqrt3A_12 = math.sqrt %add3A_11 : vector<3840x11xf32>
    %mul3A_13 = arith.mulf %slice3A_6, %slice3A : vector<3840x11xf32>
    %mul3A_14 = arith.mulf %slice3A_7, %slice3A_5 : vector<3840x11xf32>
    %add3A_15 = arith.addf %mul3A_13, %mul3A_14 : vector<3840x11xf32>
    %mul3A_16 = arith.mulf %sqrt3A, %sqrt3A_12 : vector<3840x11xf32>
    %div3A = arith.divf %add3A_15, %mul3A_16 : vector<3840x11xf32>
    %concatenate3A = tpu.concatenate %div3A, %sqrt3A, %sqrt3A_12 in 1 : vector<3840x11xf32>, vector<3840x11xf32>, vector<3840x11xf32> -> vector<3840x33xf32>
    %convert_element_type3A = arith.truncf %concatenate3A : vector<3840x33xf32> to vector<3840x33xbf16>
    %slice3A_17 = vector.extract_strided_slice %get3A_1 {offsets = [0, 0], sizes = [3840, 64], strides = [1, 1]} : vector<3840x128xf32> to vector<3840x64xf32>
    %slice3A_18 = vector.extract_strided_slice %get3A_4 {offsets = [0, 0], sizes = [3840, 64], strides = [1, 1]} : vector<3840x128xf32> to vector<3840x64xf32>
    %add3A_19 = arith.addf %slice3A_17, %slice3A_18 : vector<3840x64xf32>
    %get3A_20 = arith.constant 0 : index
    %get3A_21 = arith.constant 0 : index
    %get3A_22 = vector.load %arg4[%get3A_20, %get3A_21] : memref<33x64xf32, #tpu.memory_space<vmem>>, vector<33x64xf32>
    %convert_element_type3A_23 = arith.truncf %get3A_22 : vector<33x64xf32> to vector<33x64xbf16>
    %dot_general3A = arith.constant dense<0.000000e+00> : vector<3840x64xf32>
    %dot_general3A_24 = tpu.matmul %convert_element_type3A, %convert_element_type3A_23, %dot_general3A {dimension_numbers = #tpu.dot_dimension_numbers<[1], [0], [0], [1], [0, 0, 1, 1], [], []>, transpose_lhs_hint = false} : vector<3840x33xbf16>, vector<33x64xbf16>, vector<3840x64xf32> -> vector<3840x64xf32>
    %add3A_25 = arith.addf %add3A_19, %dot_general3A_24 : vector<3840x64xf32>
    %get3A_26 = arith.constant 0 : index
    %get3A_27 = arith.constant 0 : index
    %get3A_28 = vector.load %arg3[%get3A_26, %get3A_27] : memref<3840x1xf32, #tpu.memory_space<vmem>>, vector<3840x1xf32>
    %get3A_29 = arith.constant 0 : index
    %get3A_30 = arith.constant 0 : index
    %get3A_31 = vector.load %arg5[%get3A_29, %get3A_30] : memref<1x64xf32, #tpu.memory_space<vmem>>, vector<1x64xf32>
    %mul3A_32 = vector.broadcast %get3A_28 : vector<3840x1xf32> to vector<3840x64xf32>
    %mul3A_33 = vector.broadcast %get3A_31 : vector<1x64xf32> to vector<3840x64xf32>
    %mul3A_34 = arith.mulf %mul3A_32, %mul3A_33 : vector<3840x64xf32>
    %add3A_35 = arith.addf %add3A_25, %mul3A_34 : vector<3840x64xf32>
    %max3A = arith.constant 0.000000e+00 : f32
    %max3A_36 = vector.broadcast %max3A : f32 to vector<3840x64xf32>
    %max3A_37 = arith.maximumf %add3A_35, %max3A_36 : vector<3840x64xf32>
    %convert_element_type3A_38 = arith.truncf %max3A_37 : vector<3840x64xf32> to vector<3840x64xbf16>
    %get3A_39 = arith.constant 0 : index
    %get3A_40 = arith.constant 0 : index
    %get3A_41 = vector.load %arg6[%get3A_39, %get3A_40] : memref<64x64xf32, #tpu.memory_space<vmem>>, vector<64x64xf32>
    %convert_element_type3A_42 = arith.truncf %get3A_41 : vector<64x64xf32> to vector<64x64xbf16>
    %dot_general3A_43 = arith.constant dense<0.000000e+00> : vector<3840x64xf32>
    %dot_general3A_44 = tpu.matmul %convert_element_type3A_38, %convert_element_type3A_42, %dot_general3A_43 {dimension_numbers = #tpu.dot_dimension_numbers<[1], [0], [0], [1], [0, 0, 1, 1], [], []>, transpose_lhs_hint = false} : vector<3840x64xbf16>, vector<64x64xbf16>, vector<3840x64xf32> -> vector<3840x64xf32>
    %get3A_45 = arith.constant 0 : index
    %get3A_46 = vector.load %arg7[%get3A_45] : memref<64xf32, #tpu.memory_space<vmem>>, vector<64xf32>
    %broadcast_in_dim3A = vector.shape_cast %get3A_46 : vector<64xf32> to vector<1x64xf32>
    %add3A_47 = vector.broadcast %broadcast_in_dim3A : vector<1x64xf32> to vector<3840x64xf32>
    %add3A_48 = arith.addf %dot_general3A_44, %add3A_47 : vector<3840x64xf32>
    %max3A_49 = arith.constant 0.000000e+00 : f32
    %max3A_50 = vector.broadcast %max3A_49 : f32 to vector<3840x64xf32>
    %max3A_51 = arith.maximumf %add3A_48, %max3A_50 : vector<3840x64xf32>
    %convert_element_type3A_52 = arith.truncf %max3A_51 : vector<3840x64xf32> to vector<3840x64xbf16>
    %get3A_53 = arith.constant 0 : index
    %get3A_54 = arith.constant 0 : index
    %get3A_55 = vector.load %arg8[%get3A_53, %get3A_54] : memref<64x64xf32, #tpu.memory_space<vmem>>, vector<64x64xf32>
    %convert_element_type3A_56 = arith.truncf %get3A_55 : vector<64x64xf32> to vector<64x64xbf16>
    %dot_general3A_57 = arith.constant dense<0.000000e+00> : vector<3840x64xf32>
    %dot_general3A_58 = tpu.matmul %convert_element_type3A_52, %convert_element_type3A_56, %dot_general3A_57 {dimension_numbers = #tpu.dot_dimension_numbers<[1], [0], [0], [1], [0, 0, 1, 1], [], []>, transpose_lhs_hint = false} : vector<3840x64xbf16>, vector<64x64xbf16>, vector<3840x64xf32> -> vector<3840x64xf32>
    %get3A_59 = arith.constant 0 : index
    %get3A_60 = vector.load %arg9[%get3A_59] : memref<64xf32, #tpu.memory_space<vmem>>, vector<64xf32>
    %broadcast_in_dim3A_61 = vector.shape_cast %get3A_60 : vector<64xf32> to vector<1x64xf32>
    %add3A_62 = vector.broadcast %broadcast_in_dim3A_61 : vector<1x64xf32> to vector<3840x64xf32>
    %add3A_63 = arith.addf %dot_general3A_58, %add3A_62 : vector<3840x64xf32>
    %max3A_64 = arith.constant 0.000000e+00 : f32
    %max3A_65 = vector.broadcast %max3A_64 : f32 to vector<3840x64xf32>
    %max3A_66 = arith.maximumf %add3A_63, %max3A_65 : vector<3840x64xf32>
    %convert_element_type3A_67 = arith.truncf %max3A_66 : vector<3840x64xf32> to vector<3840x64xbf16>
    %get3A_68 = arith.constant 0 : index
    %get3A_69 = arith.constant 0 : index
    %get3A_70 = vector.load %arg10[%get3A_68, %get3A_69] : memref<64x22xf32, #tpu.memory_space<vmem>>, vector<64x22xf32>
    %convert_element_type3A_71 = arith.truncf %get3A_70 : vector<64x22xf32> to vector<64x22xbf16>
    %dot_general3A_72 = arith.constant dense<0.000000e+00> : vector<3840x22xf32>
    %dot_general3A_73 = tpu.matmul %convert_element_type3A_67, %convert_element_type3A_71, %dot_general3A_72 {dimension_numbers = #tpu.dot_dimension_numbers<[1], [0], [0], [1], [0, 0, 1, 1], [], []>, transpose_lhs_hint = false} : vector<3840x64xbf16>, vector<64x22xbf16>, vector<3840x22xf32> -> vector<3840x22xf32>
    %slice3A_74 = vector.extract_strided_slice %dot_general3A_73 {offsets = [0, 0], sizes = [3840, 11], strides = [1, 1]} : vector<3840x22xf32> to vector<3840x11xf32>
    %mul3A_75 = arith.mulf %slice3A_74, %slice3A_6 : vector<3840x11xf32>
    %slice3A_76 = vector.extract_strided_slice %dot_general3A_73 {offsets = [0, 11], sizes = [3840, 11], strides = [1, 1]} : vector<3840x22xf32> to vector<3840x11xf32>
    %mul3A_77 = arith.mulf %slice3A_76, %slice3A_7 : vector<3840x11xf32>
    %broadcast_in_dim3A_78 = arith.constant 1.000000e+00 : f32
    %broadcast_in_dim3A_79 = vector.broadcast %broadcast_in_dim3A_78 : f32 to vector<3840x1xf32>
    %broadcast_in_dim3A_80 = arith.constant 0.000000e+00 : f32
    %broadcast_in_dim3A_81 = vector.broadcast %broadcast_in_dim3A_80 : f32 to vector<3840x41xf32>
    %concatenate3A_82 = tpu.concatenate %max3A_51, %mul3A_75, %mul3A_77, %broadcast_in_dim3A_79, %broadcast_in_dim3A_81 in 1 : vector<3840x64xf32>, vector<3840x11xf32>, vector<3840x11xf32>, vector<3840x1xf32>, vector<3840x41xf32> -> vector<3840x128xf32>
    %swap3A = arith.constant 0 : index
    %swap3A_83 = arith.constant 0 : index
    %swap3A_84 = vector.load %arg11[%swap3A, %swap3A_83] : memref<3840x128xf32, #tpu.memory_space<vmem>>, vector<3840x128xf32>
    tpu.vector_store %arg11[%swap3A, %swap3A_83], %concatenate3A_82 {strides = array<i32>} : memref<3840x128xf32, #tpu.memory_space<vmem>>, vector<3840x128xf32>,
    return
  }
  func.func @transform_0(%arg0: i32) -> (i32, i32) {
    %c0_i32 = arith.constant 0 : i32
    %c0_i32_0 = arith.constant 0 : i32
    return %arg0, %c0_i32 : i32, i32
  }
  func.func @transform_1(%arg0: i32) -> (i32, i32) {
    %c0_i32 = arith.constant 0 : i32
    %c0_i32_0 = arith.constant 0 : i32
    return %arg0, %c0_i32 : i32, i32
  }
  func.func @transform_2(%arg0: i32) -> (i32, i32) {
    %c0_i32 = arith.constant 0 : i32
    %c0_i32_0 = arith.constant 0 : i32
    return %arg0, %c0_i32 : i32, i32
  }
  func.func @transform_3(%arg0: i32) -> (i32, i32) {
    %c0_i32 = arith.constant 0 : i32
    %c0_i32_0 = arith.constant 0 : i32
    %c0_i32_1 = arith.constant 0 : i32
    return %c0_i32, %c0_i32_0 : i32, i32
  }
  func.func @transform_4(%arg0: i32) -> (i32, i32) {
    %c0_i32 = arith.constant 0 : i32
    %c0_i32_0 = arith.constant 0 : i32
    %c0_i32_1 = arith.constant 0 : i32
    return %c0_i32, %c0_i32_0 : i32, i32
  }
  func.func @transform_5(%arg0: i32) -> (i32, i32) {
    %c0_i32 = arith.constant 0 : i32
    %c0_i32_0 = arith.constant 0 : i32
    %c0_i32_1 = arith.constant 0 : i32
    return %c0_i32, %c0_i32_0 : i32, i32
  }
  func.func @transform_6(%arg0: i32) -> i32 {
    %c0_i32 = arith.constant 0 : i32
    %c0_i32_0 = arith.constant 0 : i32
    return %c0_i32 : i32
  }
  func.func @transform_7(%arg0: i32) -> (i32, i32) {
    %c0_i32 = arith.constant 0 : i32
    %c0_i32_0 = arith.constant 0 : i32
    %c0_i32_1 = arith.constant 0 : i32
    return %c0_i32, %c0_i32_0 : i32, i32
  }
  func.func @transform_8(%arg0: i32) -> i32 {
    %c0_i32 = arith.constant 0 : i32
    %c0_i32_0 = arith.constant 0 : i32
    return %c0_i32 : i32
  }
  func.func @transform_9(%arg0: i32) -> (i32, i32) {
    %c0_i32 = arith.constant 0 : i32
    %c0_i32_0 = arith.constant 0 : i32
    %c0_i32_1 = arith.constant 0 : i32
    return %c0_i32, %c0_i32_0 : i32, i32
  }
  func.func @transform_10(%arg0: i32) -> (i32, i32) {
    %c0_i32 = arith.constant 0 : i32
    %c0_i32_0 = arith.constant 0 : i32
    return %arg0, %c0_i32 : i32, i32
  }
}

module attributes {stable_mosaic.version = 14 : i64} {
  func.func @_node_body(%arg0: i32, %arg1: memref<240x64xf32, #tpu.memory_space<vmem>>, %arg2: memref<240x128xf32, #tpu.memory_space<vmem>>, %arg3: memref<192x64xf32, #tpu.memory_space<vmem>>, %arg4: memref<64xf32, #tpu.memory_space<vmem>>, %arg5: memref<64x64xf32, #tpu.memory_space<vmem>>, %arg6: memref<64xf32, #tpu.memory_space<vmem>>, %arg7: memref<240x64xf32, #tpu.memory_space<vmem>>, %arg8: memref<240x11xf32, #tpu.memory_space<vmem>>, %arg9: memref<240x11xf32, #tpu.memory_space<vmem>>) attributes {dimension_semantics = [#tpu.dimension_semantics<arbitrary>], iteration_bounds = array<i64: 121>, scalar_prefetch = 0 : i64, scratch_operands = 0 : i64, tpu.core_type = #tpu.core_type<tc>, window_params = [{transform_indices = @transform_0, window_bounds = array<i64: 240, 64>}, {transform_indices = @transform_1, window_bounds = array<i64: 240, 128>}, {pipeline_mode = #tpu.pipeline_mode<synchronous>, transform_indices = @transform_2, window_bounds = array<i64: 192, 64>}, {pipeline_mode = #tpu.pipeline_mode<synchronous>, transform_indices = @transform_3, window_bounds = array<i64: 64>}, {pipeline_mode = #tpu.pipeline_mode<synchronous>, transform_indices = @transform_4, window_bounds = array<i64: 64, 64>}, {pipeline_mode = #tpu.pipeline_mode<synchronous>, transform_indices = @transform_5, window_bounds = array<i64: 64>}, {transform_indices = @transform_6, window_bounds = array<i64: 240, 64>}, {transform_indices = @transform_7, window_bounds = array<i64: 240, 11>}, {transform_indices = @transform_8, window_bounds = array<i64: 240, 11>}]} {
    %get3A = arith.constant 0 : index
    %get3A_0 = arith.constant 0 : index
    %get3A_1 = vector.load %arg1[%get3A, %get3A_0] : memref<240x64xf32, #tpu.memory_space<vmem>>, vector<240x64xf32>
    %get3A_2 = arith.constant 0 : index
    %get3A_3 = arith.constant 0 : index
    %get3A_4 = vector.load %arg2[%get3A_2, %get3A_3] : memref<240x128xf32, #tpu.memory_space<vmem>>, vector<240x128xf32>
    %slice3A = vector.extract_strided_slice %get3A_4 {offsets = [0, 0], sizes = [240, 64], strides = [1, 1]} : vector<240x128xf32> to vector<240x64xf32>
    %slice3A_5 = vector.extract_strided_slice %get3A_4 {offsets = [0, 64], sizes = [240, 22], strides = [1, 1]} : vector<240x128xf32> to vector<240x22xf32>
    %slice3A_6 = vector.extract_strided_slice %get3A_4 {offsets = [0, 86], sizes = [240, 1], strides = [1, 1]} : vector<240x128xf32> to vector<240x1xf32>
    %max3A = arith.constant 1.000000e+00 : f32
    %max3A_7 = vector.broadcast %max3A : f32 to vector<240x1xf32>
    %max3A_8 = arith.maximumf %slice3A_6, %max3A_7 : vector<240x1xf32>
    %div3A = vector.broadcast %max3A_8 : vector<240x1xf32> to vector<240x22xf32>
    %div3A_9 = arith.divf %slice3A_5, %div3A : vector<240x22xf32>
    %jit3A = arith.constant -1.000000e+02 : f32
    %jit3A_10 = arith.constant 1.000000e+02 : f32
    %max3A_11 = vector.broadcast %jit3A : f32 to vector<240x22xf32>
    %max3A_12 = arith.maximumf %max3A_11, %div3A_9 : vector<240x22xf32>
    %min3A = vector.broadcast %jit3A_10 : f32 to vector<240x22xf32>
    %min3A_13 = arith.minimumf %min3A, %max3A_12 : vector<240x22xf32>
    %slice3A_14 = vector.extract_strided_slice %min3A_13 {offsets = [0, 0], sizes = [240, 11], strides = [1, 1]} : vector<240x22xf32> to vector<240x11xf32>
    %swap3A = arith.constant 0 : index
    %swap3A_15 = arith.constant 0 : index
    %swap3A_16 = vector.load %arg8[%swap3A, %swap3A_15] : memref<240x11xf32, #tpu.memory_space<vmem>>, vector<240x11xf32>
    tpu.vector_store %arg8[%swap3A, %swap3A_15], %slice3A_14 {strides = array<i32>} : memref<240x11xf32, #tpu.memory_space<vmem>>, vector<240x11xf32>,
    %slice3A_17 = vector.extract_strided_slice %min3A_13 {offsets = [0, 11], sizes = [240, 11], strides = [1, 1]} : vector<240x22xf32> to vector<240x11xf32>
    %swap3A_18 = arith.constant 0 : index
    %swap3A_19 = arith.constant 0 : index
    %swap3A_20 = vector.load %arg9[%swap3A_18, %swap3A_19] : memref<240x11xf32, #tpu.memory_space<vmem>>, vector<240x11xf32>
    tpu.vector_store %arg9[%swap3A_18, %swap3A_19], %slice3A_17 {strides = array<i32>} : memref<240x11xf32, #tpu.memory_space<vmem>>, vector<240x11xf32>,
    %reduce_sum3A = arith.constant dense<0.000000e+00> : vector<64xf32>
    %reduce_sum3A_21 = vector.multi_reduction <add>, %slice3A, %reduce_sum3A [0] : vector<240x64xf32> to vector<64xf32>
    %broadcast_in_dim3A = vector.shape_cast %reduce_sum3A_21 : vector<64xf32> to vector<1x64xf32>
    %div3A_22 = arith.constant 2.400000e+02 : f32
    %div3A_23 = vector.broadcast %div3A_22 : f32 to vector<1x64xf32>
    %div3A_24 = arith.divf %broadcast_in_dim3A, %div3A_23 : vector<1x64xf32>
    %broadcast_in_dim3A_25 = vector.shape_cast %div3A_24 : vector<1x64xf32> to vector<1x64xf32>
    %broadcast_in_dim3A_26 = vector.broadcast %broadcast_in_dim3A_25 : vector<1x64xf32> to vector<240x64xf32>
    %concatenate3A = tpu.concatenate %get3A_1, %slice3A, %broadcast_in_dim3A_26 in 1 : vector<240x64xf32>, vector<240x64xf32>, vector<240x64xf32> -> vector<240x192xf32>
    %get3A_27 = arith.constant 0 : index
    %get3A_28 = arith.constant 0 : index
    %get3A_29 = vector.load %arg3[%get3A_27, %get3A_28] : memref<192x64xf32, #tpu.memory_space<vmem>>, vector<192x64xf32>
    %dot_general3A = arith.constant dense<0.000000e+00> : vector<240x64xf32>
    %dot_general3A_30 = tpu.matmul %concatenate3A, %get3A_29, %dot_general3A {dimension_numbers = #tpu.dot_dimension_numbers<[1], [0], [0], [1], [0, 0, 1, 1], [], []>, transpose_lhs_hint = false} : vector<240x192xf32>, vector<192x64xf32>, vector<240x64xf32> -> vector<240x64xf32>
    %get3A_31 = arith.constant 0 : index
    %get3A_32 = vector.load %arg4[%get3A_31] : memref<64xf32, #tpu.memory_space<vmem>>, vector<64xf32>
    %broadcast_in_dim3A_33 = vector.shape_cast %get3A_32 : vector<64xf32> to vector<1x64xf32>
    %add3A = vector.broadcast %broadcast_in_dim3A_33 : vector<1x64xf32> to vector<240x64xf32>
    %add3A_34 = arith.addf %dot_general3A_30, %add3A : vector<240x64xf32>
    %max3A_35 = arith.constant 0.000000e+00 : f32
    %max3A_36 = vector.broadcast %max3A_35 : f32 to vector<240x64xf32>
    %max3A_37 = arith.maximumf %add3A_34, %max3A_36 : vector<240x64xf32>
    %get3A_38 = arith.constant 0 : index
    %get3A_39 = arith.constant 0 : index
    %get3A_40 = vector.load %arg5[%get3A_38, %get3A_39] : memref<64x64xf32, #tpu.memory_space<vmem>>, vector<64x64xf32>
    %dot_general3A_41 = arith.constant dense<0.000000e+00> : vector<240x64xf32>
    %dot_general3A_42 = tpu.matmul %max3A_37, %get3A_40, %dot_general3A_41 {dimension_numbers = #tpu.dot_dimension_numbers<[1], [0], [0], [1], [0, 0, 1, 1], [], []>, transpose_lhs_hint = false} : vector<240x64xf32>, vector<64x64xf32>, vector<240x64xf32> -> vector<240x64xf32>
    %get3A_43 = arith.constant 0 : index
    %get3A_44 = vector.load %arg6[%get3A_43] : memref<64xf32, #tpu.memory_space<vmem>>, vector<64xf32>
    %broadcast_in_dim3A_45 = vector.shape_cast %get3A_44 : vector<64xf32> to vector<1x64xf32>
    %add3A_46 = vector.broadcast %broadcast_in_dim3A_45 : vector<1x64xf32> to vector<240x64xf32>
    %add3A_47 = arith.addf %dot_general3A_42, %add3A_46 : vector<240x64xf32>
    %add3A_48 = arith.addf %add3A_47, %get3A_1 : vector<240x64xf32>
    %swap3A_49 = arith.constant 0 : index
    %swap3A_50 = arith.constant 0 : index
    %swap3A_51 = vector.load %arg7[%swap3A_49, %swap3A_50] : memref<240x64xf32, #tpu.memory_space<vmem>>, vector<240x64xf32>
    tpu.vector_store %arg7[%swap3A_49, %swap3A_50], %add3A_48 {strides = array<i32>} : memref<240x64xf32, #tpu.memory_space<vmem>>, vector<240x64xf32>,
    return
  }
  func.func @transform_0(%arg0: i32) -> (i32, i32) {
    %c0_i32 = arith.constant 0 : i32
    %c0_i32_0 = arith.constant 0 : i32
    return %arg0, %c0_i32 : i32, i32
  }
  func.func @transform_1(%arg0: i32) -> (i32, i32) {
    %c0_i32 = arith.constant 0 : i32
    %c0_i32_0 = arith.constant 0 : i32
    return %arg0, %c0_i32 : i32, i32
  }
  func.func @transform_2(%arg0: i32) -> (i32, i32) {
    %c0_i32 = arith.constant 0 : i32
    %c0_i32_0 = arith.constant 0 : i32
    %c0_i32_1 = arith.constant 0 : i32
    return %c0_i32, %c0_i32_0 : i32, i32
  }
  func.func @transform_3(%arg0: i32) -> i32 {
    %c0_i32 = arith.constant 0 : i32
    %c0_i32_0 = arith.constant 0 : i32
    return %c0_i32 : i32
  }
  func.func @transform_4(%arg0: i32) -> (i32, i32) {
    %c0_i32 = arith.constant 0 : i32
    %c0_i32_0 = arith.constant 0 : i32
    %c0_i32_1 = arith.constant 0 : i32
    return %c0_i32, %c0_i32_0 : i32, i32
  }
  func.func @transform_5(%arg0: i32) -> i32 {
    %c0_i32 = arith.constant 0 : i32
    %c0_i32_0 = arith.constant 0 : i32
    return %c0_i32 : i32
  }
  func.func @transform_6(%arg0: i32) -> (i32, i32) {
    %c0_i32 = arith.constant 0 : i32
    %c0_i32_0 = arith.constant 0 : i32
    return %arg0, %c0_i32 : i32, i32
  }
  func.func @transform_7(%arg0: i32) -> (i32, i32) {
    %c0_i32 = arith.constant 0 : i32
    %c0_i32_0 = arith.constant 0 : i32
    return %arg0, %c0_i32 : i32, i32
  }
  func.func @transform_8(%arg0: i32) -> (i32, i32) {
    %c0_i32 = arith.constant 0 : i32
    %c0_i32_0 = arith.constant 0 : i32
    return %arg0, %c0_i32 : i32, i32
  }
}

</mosaic_0001>

<sc_bundles>
// kernel: kernel.10.cloned.1.call-start
scs
__scs_entry_jumppad:
0x0: {  	(pc) =	sbr.rel $0x88, $3  }
0x1: {  	(tag) =	ssettag $0x0;
	lr =	simm.s32 $0x1  }
0x2: {  	[smem:$0x3F91] =	sst lr;
	_ =	strace $0xD0000000  }
0x3: {  	_ = 	snop  }
0x4: {  	_ = 	snop  }
0x5: {  	_ = 	snop  }
0x6: {  	_ = 	snop  }
0x7: {  	_ = 	snop  }
__scs_overlays_trampoline_lowered:
0x8: {  	[smem:$0x3FA0] =	sst s0  }
0x9: {  	[smem:$0x3FA1] =	sst s1  }
0xa: {  	[smem:$0x3FA2] =	sst s2  }
0xb: {  	[smem:$0x3FA3] =	sst s3  }
0xc: {  	[smem:$0x3FA4] =	sst s4  }
0xd: {  	[smem:$0x3FA5] =	sst s5  }
0xe: {  	[smem:$0x3FA6] =	sst s6  }
0xf: {  	[smem:$0x3FA7] =	sst s7  }
0x10: {  	[smem:$0x3FA8] =	sst s8  }
0x11: {  	[smem:$0x3FA9] =	sst s9;
	s0 =	simm.s32 @!p0 $0x0  }
0x12: {  	s1 =	sld [smem:$0x3F8F];
	s0 =	simm.s32 @p0 $0x1  }
0x13: {  	[smem:$0x3FAA] =	sst s0;
	s0 =	simm.s32 @!p1 $0x0  }
0x14: {  	s2 =	sld [smem:$0x3F8E];
	s0 =	simm.s32 @p1 $0x1  }
0x15: {  	[smem:$0x3FAB] =	sst s0;
	s0 =	simm.s32 @!p2 $0x0  }
0x16: {  	s3 =	sld [smem:$0x3FDB];
	s0 =	simm.s32 @p2 $0x1  }
0x17: {  	s4 =	simm.s32 $0x1BF5;
	[smem:$0x3FAD] =	sst s0  }
0x18: {  	s0 =	sld [smem:$0x3F90];
	_ =	swait.ge [sflag:s4], $0x0  }
0x19: {  	s7 =	sld [smem:$0x3F91]  }
0x1a: {  	s8 =	sadd.s32 $0xFFFFE003, lr  }
0x1b: {  	s9 =	sadd.s32 $0xFFFFFEF7, lr;
	s5 =	simm.s32 $0xFFFFFFFF;
	p2 =	slt.u32 s8, $0xFFFFF086  }
0x1c: {  	p1 =	slt.u32 s9, $0xF7A;
	s5 =	simm.s32 @!p2 $0x0  }
0x1d: {  	s5 =	simm.s32 @p1 $0x1;
	p0 =	seq.s32 s7, s2  }
0x1e: {  	s7 =	smul.u32 @!p0 $0xF7A, s2;
	p2 =	seq.s32 @!p0 s5, $0x0  }
0x1f: {  	s9 =	smul.u32 $0xF7A, s1;
	s8 =	simm.s32 @!p0 $0x1BF5;
	p2 =	por !p2, p0  }
0x20: {  	[sflag:s8] =	ssyncset.s32 @!p0 $0xFFFFF086;
	s6 =	sadd.s32 @!p0 s3, s7;
	s7 =	simm.s32 @!p0 $0x108  }
0x21: {  	s3 =	sadd.s32 s3, s9;
	s6 =	sadd.s32 @!p0 $0x88, s6;
	s7 =	simm.s32 @p2 $0x1082  }
0x22: {  	[simem:s7], [sflag:s8] =	dma.local @!p0 [hbm:s6], $0xF7A  }
0x23: {  	s9 =	sor.u32 $0xD0000000, s2;
	s6 =	simm.s32 $0x108;
	_ =	swait.ge @!p0 [sflag:s8], $0x0  }
0x24: {  	s3 =	sadd.s32 $0x88, s3;
	s6 =	simm.s32 @!p1 $0x1082;
	[sflag:s4] =	ssyncset.s32 $0xFFFFF086  }
0x25: {  	[simem:s6], [sflag:s4] =	dma.local [hbm:s3], $0xF7A  }
0x26: {  	[smem:$0x3F91] =	sst s1;
	(tag) =	ssettag s2;
	_ =	strace s9  }
0x27: {  	s1 =	sld [smem:$0x3FA1]  }
0x28: {  	s2 =	sld [smem:$0x3FA2]  }
0x29: {  	s4 =	sld [smem:$0x3FA4]  }
0x2a: {  	p0 =	seq.s32 s5, $0x0;
	s5 =	sld [smem:$0x3FA5]  }
0x2b: {  	s6 =	sld [smem:$0x3FA6]  }
0x2c: {  	s7 =	sld [smem:$0x3FA7]  }
0x2d: {  	s3 =	simm.s32 $0x108;
	s8 =	sld [smem:$0x3FA8]  }
0x2e: {  	s3 =	simm.s32 @!p0 $0x1082;
	s9 =	sld [smem:$0x3FA9]  }
0x2f: {  	lr =	sadd.s32 s0, s3;
	s0 =	sld [smem:$0x3FA0]  }
0x30: {  	s3 =	sld [smem:$0x3FA3]  }
0x31: {  	[smem:$0x3FAC] =	sst s10  }
0x32: {  	s10 =	sld [smem:$0x3FAA];
	_ =	sdelay $0x3  }
0x33: {  	p0 =	seq.s32 s10, $0x1;
	s10 =	sld [smem:$0x3FAC];
	_ =	sdelay $0x3  }
0x34: {  	[smem:$0x3FAC] =	sst s10  }
0x35: {  	s10 =	sld [smem:$0x3FAB];
	_ =	sdelay $0x3  }
0x36: {  	p1 =	seq.s32 s10, $0x1;
	s10 =	sld [smem:$0x3FAC];
	_ =	sdelay $0x3  }
0x37: {  	[smem:$0x3FAC] =	sst s10  }
0x38: {  	s10 =	sld [smem:$0x3FAD]  }
0x39: {  	_ = 	snop;
	(pc) =	sbr.ind lr, $3  }
0x3a: {  	_ = 	snop  }
0x3b: {  	_ = 	snop  }
0x3c: {  	p2 =	seq.s32 s10, $0x1;
	s10 =	sld [smem:$0x3FAC]  }
0x3d: {  	_ =	shalt  }
0x3e: {  	_ =	shalt  }
0x3f: {  	_ =	shalt  }
0x40: {  	_ =	shalt  }
0x41: {  	_ =	shalt  }
0x42: {  	_ =	shalt  }
0x43: {  	_ =	shalt  }
0x44: {  	_ =	shalt  }
0x45: {  	_ =	shalt  }
0x46: {  	_ =	shalt  }
0x47: {  	_ =	shalt  }
0x48: {  	_ =	shalt  }
0x49: {  	_ =	shalt  }
0x4a: {  	_ =	shalt  }
0x4b: {  	_ =	shalt  }
0x4c: {  	_ =	shalt  }
0x4d: {  	_ =	shalt  }
0x4e: {  	_ =	shalt  }
0x4f: {  	_ =	shalt  }
0x50: {  	_ =	shalt  }
0x51: {  	_ =	shalt  }
0x52: {  	_ =	shalt  }
0x53: {  	_ =	shalt  }
0x54: {  	_ =	shalt  }
0x55: {  	_ =	shalt  }
0x56: {  	_ =	shalt  }
0x57: {  	_ =	shalt  }
0x58: {  	_ =	shalt  }
0x59: {  	_ =	shalt  }
0x5a: {  	_ =	shalt  }
0x5b: {  	_ =	shalt  }
0x5c: {  	_ =	shalt  }
0x5d: {  	_ =	shalt  }
0x5e: {  	_ =	shalt  }
0x5f: {  	_ =	shalt  }
0x60: {  	_ =	shalt  }
0x61: {  	_ =	shalt  }
0x62: {  	_ =	shalt  }
0x63: {  	_ =	shalt  }
0x64: {  	_ =	shalt  }
0x65: {  	_ =	shalt  }
0x66: {  	_ =	shalt  }
0x67: {  	_ =	shalt  }
0x68: {  	_ =	shalt  }
0x69: {  	_ =	shalt  }
0x6a: {  	_ =	shalt  }
0x6b: {  	_ =	shalt  }
0x6c: {  	_ =	shalt  }
0x6d: {  	_ =	shalt  }
0x6e: {  	_ =	shalt  }
0x6f: {  	_ =	shalt  }
0x70: {  	_ =	shalt  }
0x71: {  	_ =	shalt  }
0x72: {  	_ =	shalt  }
0x73: {  	_ =	shalt  }
0x74: {  	_ =	shalt  }
0x75: {  	_ =	shalt  }
0x76: {  	_ =	shalt  }
0x77: {  	_ =	shalt  }
0x78: {  	_ =	shalt  }
0x79: {  	_ =	shalt  }
0x7a: {  	_ =	shalt  }
0x7b: {  	_ =	shalt  }
0x7c: {  	_ =	shalt  }
0x7d: {  	_ =	shalt  }
0x7e: {  	_ =	shalt  }
0x7f: {  	_ =	shalt  }
0x80: {  	_ =	shalt  }
0x81: {  	_ =	shalt  }
0x82: {  	_ =	shalt  }
0x83: {  	_ =	shalt  }
0x84: {  	_ =	shalt  }
0x85: {  	_ =	shalt  }
0x86: {  	_ =	shalt  }
0x87: {  	_ =	shalt  }
.Lfunc_end0:
.L_simem_size_0:
called_computation_lowered:
.L_overlay_start_0:
0x88: {  	s2 =	sld [smem:$0x3FD9]  }
0x89: {  	s3 =	sld [smem:$0x3FFE];
	_ =	sdelay $0x1  }
0x8a: {  	s1 =	srdreg.scid  }
0x8b: {  	s0 =	sand.u32 $0x1, s1  }
0x8c: {  	s16 =	sshll.u32 s0, $0xA;
	s2 =	sadd.s32 s3, s2  }
0x8d: {  	s2 =	sadd.s32 s2, s16  }
0x8e: {  	[smem:$0x3FB8] =	sst s2  }
0x8f: {  	_ = 	snop  }
0x90: {  	(tm) =	ssettm $0x1  }
0x91: {  	s17 =	sld [smem:$0x3FFB];
	_ =	sdelay $0x3  }
0x92: {  	_ =	strace s17  }
0x93: {  	s2 =	sld [smem:$0x3FFC];
	_ =	sdelay $0x3  }
0x94: {  	_ =	strace s2  }
0x95: {  	s2 =	sld [smem:$0x3FFD];
	_ =	sdelay $0x3  }
0x96: {  	_ =	strace s2  }
0x97: {  	_ =	strace $0x8FFFFFFF  }
0x98: {  	s18 =	sld [smem:$0x3FDB];
	_ =	sdelay $0x1  }
0x99: {  	s19 =	simm.s32 $_scs_section_size  }
0x9a: {  	s4 =	simm.s32 $_size__tile_overlayer_lowered;
	s5 =	simm.s32 $_tile_overlayer_lowered  }
0x9b: {  	s22 =	simm.s32 $0x1BFF;
	s21 =	sshll.u32 s5, $0x1;
	s2 =	sadd.s32 s19, s18  }
0x9c: {  	s6 =	simm.s32 $0x0;
	s20 =	sshll.u32 s4, $0x1;
	s4 =	sadd.s32 s21, s2  }
0x9d: {  	[timem:s6], [sflag:s22] =	dma.local [hbm:s4], s20  }
0x9e: {  	_ =	swait.ge [sflag:s22], s20  }
0x9f: {  	s3 =	ssub.s32 $0x0, s20;
	[sflag:s22] =	ssyncset.done $0x0  }
0xa0: {  	[sflag:s22] =	ssyncadd.s32 s3;
	_ =	sdelay $0x1  }
0xa1: {  	s23 =	simm.s32 $0x1B8B  }
0xa2: {  	_ =	swait.ge [sflag:s23], $0x1  }
0xa3: {  	[sflag:s23] =	ssyncset.done $0x0  }
0xa4: {  	s25 =	simm.s32 $0x1B8E;
	s24 =	sld [smem:$0x3FFE];
	[sflag:s23] =	ssyncadd.s32 $0xFFFFFFFF  }
0xa5: {  	s26 =	simm.s32 $execute0_lowered;
	[smem:$0x3FD2] =	sst s25  }
0xa6: {  	s4 =	sshll.u32 s26, $0x1;
	_ =	strace $0x80000046;
	[dreg:$0x1] =	wrdreg $0xFFFFFFFF  }
0xa7: {  	s28 =	simm.s32 $_size_execute0_lowered;
	s2 =	sadd.s32 s2, s4;
	[dreg:$0x0] =	wrdreg $0x0  }
0xa8: {  	s4 =	sshll.u32 s28, $0x1;
	[dreg:$0x2] =	wrdreg s2  }
0xa9: {  	[dreg:$0x3] =	wrdreg s4  }
0xaa: {  	[dreg:$0x4] =	wrdreg $0xC0  }
0xab: {  	_ =	task [dreg:s6], $0x5FFFF  }
0xac: {  	[dreg:$0x1] =	wrdreg $0xFFFFFFFF  }
0xad: {  	[dreg:$0x0] =	wrdreg $0x60  }
0xae: {  	[dreg:$0x2] =	wrdreg s24  }
0xaf: {  	[dreg:$0x3] =	wrdreg $0xA  }
0xb0: {  	_ =	task.clear_ibuf [dreg:s6], $0x4FFFF;
	_ =	strace $0x90000046  }
0xb1: {  	s29 =	simm.s32 $0xA;
	_ =	strace $0x80000048  }
0xb2: {  	_ =	swait.ge [sflag:s29], $0x1  }
0xb3: {  	[sflag:s29] =	ssyncadd.s32 $0xFFFFFFFF  }
0xb4: {  	_ =	strace $0x90000048  }
0xb5: {  	_ =	sfence  }
0xb6: {  	s30 =	sld [smem:$0x0];
	_ =	sdelay $0x2  }
0xb7: {  	s31 =	sshll.u32 s1, $0xD;
	s1 =	sshrl.u32 s1, $0x2  }
0xb8: {  	s3 =	sand.u32 $0x4000, s31;
	s1 =	sadd.s32 s1, s30  }
0xb9: {  	s0 =	sor.u32 s3, s0;
	s1 =	sshll.u32 s1, $0x11  }
0xba: {  	s0 =	sor.u32 s1, s0  }
0xbb: {  	s0 =	sadd.s32 $0x8F2B, s0  }
0xbc: {  	[sflag:s0] =	ssyncadd.remote.s32 $0x1  }
0xbd: {  	_ =	sfence.sel $0xFFFF  }
0xbe: {  	[dreg:$0x0] =	wrdreg $0xFFFFFFFF;
	(pc) =	sbr.abs _section_cstart, $3  }
0xbf: {  	[dreg:$0x1] =	wrdreg $0xFFFFFFFF  }
0xc0: {  	_ =	task.clear_ibuf [dreg:s6], $0x2FFFF;
	_ =	strace $0x9FFFFFFF  }
0xc1: {  	(tm) =	ssettm $0x7FFFFFFF  }
tec
execute0_lowered:
.L_overlay_start_1:
0x0: {  	(tag) =	ssettag $0x1  }
0x1: {  	s0 =	rddreg [dreg:$0x0];
	s2 =	simm.s32 $0x0  }
0x2: {  	s1 =	srdreg.scid;
	s4 =	stileid.u32;
	s15 =	simm.s32 $0x80  }
0x3: {  	s16 =	simm.s32 $0x78;
	s17 =	simm.s32 $0x200;
	s18 =	simm.s32 $0x3E00  }
0x4: {  	s19 =	simm.s32 $0x100;
	s28 =	simm.s32 $0x5;
	s29 =	simm.s32 $0x6  }
0x5: {  	s30 =	simm.s32 $0x7;
	[smem:$0x7FF] =	sst s2;
	s3 =	sadd.s32 $0x177200, s0  }
0x6: {  	s31 =	simm.s32 $0x8;
	s11 =	sadd.s32 $0x168E00, s0;
	s8 =	sadd.s32 $0x15AA00, s0  }
0x7: {  	s1 =	sand.u32 $0x1, s1;
	s7 =	sadd.s32 $0x1E8A00, s0;
	s12 =	smul.u32 $0x71700, s4  }
0x8: {  	s5 =	sshll.u32 s4, $0x1;
	s14 =	smul.u32 $0x7170, s4;
	_ =	strace $0x80000047  }
0x9: {  	s6 =	sor.u32 s1, s5;
	s5 =	sadd.s32 $0x77A00, s0;
	s13 =	smul.u32 $0x38B80, s1  }
0xa: {  	s0 =	sadd.s32 $0x8FFA00, s0;
	s9 =	ssub.s32 $0x2, s1;
	s1 =	smul.u32 $0x38B8, s1  }
0xb: {  	[dreg:$0x4] =	wrdreg s11;
	s6 =	smul.u32 $0x38B8, s6;
	s10 =	sshrl.u32 s9, $0x1  }
0xc: {  	s25 =	sadd.s32 s12, s7;
	s9 =	ssub.s32 s9, s10;
	s1 =	sadd.s32 s1, s14  }
0xd: {  	s14 =	simm.s32 $0x9;
	s6 =	sadd.s32 $0x3840, s6;
	s24 =	smax.u32 s9, $0x1  }
0xe: {  	s26 =	sadd.s32 $0x78, s1;
	s20 =	sshrl.u32 s6, $0x3;
	s6 =	sshll.u32 s6, $0x4  }
0xf: {  	[dreg:$0x9] =	wrdreg s24;
	s24 =	simm.s32 $0x2;
	s11 =	sadd.s32 s11, s20  }
0x10: {  	s21 =	sadd.s32 s8, s20;
	s22 =	sadd.s32 s7, s6;
	[dreg:$0x5] =	wrdreg s11  }
0x11: {  	s23 =	sadd.s32 s0, s6;
	s6 =	sadd.s32 s13, s25;
	[dreg:$0x6] =	wrdreg s21  }
0x12: {  	s0 =	sadd.s32 s12, s0;
	s12 =	sshrl.u32 s1, $0x3;
	[dreg:$0x7] =	wrdreg s22  }
0x13: {  	s20 =	simm.s32 $0x180;
	s25 =	simm.s32 $0x3;
	[dreg:$0x8] =	wrdreg s23  }
0x14: {  	[dreg:$0x2] =	wrdreg s6;
	s0 =	sadd.s32 s13, s0;
	s13 =	sshrl.u32 s26, $0x3  }
0x15: {  	s21 =	simm.s32 $0x7A00;
	s22 =	simm.s32 $0xB600;
	s23 =	simm.s32 $0x1  }
0x16: {  	s26 =	simm.s32 $0x4;
	[dreg:$0x3] =	wrdreg s0;
	s0 =	simm.s32 $0x0  }
.LBB2_1:
0x17: {  	s4 =	rddreg [dreg:$0x4]  }
0x18: {  	s1 =	sadd.s32 s4, s12  }
0x19: {  	[tilespmem:s2], [sflag:$0x9] =	stream.linear.gather [hbm4b:s1+s2], $0x78, $0x38;
	[tilespmem:$0xF200] =	vst v63  }
0x1a: {  	_ =	swait.ge [sflag:s14], $0x78  }
0x1b: {  	[sflag:s14] =	ssyncset.done $0x0  }
0x1c: {  	s6 =	sadd.s32 s8, s12;
	[sflag:s14] =	ssyncadd.s32 $0xFFFFFF88  }
0x1d: {  	[tilespmem:s15], [sflag:$0x9] =	stream.linear.gather [hbm4b:s6+s2], $0x78, $0x38;
	[tilespmem:$0xF200] =	vst v63  }
0x1e: {  	_ =	swait.ge [sflag:s14], $0x78  }
0x1f: {  	[sflag:s14] =	ssyncset.done $0x0  }
0x20: {  	[sflag:s14] =	ssyncadd.s32 $0xFFFFFF88  }
0x21: {  	[tilespmem:s17], [sflag:$0x1] =	stream.indirect.gather [hbm4b:s5+s16], $0x80, s2, s16, $0xb8;
	[tilespmem:$0xF200] =	vst v63  }
0x22: {  	_ = 	snop  }
0x23: {  	[tilespmem:s18], [sflag:$0x2] =	stream.indirect.gather [hbm4b:s3+s16], $0x80, s15, s16, $0xb8;
	[tilespmem:$0xF200] =	vst v63  }
0x24: {  	s7 =	sadd.s32 s4, s13  }
0x25: {  	[tilespmem:s19], [sflag:$0x9] =	stream.linear.gather [hbm4b:s7+s2], $0x78, $0x38;
	[tilespmem:$0xF200] =	vst v63  }
0x26: {  	_ =	swait.ge [sflag:s14], $0x78  }
0x27: {  	[sflag:s14] =	ssyncset.done $0x0  }
0x28: {  	s9 =	sadd.s32 s8, s13;
	[sflag:s14] =	ssyncadd.s32 $0xFFFFFF88  }
0x29: {  	[tilespmem:s20], [sflag:$0x9] =	stream.linear.gather [hbm4b:s9+s2], $0x78, $0x38;
	[tilespmem:$0xF200] =	vst v63  }
0x2a: {  	_ =	swait.ge [sflag:s14], $0x78  }
0x2b: {  	[sflag:s14] =	ssyncset.done $0x0  }
0x2c: {  	[sflag:s14] =	ssyncadd.s32 $0xFFFFFF88  }
0x2d: {  	[tilespmem:s21], [sflag:$0x3] =	stream.indirect.gather [hbm4b:s5+s16], $0x80, s19, s16, $0xb8;
	[tilespmem:$0xF200] =	vst v63  }
0x2e: {  	_ = 	snop  }
0x2f: {  	[tilespmem:s22], [sflag:$0x4] =	stream.indirect.gather [hbm4b:s3+s16], $0x80, s20, s16, $0xb8;
	[tilespmem:$0xF200] =	vst v63  }
0x30: {  	_ =	swait.ge [sflag:s23], $0x3C00  }
0x31: {  	[sflag:s23] =	ssyncset.done $0x0  }
0x32: {  	[sflag:s23] =	ssyncadd.s32 $0xFFFFC400  }
0x33: {  	_ =	swait.ge [sflag:s24], $0x3C00  }
0x34: {  	s10 =	rddreg [dreg:$0x2];
	[sflag:s24] =	ssyncset.done $0x0  }
0x35: {  	s6 =	rddreg [dreg:$0x3];
	[sflag:s24] =	ssyncadd.s32 $0xFFFFC400;
	s1 =	sadd.s32 $0x0, s10  }
0x36: {  	[hbm4b:s1+s2] =	stream.linear.scatter [tilespmem:s17], [sflag:$0x5], $0x3C00, $0x38;
	[tilespmem:$0xF200] =	vst v63  }
0x37: {  	s6 =	sadd.s32 $0x0, s6  }
0x38: {  	[hbm4b:s6+s2] =	stream.linear.scatter [tilespmem:s18], [sflag:$0x6], $0x3C00, $0x38;
	[tilespmem:$0xF200] =	vst v63  }
0x39: {  	_ =	swait.ge [sflag:s25], $0x3C00  }
0x3a: {  	[sflag:s25] =	ssyncset.done $0x0  }
0x3b: {  	[sflag:s25] =	ssyncadd.s32 $0xFFFFC400  }
0x3c: {  	_ =	swait.ge [sflag:s26], $0x3C00  }
0x3d: {  	[sflag:s26] =	ssyncset.done $0x0  }
0x3e: {  	s1 =	sadd.s32 $0x780, s1;
	[sflag:s26] =	ssyncadd.s32 $0xFFFFC400  }
0x3f: {  	[hbm4b:s1+s2] =	stream.linear.scatter [tilespmem:s21], [sflag:$0x7], $0x3C00, $0x38;
	[tilespmem:$0xF200] =	vst v63  }
0x40: {  	s11 =	sadd.s32 $0x780, s6  }
0x41: {  	[hbm4b:s11+s2] =	stream.linear.scatter [tilespmem:s22], [sflag:$0x8], $0x3C00, $0x38;
	[tilespmem:$0xF200] =	vst v63  }
0x42: {  	_ =	swait.ge [sflag:s28], $0x3C00  }
0x43: {  	[sflag:s28] =	ssyncset.done $0x0  }
0x44: {  	[sflag:s28] =	ssyncadd.s32 $0xFFFFC400  }
0x45: {  	_ =	swait.ge [sflag:s29], $0x3C00  }
0x46: {  	[sflag:s29] =	ssyncset.done $0x0  }
0x47: {  	[sflag:s29] =	ssyncadd.s32 $0xFFFFC400  }
0x48: {  	_ =	swait.ge [sflag:s30], $0x3C00  }
0x49: {  	[sflag:s30] =	ssyncset.done $0x0  }
0x4a: {  	[sflag:s30] =	ssyncadd.s32 $0xFFFFC400  }
0x4b: {  	s7 =	sadd.s32 $0x1E, s4;
	s9 =	simm.s32 $0x1E00;
	_ =	swait.ge [sflag:s31], $0x3C00  }
0x4c: {  	s6 =	smov.u32 s8;
	s1 =	simm.s32 $0xF00;
	[sflag:s31] =	ssyncset.done $0x0  }
.LBB2_2:
0x4d: {  	s11 =	sadd.s32 s7, s12;
	[sflag:s31] =	ssyncadd.s32 $0xFFFFC400  }
0x4e: {  	[tilespmem:s2], [sflag:$0x9] =	stream.linear.gather [hbm4b:s11+s2], $0x78, $0x38;
	[tilespmem:$0xF200] =	vst v63  }
0x4f: {  	_ =	swait.ge [sflag:s14], $0x78  }
0x50: {  	s6 =	sadd.s32 $0x1E, s6;
	[sflag:s14] =	ssyncset.done $0x0  }
0x51: {  	s4 =	sadd.s32 s6, s12;
	[sflag:s14] =	ssyncadd.s32 $0xFFFFFF88  }
0x52: {  	[tilespmem:s15], [sflag:$0x9] =	stream.linear.gather [hbm4b:s4+s2], $0x78, $0x38;
	[tilespmem:$0xF200] =	vst v63  }
0x53: {  	_ =	swait.ge [sflag:s14], $0x78  }
0x54: {  	[sflag:s14] =	ssyncset.done $0x0  }
0x55: {  	[sflag:s14] =	ssyncadd.s32 $0xFFFFFF88  }
0x56: {  	[tilespmem:s17], [sflag:$0x1] =	stream.indirect.gather [hbm4b:s5+s16], $0x80, s2, s16, $0xb8;
	[tilespmem:$0xF200] =	vst v63  }
0x57: {  	_ = 	snop  }
0x58: {  	[tilespmem:s18], [sflag:$0x2] =	stream.indirect.gather [hbm4b:s3+s16], $0x80, s15, s16, $0xb8;
	[tilespmem:$0xF200] =	vst v63  }
0x59: {  	s4 =	sadd.s32 s7, s13  }
0x5a: {  	[tilespmem:s19], [sflag:$0x9] =	stream.linear.gather [hbm4b:s4+s2], $0x78, $0x38;
	[tilespmem:$0xF200] =	vst v63  }
0x5b: {  	_ =	swait.ge [sflag:s14], $0x78  }
0x5c: {  	[sflag:s14] =	ssyncset.done $0x0  }
0x5d: {  	s4 =	sadd.s32 s6, s13;
	[sflag:s14] =	ssyncadd.s32 $0xFFFFFF88  }
0x5e: {  	[tilespmem:s20], [sflag:$0x9] =	stream.linear.gather [hbm4b:s4+s2], $0x78, $0x38;
	[tilespmem:$0xF200] =	vst v63  }
0x5f: {  	_ =	swait.ge [sflag:s14], $0x78  }
0x60: {  	[sflag:s14] =	ssyncset.done $0x0  }
0x61: {  	[sflag:s14] =	ssyncadd.s32 $0xFFFFFF88  }
0x62: {  	[tilespmem:s21], [sflag:$0x3] =	stream.indirect.gather [hbm4b:s5+s16], $0x80, s19, s16, $0xb8;
	[tilespmem:$0xF200] =	vst v63  }
0x63: {  	_ = 	snop  }
0x64: {  	[tilespmem:s22], [sflag:$0x4] =	stream.indirect.gather [hbm4b:s3+s16], $0x80, s20, s16, $0xb8;
	[tilespmem:$0xF200] =	vst v63  }
0x65: {  	_ =	swait.ge [sflag:s23], $0x3C00  }
0x66: {  	[sflag:s23] =	ssyncset.done $0x0  }
0x67: {  	[sflag:s23] =	ssyncadd.s32 $0xFFFFC400  }
0x68: {  	_ =	swait.ge [sflag:s24], $0x3C00  }
0x69: {  	s11 =	rddreg [dreg:$0x2];
	[sflag:s24] =	ssyncset.done $0x0  }
0x6a: {  	s4 =	rddreg [dreg:$0x3];
	[sflag:s24] =	ssyncadd.s32 $0xFFFFC400;
	s11 =	sadd.s32 s1, s11  }
0x6b: {  	[hbm4b:s11+s2] =	stream.linear.scatter [tilespmem:s17], [sflag:$0x5], $0x3C00, $0x38;
	[tilespmem:$0xF200] =	vst v63  }
0x6c: {  	s4 =	sadd.s32 s1, s4  }
0x6d: {  	[hbm4b:s4+s2] =	stream.linear.scatter [tilespmem:s18], [sflag:$0x6], $0x3C00, $0x38;
	[tilespmem:$0xF200] =	vst v63  }
0x6e: {  	_ =	swait.ge [sflag:s25], $0x3C00  }
0x6f: {  	[sflag:s25] =	ssyncset.done $0x0  }
0x70: {  	[sflag:s25] =	ssyncadd.s32 $0xFFFFC400  }
0x71: {  	_ =	swait.ge [sflag:s26], $0x3C00  }
0x72: {  	[sflag:s26] =	ssyncset.done $0x0  }
0x73: {  	s11 =	sadd.s32 $0x780, s11;
	[sflag:s26] =	ssyncadd.s32 $0xFFFFC400  }
0x74: {  	[hbm4b:s11+s2] =	stream.linear.scatter [tilespmem:s21], [sflag:$0x7], $0x3C00, $0x38;
	[tilespmem:$0xF200] =	vst v63  }
0x75: {  	s4 =	sadd.s32 $0x780, s4  }
0x76: {  	[hbm4b:s4+s2] =	stream.linear.scatter [tilespmem:s22], [sflag:$0x8], $0x3C00, $0x38;
	[tilespmem:$0xF200] =	vst v63  }
0x77: {  	_ =	swait.ge [sflag:s28], $0x3C00  }
0x78: {  	[sflag:s28] =	ssyncset.done $0x0  }
0x79: {  	[sflag:s28] =	ssyncadd.s32 $0xFFFFC400  }
0x7a: {  	_ =	swait.ge [sflag:s29], $0x3C00  }
0x7b: {  	[sflag:s29] =	ssyncset.done $0x0  }
0x7c: {  	p0 =	sne.s32 s9, $0x37500;
	[sflag:s29] =	ssyncadd.s32 $0xFFFFC400  }
.Ltmp0:
0x7d: {  	_ =	swait.ge [sflag:s30], $0x3C00;
	(pc) =	sbr.rel @p0 .LBB2_2-.Ltmp0, $4  }
0x7e: {  	[sflag:s30] =	ssyncset.done $0x0  }
0x7f: {  	[sflag:s30] =	ssyncadd.s32 $0xFFFFC400  }
0x80: {  	s10 =	smov.u32 s9;
	s9 =	sadd.s32 $0xF00, s9;
	_ =	swait.ge [sflag:s31], $0x3C00  }
0x81: {  	s7 =	sadd.s32 $0x1E, s7;
	s1 =	smov.u32 s10;
	[sflag:s31] =	ssyncset.done $0x0  }
0x82: {  	s4 =	sadd.s32 s7, s12;
	[sflag:s31] =	ssyncadd.s32 $0xFFFFC400  }
0x83: {  	[tilespmem:s2], [sflag:$0x9] =	stream.linear.gather [hbm4b:s4+s2], $0x78, $0x38;
	[tilespmem:$0xF200] =	vst v63  }
0x84: {  	_ =	swait.ge [sflag:s14], $0x78  }
0x85: {  	s11 =	sadd.s32 $0x1E, s6;
	[sflag:s14] =	ssyncset.done $0x0  }
0x86: {  	s6 =	sadd.s32 s11, s12;
	[sflag:s14] =	ssyncadd.s32 $0xFFFFFF88  }
0x87: {  	[tilespmem:s15], [sflag:$0x9] =	stream.linear.gather [hbm4b:s6+s2], $0x78, $0x38;
	[tilespmem:$0xF200] =	vst v63  }
0x88: {  	_ =	swait.ge [sflag:s14], $0x78  }
0x89: {  	[sflag:s14] =	ssyncset.done $0x0  }
0x8a: {  	[sflag:s14] =	ssyncadd.s32 $0xFFFFFF88  }
0x8b: {  	[tilespmem:s17], [sflag:$0x1] =	stream.indirect.gather [hbm4b:s5+s16], $0x80, s2, s16, $0xb8;
	[tilespmem:$0xF200] =	vst v63  }
0x8c: {  	_ = 	snop  }
0x8d: {  	[tilespmem:s18], [sflag:$0x2] =	stream.indirect.gather [hbm4b:s3+s16], $0x80, s15, s16, $0xb8;
	[tilespmem:$0xF200] =	vst v63  }
0x8e: {  	s7 =	sadd.s32 s7, s13  }
0x8f: {  	[tilespmem:s19], [sflag:$0x9] =	stream.linear.gather [hbm4b:s7+s2], $0x78, $0x38;
	[tilespmem:$0xF200] =	vst v63  }
0x90: {  	_ =	swait.ge [sflag:s14], $0x78  }
0x91: {  	[sflag:s14] =	ssyncset.done $0x0  }
0x92: {  	s4 =	sadd.s32 s11, s13;
	[sflag:s14] =	ssyncadd.s32 $0xFFFFFF88  }
0x93: {  	[tilespmem:s20], [sflag:$0x9] =	stream.linear.gather [hbm4b:s4+s2], $0x78, $0x38;
	[tilespmem:$0xF200] =	vst v63  }
0x94: {  	_ =	swait.ge [sflag:s14], $0x78  }
0x95: {  	[sflag:s14] =	ssyncset.done $0x0  }
0x96: {  	[sflag:s14] =	ssyncadd.s32 $0xFFFFFF88  }
0x97: {  	[tilespmem:s21], [sflag:$0x3] =	stream.indirect.gather [hbm4b:s5+s16], $0x80, s19, s16, $0xb8;
	[tilespmem:$0xF200] =	vst v63  }
0x98: {  	_ = 	snop  }
0x99: {  	[tilespmem:s22], [sflag:$0x4] =	stream.indirect.gather [hbm4b:s3+s16], $0x80, s20, s16, $0xb8;
	[tilespmem:$0xF200] =	vst v63  }
0x9a: {  	_ =	swait.ge [sflag:s23], $0x3C00  }
0x9b: {  	[sflag:s23] =	ssyncset.done $0x0  }
0x9c: {  	[sflag:s23] =	ssyncadd.s32 $0xFFFFC400  }
0x9d: {  	_ =	swait.ge [sflag:s24], $0x3C00  }
0x9e: {  	s9 =	rddreg [dreg:$0x2];
	[sflag:s24] =	ssyncset.done $0x0  }
0x9f: {  	s10 =	rddreg [dreg:$0x3];
	[sflag:s24] =	ssyncadd.s32 $0xFFFFC400;
	s4 =	sadd.s32 s1, s9  }
0xa0: {  	[hbm4b:s4+s2] =	stream.linear.scatter [tilespmem:s17], [sflag:$0x5], $0x3C00, $0x38;
	[tilespmem:$0xF200] =	vst v63  }
0xa1: {  	s11 =	sadd.s32 s1, s10  }
0xa2: {  	[hbm4b:s11+s2] =	stream.linear.scatter [tilespmem:s18], [sflag:$0x6], $0x3C00, $0x38;
	[tilespmem:$0xF200] =	vst v63  }
0xa3: {  	_ =	swait.ge [sflag:s25], $0x3C00  }
0xa4: {  	[sflag:s25] =	ssyncset.done $0x0  }
0xa5: {  	[sflag:s25] =	ssyncadd.s32 $0xFFFFC400  }
0xa6: {  	_ =	swait.ge [sflag:s26], $0x3C00  }
0xa7: {  	[sflag:s26] =	ssyncset.done $0x0  }
0xa8: {  	s4 =	sadd.s32 $0x780, s4;
	[sflag:s26] =	ssyncadd.s32 $0xFFFFC400  }
0xa9: {  	[hbm4b:s4+s2] =	stream.linear.scatter [tilespmem:s21], [sflag:$0x7], $0x3C00, $0x38;
	[tilespmem:$0xF200] =	vst v63  }
0xaa: {  	s1 =	sadd.s32 $0x780, s11  }
0xab: {  	[hbm4b:s1+s2] =	stream.linear.scatter [tilespmem:s22], [sflag:$0x8], $0x3C00, $0x38;
	[tilespmem:$0xF200] =	vst v63  }
0xac: {  	_ =	swait.ge [sflag:s28], $0x3C00  }
0xad: {  	[sflag:s28] =	ssyncset.done $0x0  }
0xae: {  	[sflag:s28] =	ssyncadd.s32 $0xFFFFC400  }
0xaf: {  	_ =	swait.ge [sflag:s29], $0x3C00  }
0xb0: {  	[sflag:s29] =	ssyncset.done $0x0  }
0xb1: {  	[sflag:s29] =	ssyncadd.s32 $0xFFFFC400  }
0xb2: {  	_ =	swait.ge [sflag:s30], $0x3C00  }
0xb3: {  	[sflag:s30] =	ssyncset.done $0x0  }
0xb4: {  	[sflag:s30] =	ssyncadd.s32 $0xFFFFC400  }
0xb5: {  	_ =	swait.ge [sflag:s31], $0x3C00  }
0xb6: {  	[sflag:s31] =	ssyncset.done $0x0  }
0xb7: {  	s6 =	rddreg [dreg:$0x5];
	[sflag:s31] =	ssyncadd.s32 $0xFFFFC400  }
0xb8: {  	[tilespmem:s2], [sflag:$0x9] =	stream.linear.gather [hbm4b:s6+s2], $0x78, $0x38;
	[tilespmem:$0xF200] =	vst v63  }
0xb9: {  	_ =	swait.ge [sflag:s14], $0x78  }
0xba: {  	[sflag:s14] =	ssyncset.done $0x0  }
0xbb: {  	s7 =	rddreg [dreg:$0x6];
	[sflag:s14] =	ssyncadd.s32 $0xFFFFFF88  }
0xbc: {  	[tilespmem:s15], [sflag:$0x9] =	stream.linear.gather [hbm4b:s7+s2], $0x78, $0x38;
	[tilespmem:$0xF200] =	vst v63  }
0xbd: {  	_ =	swait.ge [sflag:s14], $0x78  }
0xbe: {  	[sflag:s14] =	ssyncset.done $0x0  }
0xbf: {  	[sflag:s14] =	ssyncadd.s32 $0xFFFFFF88  }
0xc0: {  	[tilespmem:s17], [sflag:$0x1] =	stream.indirect.gather [hbm4b:s5+s16], $0x80, s2, s16, $0xb8;
	[tilespmem:$0xF200] =	vst v63  }
0xc1: {  	_ = 	snop  }
0xc2: {  	[tilespmem:s18], [sflag:$0x2] =	stream.indirect.gather [hbm4b:s3+s16], $0x80, s15, s16, $0xb8;
	[tilespmem:$0xF200] =	vst v63  }
0xc3: {  	_ =	swait.ge [sflag:s23], $0x3C00  }
0xc4: {  	[sflag:s23] =	ssyncset.done $0x0  }
0xc5: {  	[sflag:s23] =	ssyncadd.s32 $0xFFFFC400  }
0xc6: {  	_ =	swait.ge [sflag:s24], $0x3C00  }
0xc7: {  	[sflag:s24] =	ssyncset.done $0x0  }
0xc8: {  	s9 =	rddreg [dreg:$0x7];
	[sflag:s24] =	ssyncadd.s32 $0xFFFFC400  }
0xc9: {  	[hbm4b:s9+s2] =	stream.linear.scatter [tilespmem:s17], [sflag:$0x9], $0x3C00, $0x38;
	[tilespmem:$0xF200] =	vst v63  }
0xca: {  	_ =	swait.ge [sflag:s14], $0x3C00  }
0xcb: {  	[sflag:s14] =	ssyncset.done $0x0  }
0xcc: {  	s10 =	rddreg [dreg:$0x8];
	[sflag:s14] =	ssyncadd.s32 $0xFFFFC400  }
0xcd: {  	[hbm4b:s10+s2] =	stream.linear.scatter [tilespmem:s18], [sflag:$0x9], $0x3C00, $0x38;
	[tilespmem:$0xF200] =	vst v63  }
0xce: {  	_ =	swait.ge [sflag:s14], $0x3C00  }
0xcf: {  	s0 =	sadd.s32 $0x1, s0;
	s11 =	rddreg [dreg:$0x9]  }
0xd0: {  	p0 =	sne.s32 s0, s11  }
.Ltmp1:
0xd1: {  	_ = 	snop;
	(pc) =	sbr.rel @p0 .LBB2_1-.Ltmp1, $3  }
0xd2: {  	_ =	sdelay $0x1  }
0xd3: {  	[sflag:s14] =	ssyncset.done $0x0  }
0xd4: {  	[sflag:s14] =	ssyncadd.s32 $0xFFFFC400  }
0xd5: {  	_ =	sfence.sel $0x180000  }
0xd6: {  	[bflag:$0x0] =	sbarrier.arrive $0xFFFF  }
0xd7: {  	_ =	strace $0x90000047  }
0xd8: {  	s0 =	stileid.u32;
	[bflag:$0x2] =	sbarrier.arrive $0xFFFF  }
0xd9: {  	p0 =	sne.s32 s0, $0x0;
	s0 =	rddreg [dreg:$0x1]  }
0xda: {  	s0 =	sadd.s32 @!p0 $0x100000, s0  }
0xdb: {  	[sflag:s0] =	ssyncadd.tile.s32 @!p0 $0x1;
	_ =	shalt  }
.Lfunc_end2:
_tile_overlayer_lowered:
.L_overlay_start_2:
0xdc: {  	(tag) =	ssettag $0x2  }
0xdd: {  	s0 =	rddreg [dreg:$0x0];
	s2 =	stileid.u32  }
0xde: {  	s1 =	rddreg [dreg:$0x1];
	p0 =	sne.s32 s2, $0x0  }
0xdf: {  	s3 =	rddreg [dreg:$0x2];
	[bflag:$0x3] =	sbarrier.arrive $0xFFFF;
	s2 =	simm.s32 @!p0 $0x1C09  }
0xe0: {  	[timem:s3], [sflag:s2] =	dma.local @!p0 [hbm:s0], s1  }
0xe1: {  	s0 =	simm.s32 @!p0 $0x9  }
0xe2: {  	_ =	swait.ge @!p0 [sflag:s0], s1  }
0xe3: {  	s1 =	ssub.s32 @!p0 $0x0, s1;
	[sflag:s0] =	ssyncset.done @!p0 $0x0  }
0xe4: {  	[sflag:s0] =	ssyncadd.s32 @!p0 s1  }
0xe5: {  	[bflag:$0x3] =	sbarrier.arrive $0xFFFF  }
0xe6: {  	_ =	shalt  }

// kernel: kernel.13.cloned.1.call-start
scs
__scs_entry_jumppad:
0x0: {  	(pc) =	sbr.rel $0x88, $3  }
0x1: {  	(tag) =	ssettag $0x0;
	lr =	simm.s32 $0x1  }
0x2: {  	[smem:$0x3F91] =	sst lr;
	_ =	strace $0xD0000000  }
0x3: {  	_ = 	snop  }
0x4: {  	_ = 	snop  }
0x5: {  	_ = 	snop  }
0x6: {  	_ = 	snop  }
0x7: {  	_ = 	snop  }
__scs_overlays_trampoline_lowered:
0x8: {  	[smem:$0x3FA0] =	sst s0  }
0x9: {  	[smem:$0x3FA1] =	sst s1  }
0xa: {  	[smem:$0x3FA2] =	sst s2  }
0xb: {  	[smem:$0x3FA3] =	sst s3  }
0xc: {  	[smem:$0x3FA4] =	sst s4  }
0xd: {  	[smem:$0x3FA5] =	sst s5  }
0xe: {  	[smem:$0x3FA6] =	sst s6  }
0xf: {  	[smem:$0x3FA7] =	sst s7  }
0x10: {  	[smem:$0x3FA8] =	sst s8  }
0x11: {  	[smem:$0x3FA9] =	sst s9;
	s0 =	simm.s32 @!p0 $0x0  }
0x12: {  	s1 =	sld [smem:$0x3F8F];
	s0 =	simm.s32 @p0 $0x1  }
0x13: {  	[smem:$0x3FAA] =	sst s0;
	s0 =	simm.s32 @!p1 $0x0  }
0x14: {  	s2 =	sld [smem:$0x3F8E];
	s0 =	simm.s32 @p1 $0x1  }
0x15: {  	[smem:$0x3FAB] =	sst s0;
	s0 =	simm.s32 @!p2 $0x0  }
0x16: {  	s3 =	sld [smem:$0x3FDB];
	s0 =	simm.s32 @p2 $0x1  }
0x17: {  	s4 =	simm.s32 $0x1BF5;
	[smem:$0x3FAD] =	sst s0  }
0x18: {  	s0 =	sld [smem:$0x3F90];
	_ =	swait.ge [sflag:s4], $0x0  }
0x19: {  	s7 =	sld [smem:$0x3F91]  }
0x1a: {  	s8 =	sadd.s32 $0xFFFFE003, lr  }
0x1b: {  	s9 =	sadd.s32 $0xFFFFFEF7, lr;
	s5 =	simm.s32 $0xFFFFFFFF;
	p2 =	slt.u32 s8, $0xFFFFF086  }
0x1c: {  	p1 =	slt.u32 s9, $0xF7A;
	s5 =	simm.s32 @!p2 $0x0  }
0x1d: {  	s5 =	simm.s32 @p1 $0x1;
	p0 =	seq.s32 s7, s2  }
0x1e: {  	s7 =	smul.u32 @!p0 $0xF7A, s2;
	p2 =	seq.s32 @!p0 s5, $0x0  }
0x1f: {  	s9 =	smul.u32 $0xF7A, s1;
	s8 =	simm.s32 @!p0 $0x1BF5;
	p2 =	por !p2, p0  }
0x20: {  	[sflag:s8] =	ssyncset.s32 @!p0 $0xFFFFF086;
	s6 =	sadd.s32 @!p0 s3, s7;
	s7 =	simm.s32 @!p0 $0x108  }
0x21: {  	s3 =	sadd.s32 s3, s9;
	s6 =	sadd.s32 @!p0 $0x88, s6;
	s7 =	simm.s32 @p2 $0x1082  }
0x22: {  	[simem:s7], [sflag:s8] =	dma.local @!p0 [hbm:s6], $0xF7A  }
0x23: {  	s9 =	sor.u32 $0xD0000000, s2;
	s6 =	simm.s32 $0x108;
	_ =	swait.ge @!p0 [sflag:s8], $0x0  }
0x24: {  	s3 =	sadd.s32 $0x88, s3;
	s6 =	simm.s32 @!p1 $0x1082;
	[sflag:s4] =	ssyncset.s32 $0xFFFFF086  }
0x25: {  	[simem:s6], [sflag:s4] =	dma.local [hbm:s3], $0xF7A  }
0x26: {  	[smem:$0x3F91] =	sst s1;
	(tag) =	ssettag s2;
	_ =	strace s9  }
0x27: {  	s1 =	sld [smem:$0x3FA1]  }
0x28: {  	s2 =	sld [smem:$0x3FA2]  }
0x29: {  	s4 =	sld [smem:$0x3FA4]  }
0x2a: {  	p0 =	seq.s32 s5, $0x0;
	s5 =	sld [smem:$0x3FA5]  }
0x2b: {  	s6 =	sld [smem:$0x3FA6]  }
0x2c: {  	s7 =	sld [smem:$0x3FA7]  }
0x2d: {  	s3 =	simm.s32 $0x108;
	s8 =	sld [smem:$0x3FA8]  }
0x2e: {  	s3 =	simm.s32 @!p0 $0x1082;
	s9 =	sld [smem:$0x3FA9]  }
0x2f: {  	lr =	sadd.s32 s0, s3;
	s0 =	sld [smem:$0x3FA0]  }
0x30: {  	s3 =	sld [smem:$0x3FA3]  }
0x31: {  	[smem:$0x3FAC] =	sst s10  }
0x32: {  	s10 =	sld [smem:$0x3FAA];
	_ =	sdelay $0x3  }
0x33: {  	p0 =	seq.s32 s10, $0x1;
	s10 =	sld [smem:$0x3FAC];
	_ =	sdelay $0x3  }
0x34: {  	[smem:$0x3FAC] =	sst s10  }
0x35: {  	s10 =	sld [smem:$0x3FAB];
	_ =	sdelay $0x3  }
0x36: {  	p1 =	seq.s32 s10, $0x1;
	s10 =	sld [smem:$0x3FAC];
	_ =	sdelay $0x3  }
0x37: {  	[smem:$0x3FAC] =	sst s10  }
0x38: {  	s10 =	sld [smem:$0x3FAD]  }
0x39: {  	_ = 	snop;
	(pc) =	sbr.ind lr, $3  }
0x3a: {  	_ = 	snop  }
0x3b: {  	_ = 	snop  }
0x3c: {  	p2 =	seq.s32 s10, $0x1;
	s10 =	sld [smem:$0x3FAC]  }
0x3d: {  	_ =	shalt  }
0x3e: {  	_ =	shalt  }
0x3f: {  	_ =	shalt  }
0x40: {  	_ =	shalt  }
0x41: {  	_ =	shalt  }
0x42: {  	_ =	shalt  }
0x43: {  	_ =	shalt  }
0x44: {  	_ =	shalt  }
0x45: {  	_ =	shalt  }
0x46: {  	_ =	shalt  }
0x47: {  	_ =	shalt  }
0x48: {  	_ =	shalt  }
0x49: {  	_ =	shalt  }
0x4a: {  	_ =	shalt  }
0x4b: {  	_ =	shalt  }
0x4c: {  	_ =	shalt  }
0x4d: {  	_ =	shalt  }
0x4e: {  	_ =	shalt  }
0x4f: {  	_ =	shalt  }
0x50: {  	_ =	shalt  }
0x51: {  	_ =	shalt  }
0x52: {  	_ =	shalt  }
0x53: {  	_ =	shalt  }
0x54: {  	_ =	shalt  }
0x55: {  	_ =	shalt  }
0x56: {  	_ =	shalt  }
0x57: {  	_ =	shalt  }
0x58: {  	_ =	shalt  }
0x59: {  	_ =	shalt  }
0x5a: {  	_ =	shalt  }
0x5b: {  	_ =	shalt  }
0x5c: {  	_ =	shalt  }
0x5d: {  	_ =	shalt  }
0x5e: {  	_ =	shalt  }
0x5f: {  	_ =	shalt  }
0x60: {  	_ =	shalt  }
0x61: {  	_ =	shalt  }
0x62: {  	_ =	shalt  }
0x63: {  	_ =	shalt  }
0x64: {  	_ =	shalt  }
0x65: {  	_ =	shalt  }
0x66: {  	_ =	shalt  }
0x67: {  	_ =	shalt  }
0x68: {  	_ =	shalt  }
0x69: {  	_ =	shalt  }
0x6a: {  	_ =	shalt  }
0x6b: {  	_ =	shalt  }
0x6c: {  	_ =	shalt  }
0x6d: {  	_ =	shalt  }
0x6e: {  	_ =	shalt  }
0x6f: {  	_ =	shalt  }
0x70: {  	_ =	shalt  }
0x71: {  	_ =	shalt  }
0x72: {  	_ =	shalt  }
0x73: {  	_ =	shalt  }
0x74: {  	_ =	shalt  }
0x75: {  	_ =	shalt  }
0x76: {  	_ =	shalt  }
0x77: {  	_ =	shalt  }
0x78: {  	_ =	shalt  }
0x79: {  	_ =	shalt  }
0x7a: {  	_ =	shalt  }
0x7b: {  	_ =	shalt  }
0x7c: {  	_ =	shalt  }
0x7d: {  	_ =	shalt  }
0x7e: {  	_ =	shalt  }
0x7f: {  	_ =	shalt  }
0x80: {  	_ =	shalt  }
0x81: {  	_ =	shalt  }
0x82: {  	_ =	shalt  }
0x83: {  	_ =	shalt  }
0x84: {  	_ =	shalt  }
0x85: {  	_ =	shalt  }
0x86: {  	_ =	shalt  }
0x87: {  	_ =	shalt  }
.Lfunc_end0:
.L_simem_size_0:
called_computation.1_lowered:
.L_overlay_start_0:
0x88: {  	s2 =	sld [smem:$0x3FD9]  }
0x89: {  	s3 =	sld [smem:$0x3FFE];
	_ =	sdelay $0x1  }
0x8a: {  	s1 =	srdreg.scid  }
0x8b: {  	s0 =	sand.u32 $0x1, s1  }
0x8c: {  	s15 =	sshll.u32 s0, $0xA;
	s2 =	sadd.s32 s3, s2  }
0x8d: {  	s2 =	sadd.s32 s2, s15  }
0x8e: {  	[smem:$0x3FB8] =	sst s2  }
0x8f: {  	_ = 	snop  }
0x90: {  	s2 =	sld [smem:$0x3FD0];
	_ =	sdelay $0x2  }
0x91: {  	s16 =	simm.s32 $0xB;
	s4 =	simm.s32 $0x10  }
0x92: {  	[smem:s4], [sflag:s16] =	dma.local [hbm:s2], $0x1  }
0x93: {  	_ =	swait.eq [sflag:s16], $0x1  }
0x94: {  	[sflag:s16] =	ssyncset.done $0x0  }
0x95: {  	[sflag:s16] =	ssyncadd.s32 $0xFFFFFFFF  }
0x96: {  	s17 =	sld [smem:$0x10];
	(tm) =	ssettm $0x1  }
0x97: {  	s18 =	sld [smem:$0x3FFB];
	_ =	sdelay $0x3  }
0x98: {  	_ =	strace s18  }
0x99: {  	s2 =	sld [smem:$0x3FFC];
	_ =	sdelay $0x3  }
0x9a: {  	_ =	strace s2  }
0x9b: {  	s2 =	sld [smem:$0x3FFD];
	_ =	sdelay $0x3  }
0x9c: {  	_ =	strace s2  }
0x9d: {  	_ =	strace $0x8FFFFFFF  }
0x9e: {  	s19 =	sld [smem:$0x3FDB];
	_ =	sdelay $0x1  }
0x9f: {  	s20 =	simm.s32 $_scs_section_size  }
0xa0: {  	s5 =	simm.s32 $_size__tile_overlayer_lowered;
	s6 =	simm.s32 $_tile_overlayer_lowered  }
0xa1: {  	s7 =	simm.s32 $0x1BFF;
	s21 =	sshll.u32 s6, $0x1;
	s4 =	sadd.s32 s20, s19  }
0xa2: {  	s22 =	simm.s32 $0x0;
	s5 =	sshll.u32 s5, $0x1;
	s6 =	sadd.s32 s21, s4  }
0xa3: {  	[timem:s22], [sflag:s7] =	dma.local [hbm:s6], s5  }
0xa4: {  	_ =	swait.ge [sflag:s7], s5  }
0xa5: {  	s5 =	ssub.s32 $0x0, s5;
	[sflag:s7] =	ssyncset.done $0x0  }
0xa6: {  	[sflag:s7] =	ssyncadd.s32 s5;
	_ =	sdelay $0x1  }
0xa7: {  	s23 =	simm.s32 $0x1B8B  }
0xa8: {  	_ =	swait.ge [sflag:s23], $0x1  }
0xa9: {  	[sflag:s23] =	ssyncset.done $0x0  }
0xaa: {  	[sflag:s23] =	ssyncadd.s32 $0xFFFFFFFF  }
0xab: {  	s5 =	sld [smem:$0x0]  }
0xac: {  	s6 =	sand.u32 $0xFFFFFFFE, s1  }
0xad: {  	p0 =	sne.s32 s1, s6  }
0xae: {  	s6 =	sshll.u32 @p0 s6, $0xE  }
0xaf: {  	s6 =	sadd.s32 @p0 $0x11B8D, s6;
	s7 =	sshll.u32 @p0 s5, $0x11  }
0xb0: {  	s6 =	sor.u32 @p0 s7, s6  }
0xb1: {  	[sflag:s6] =	ssyncadd.remote.s32 @p0 $0x1;
	_ =	sdelay $0x1  }
0xb2: {  	s6 =	simm.s32 @p0 $0x1B8D  }
0xb3: {  	_ =	swait.eq @p0 [sflag:s6], $0x1  }
0xb4: {  	[sflag:s6] =	ssyncadd.s32 @p0 $0xFFFFFFFF  }
0xb5: {  	s7 =	sshll.u32 @!p0 s1, $0xE  }
0xb6: {  	s7 =	sor.u32 @!p0 $0x4000, s7;
	s6 =	simm.s32 @!p0 $0x1B8D  }
0xb7: {  	s5 =	sshll.u32 @!p0 s5, $0x11;
	s7 =	sadd.s32 @!p0 $0x11B8D, s7;
	_ =	swait.eq @!p0 [sflag:s6], $0x1  }
0xb8: {  	s5 =	sor.u32 @!p0 s5, s7;
	[sflag:s6] =	ssyncadd.s32 @!p0 $0xFFFFFFFF  }
0xb9: {  	s25 =	simm.s32 $0x1B8E;
	s24 =	sld [smem:$0x3FFE];
	[sflag:s5] =	ssyncadd.remote.s32 @!p0 $0x1  }
0xba: {  	s26 =	simm.s32 $execute0_lowered;
	[smem:$0x3FD2] =	sst s25  }
0xbb: {  	s6 =	sshll.u32 s26, $0x1;
	_ =	strace $0x8000004C;
	[dreg:$0x1] =	wrdreg $0xFFFFFFFF  }
0xbc: {  	s28 =	simm.s32 $_size_execute0_lowered;
	s4 =	sadd.s32 s4, s6;
	[dreg:$0x0] =	wrdreg $0x0  }
0xbd: {  	s6 =	sshll.u32 s28, $0x1;
	[dreg:$0x2] =	wrdreg s4  }
0xbe: {  	[dreg:$0x3] =	wrdreg s6  }
0xbf: {  	[dreg:$0x4] =	wrdreg $0xC0  }
0xc0: {  	_ =	task [dreg:s22], $0x5FFFF  }
0xc1: {  	[dreg:$0x1] =	wrdreg $0xFFFFFFFF  }
0xc2: {  	[dreg:$0x0] =	wrdreg $0x60  }
0xc3: {  	[dreg:$0x2] =	wrdreg s24  }
0xc4: {  	[dreg:$0x3] =	wrdreg s17  }
0xc5: {  	[dreg:$0x4] =	wrdreg $0x29000  }
0xc6: {  	[dreg:$0x5] =	wrdreg $0xA  }
0xc7: {  	_ =	task.clear_ibuf [dreg:s22], $0x6FFFF;
	_ =	strace $0x9000004C  }
0xc8: {  	s29 =	simm.s32 $0xA;
	_ =	strace $0x8000004E  }
0xc9: {  	_ =	swait.ge [sflag:s29], $0x1  }
0xca: {  	[sflag:s29] =	ssyncadd.s32 $0xFFFFFFFF  }
0xcb: {  	_ =	strace $0x9000004E  }
0xcc: {  	_ =	sfence  }
0xcd: {  	s30 =	sld [smem:$0x0];
	_ =	sdelay $0x2  }
0xce: {  	s31 =	sshll.u32 s1, $0xD;
	s1 =	sshrl.u32 s1, $0x2  }
0xcf: {  	s4 =	sand.u32 $0x4000, s31;
	s1 =	sadd.s32 s1, s30  }
0xd0: {  	s0 =	sor.u32 s4, s0;
	s1 =	sshll.u32 s1, $0x11  }
0xd1: {  	s0 =	sor.u32 s1, s0  }
0xd2: {  	s0 =	sadd.s32 $0x8F2B, s0  }
0xd3: {  	[sflag:s0] =	ssyncadd.remote.s32 $0x1  }
0xd4: {  	_ =	sfence.sel $0xFFFF  }
0xd5: {  	[dreg:$0x0] =	wrdreg $0xFFFFFFFF;
	(pc) =	sbr.abs _section_cstart, $3  }
0xd6: {  	[dreg:$0x1] =	wrdreg $0xFFFFFFFF  }
0xd7: {  	_ =	task.clear_ibuf [dreg:s22], $0x2FFFF;
	_ =	strace $0x9FFFFFFF  }
0xd8: {  	(tm) =	ssettm $0x7FFFFFFF  }
0xd9: {  	_ =	shalt  }
tec
execute0_lowered:
.L_overlay_start_1:
0x0: {  	(tag) =	ssettag $0x1  }
0x1: {  	s4 =	rddreg [dreg:$0x0]  }
0x2: {  	s12 =	rddreg [dreg:$0x1]  }
0x3: {  	s2 =	rddreg [dreg:$0x2]  }
0x4: {  	s0 =	rddreg [dreg:$0x3]  }
0x5: {  	s3 =	simm.s32 $0x0;
	s1 =	stileid.u32;
	s6 =	srdreg.scid  }
0x6: {  	s18 =	simm.s32 $0x1500;
	s19 =	simm.s32 $0x1;
	s20 =	simm.s32 $0x2  }
0x7: {  	s21 =	simm.s32 $0x28;
	s22 =	simm.s32 $0x5;
	s5 =	smul.u32 $0x71700, s1  }
0x8: {  	s23 =	simm.s32 $0x3;
	s24 =	simm.s32 $0x4;
	s13 =	smul.u32 $0xE2E, s1  }
0x9: {  	s25 =	simm.s32 $0x0;
	[smem:$0x7FF] =	sst s3;
	s15 =	smul.u32 $0x718, s1  }
0xa: {  	s7 =	sand.u32 $0x1, s6;
	s28 =	sadd.s32 $0x1E44A00, s4;
	s31 =	smul.u32 $0xE3000, s1  }
0xb: {  	s14 =	sadd.s32 $0x1EB6200, s4;
	p1 =	sgt.u32 s1, $0x6;
	s26 =	smul.u32 $0x38B8, s7  }
0xc: {  	_ =	strace $0x8000004D;
	s8 =	ssub.s32 $0x2, s7;
	s9 =	smul.u32 $0x1C5C00, s7  }
0xd: {  	p0 =	seq.s32 s7, $0x1;
	p3 =	sne.s32 @p1 s1, $0x7;
	s10 =	sadd.s32 s5, s4  }
0xe: {  	s11 =	sadd.s32 s13, s4;
	s29 =	sshrl.u32 s8, $0x1;
	s4 =	sadd.s32 $0x18D400, s2  }
0xf: {  	s12 =	sadd.s32 s13, s12;
	p2 =	por p3, !p1;
	p3 =	por !p3, !p1  }
0x10: {  	s16 =	ssub.s32 s8, s29;
	s30 =	sshrl.u32 s9, $0x3;
	s15 =	sadd.s32 s15, s26  }
0x11: {  	s9 =	sshrl.u32 s31, $0x2;
	s10 =	sadd.s32 $0x255BA00, s10;
	s11 =	sadd.s32 $0xF8000, s11  }
.Ltmp0:
0x12: {  	s13 =	sshrl.u32 @!p2 s4, $0x3;
	s8 =	sadd.s32 $0x31A80, s30;
	(pc) =	sbr.rel .LBB2_1-.Ltmp0, $4  }
0x13: {  	s15 =	sshll.u32 s15, $0x4;
	s17 =	sadd.s32 s9, s2;
	s9 =	smax.u32 s16, $0x1  }
0x14: {  	s16 =	simm.s32 $0x100;
	s5 =	sadd.s32 s28, s8;
	s6 =	sadd.s32 s28, s15  }
0x15: {  	s7 =	sadd.s32 s14, s15;
	s8 =	sadd.s32 s14, s8;
	s14 =	sshll.u32 @!p1 s1, $0x6  }
0x16: {  	s15 =	sshrl.u32 @!p1 s17, $0x3;
	s17 =	simm.s32 $0x80;
	s14 =	sor.u32 @!p1 $0x1C05, s14  }
.LBB2_7:
0x17: {  	s28 =	sadd.s32 s28, s12;
	[sflag:s22] =	ssyncadd.s32 $0xFFFFEC00  }
0x18: {  	[tilespmem:s3], [sflag:$0x1] =	stream.linear.gather [hbm4b:s28+s3], $0x28, $0x38;
	[tilespmem:$0x1EF00] =	vst v63  }
0x19: {  	_ = 	snop  }
0x1a: {  	[tilespmem:s16], [sflag:$0x2] =	stream.linear.gather [hbm4b:s26+s3], $0x1400, $0x38;
	[tilespmem:$0x1EF00] =	vst v63  }
0x1b: {  	s28 =	sadd.s32 $0x5, s28  }
0x1c: {  	[tilespmem:s17], [sflag:$0x3] =	stream.linear.gather [hbm4b:s28+s3], $0x28, $0x38;
	[tilespmem:$0x1EF00] =	vst v63  }
0x1d: {  	s31 =	sadd.s32 $0x280, s26  }
0x1e: {  	[tilespmem:s18], [sflag:$0x4] =	stream.linear.gather [hbm4b:s31+s3], $0x1400, $0x38;
	[tilespmem:$0x1EF00] =	vst v63  }
0x1f: {  	_ =	swait.ge [sflag:s19], $0x28  }
0x20: {  	[sflag:s19] =	ssyncset.done $0x0  }
0x21: {  	[sflag:s19] =	ssyncadd.s32 $0xFFFFFFD8  }
0x22: {  	_ =	swait.ge [sflag:s20], $0x1400  }
0x23: {  	[sflag:s20] =	ssyncset.done $0x0  }
0x24: {  	[sflag:s20] =	ssyncadd.s32 $0xFFFFEC00  }
0x25: {  	[spmem:s2] =	stream.indirect.scatter.add.f32 [tilespmem:s16], [sflag:$0x5], $0x80, s3, s21, $0xb8;
	[tilespmem:$0x1EF00] =	vst v63  }
0x26: {  	_ =	swait.ge [sflag:s22], $0x1400  }
0x27: {  	[sflag:s22] =	ssyncset.done $0x0  }
0x28: {  	[sflag:s22] =	ssyncadd.s32 $0xFFFFEC00  }
0x29: {  	_ =	swait.ge [sflag:s23], $0x28  }
0x2a: {  	[sflag:s23] =	ssyncset.done $0x0  }
0x2b: {  	[sflag:s23] =	ssyncadd.s32 $0xFFFFFFD8  }
0x2c: {  	_ =	swait.ge [sflag:s24], $0x1400  }
0x2d: {  	[sflag:s24] =	ssyncset.done $0x0  }
0x2e: {  	[sflag:s24] =	ssyncadd.s32 $0xFFFFEC00  }
0x2f: {  	[spmem:s2] =	stream.indirect.scatter.add.f32 [tilespmem:s18], [sflag:$0x5], $0x80, s17, s21, $0xb8;
	[tilespmem:$0x1EF00] =	vst v63  }
0x30: {  	_ =	swait.ge [sflag:s22], $0x1400  }
0x31: {  	[sflag:s22] =	ssyncset.done $0x0  }
0x32: {  	[sflag:s22] =	ssyncadd.s32 $0xFFFFEC00  }
.LBB2_8:
0x33: {  	p5 =	por @p1 $0x0, $0x0;
	p4 =	por @!p2 $0x1, $0x1;
	[bflag:$0x0] =	sbarrier.arrive $0xFFFF  }
0x34: {  	[hbm:s7], [sflag:s14] =	dma.local @!p1 [spmem:s15], $0x7180  }
0x35: {  	s26 =	simm.s32 @!p1 $0x5;
	p4 =	por @!p3 p5, p5;
	p5 =	por @!p1 $0x0, $0x0  }
0x36: {  	s25 =	sadd.s32 $0x1, s25;
	p4 =	por @!p1 p5, p5;
	_ =	swait.ge @!p1 [sflag:s26], $0x7180  }
0x37: {  	p5 =	sne.s32 s25, s9;
	[sflag:s26] =	ssyncset.done @!p1 $0x0;
	s28 =	sshll.u32 @p4 s1, $0x6  }
0x38: {  	[sflag:s26] =	ssyncadd.s32 @!p1 $0xFFFF8E80;
	s26 =	sor.u32 @p4 $0x1C05, s28;
	s28 =	sshrl.u32 @p4 s4, $0x3  }
0x39: {  	[hbm:s8], [sflag:s26] =	dma.local @p4 [spmem:s28], $0x7100  }
.Ltmp1:
0x3a: {  	_ = 	snop;
	(pc) =	sbr.rel @!p5 .LBB2_9-.Ltmp1, $4  }
0x3b: {  	s26 =	simm.s32 @p4 $0x5  }
0x3c: {  	_ =	swait.ge @p4 [sflag:s26], $0x7100  }
0x3d: {  	[sflag:s26] =	ssyncset.done @p4 $0x0  }
0x3e: {  	[sflag:s26] =	ssyncadd.s32 @p4 $0xFFFF8F00  }
.LBB2_1:
0x3f: {  	s26 =	simm.s32 @!p2 $0x1DC5  }
0x40: {  	[spmem:s13], [sflag:s26] =	dma.local @!p2 [hbm:s5], $0x7100  }
0x41: {  	s26 =	simm.s32 @!p2 $0x5  }
0x42: {  	_ =	swait.ge @!p2 [sflag:s26], $0x7100  }
0x43: {  	[sflag:s26] =	ssyncset.done @!p2 $0x0  }
0x44: {  	[sflag:s26] =	ssyncadd.s32 @!p2 $0xFFFF8F00;
	s26 =	simm.s32 @!p1 $0x5  }
0x45: {  	[spmem:s15], [sflag:s14] =	dma.local @!p1 [hbm:s6], $0x7180  }
.Ltmp2:
0x46: {  	_ =	swait.ge @!p1 [sflag:s26], $0x7180;
	(pc) =	sbr.rel @!p0 .LBB2_2-.Ltmp2, $3  }
0x47: {  	[sflag:s26] =	ssyncset.done @!p1 $0x0  }
0x48: {  	[sflag:s26] =	ssyncadd.s32 @!p1 $0xFFFF8E80  }
0x49: {  	[bflag:$0x0] =	sbarrier.arrive $0xFFFF;
	_ =	sdelay $0x1  }
0x4a: {  	s26 =	sadd.s32 $0x0, s12  }
0x4b: {  	[tilespmem:s3], [sflag:$0x1] =	stream.linear.gather [hbm4b:s26+s3], $0x28, $0x38;
	[tilespmem:$0x1EF00] =	vst v63  }
0x4c: {  	_ = 	snop  }
0x4d: {  	[tilespmem:s16], [sflag:$0x2] =	stream.linear.gather [hbm4b:s10+s3], $0x1400, $0x38;
	[tilespmem:$0x1EF00] =	vst v63  }
0x4e: {  	s26 =	sadd.s32 $0x5, s26  }
0x4f: {  	[tilespmem:s17], [sflag:$0x3] =	stream.linear.gather [hbm4b:s26+s3], $0x28, $0x38;
	[tilespmem:$0x1EF00] =	vst v63  }
0x50: {  	s31 =	sadd.s32 $0x280, s10  }
0x51: {  	[tilespmem:s18], [sflag:$0x4] =	stream.linear.gather [hbm4b:s31+s3], $0x1400, $0x38;
	[tilespmem:$0x1EF00] =	vst v63  }
0x52: {  	_ =	swait.ge [sflag:s19], $0x28  }
0x53: {  	[sflag:s19] =	ssyncset.done $0x0  }
0x54: {  	[sflag:s19] =	ssyncadd.s32 $0xFFFFFFD8  }
0x55: {  	_ =	swait.ge [sflag:s20], $0x1400  }
0x56: {  	[sflag:s20] =	ssyncset.done $0x0  }
0x57: {  	[sflag:s20] =	ssyncadd.s32 $0xFFFFEC00  }
0x58: {  	[spmem:s2] =	stream.indirect.scatter.add.f32 [tilespmem:s16], [sflag:$0x5], $0x80, s3, s21, $0xb8;
	[tilespmem:$0x1EF00] =	vst v63  }
0x59: {  	_ =	swait.ge [sflag:s22], $0x1400  }
0x5a: {  	[sflag:s22] =	ssyncset.done $0x0  }
0x5b: {  	[sflag:s22] =	ssyncadd.s32 $0xFFFFEC00  }
0x5c: {  	_ =	swait.ge [sflag:s23], $0x28  }
0x5d: {  	[sflag:s23] =	ssyncset.done $0x0  }
0x5e: {  	[sflag:s23] =	ssyncadd.s32 $0xFFFFFFD8  }
0x5f: {  	_ =	swait.ge [sflag:s24], $0x1400  }
0x60: {  	[sflag:s24] =	ssyncset.done $0x0  }
0x61: {  	[sflag:s24] =	ssyncadd.s32 $0xFFFFEC00  }
0x62: {  	[spmem:s2] =	stream.indirect.scatter.add.f32 [tilespmem:s18], [sflag:$0x5], $0x80, s17, s21, $0xb8;
	[tilespmem:$0x1EF00] =	vst v63  }
0x63: {  	s28 =	simm.s32 $0xA;
	_ =	swait.ge [sflag:s22], $0x1400  }
0x64: {  	s29 =	simm.s32 $0x14;
	s26 =	sadd.s32 $0x500, s10;
	[sflag:s22] =	ssyncset.done $0x0  }
.LBB2_6:
0x65: {  	s30 =	sadd.s32 s28, s12  }
0x66: {  	[sflag:s22] =	ssyncadd.s32 $0xFFFFEC00;
	s28 =	smov.u32 s29;
	s31 =	sadd.s32 $0xA, s29  }
0x67: {  	[tilespmem:s3], [sflag:$0x1] =	stream.linear.gather [hbm4b:s30+s3], $0x28, $0x38;
	[tilespmem:$0x1EF00] =	vst v63  }
0x68: {  	p4 =	sne.s32 s29, $0xE24  }
0x69: {  	[tilespmem:s16], [sflag:$0x2] =	stream.linear.gather [hbm4b:s26+s3], $0x1400, $0x38;
	[tilespmem:$0x1EF00] =	vst v63  }
0x6a: {  	s29 =	sadd.s32 $0x5, s30  }
0x6b: {  	[tilespmem:s17], [sflag:$0x3] =	stream.linear.gather [hbm4b:s29+s3], $0x28, $0x38;
	[tilespmem:$0x1EF00] =	vst v63  }
0x6c: {  	s29 =	sadd.s32 $0x280, s26  }
0x6d: {  	[tilespmem:s18], [sflag:$0x4] =	stream.linear.gather [hbm4b:s29+s3], $0x1400, $0x38;
	[tilespmem:$0x1EF00] =	vst v63  }
0x6e: {  	_ =	swait.ge [sflag:s19], $0x28  }
0x6f: {  	[sflag:s19] =	ssyncset.done $0x0  }
0x70: {  	[sflag:s19] =	ssyncadd.s32 $0xFFFFFFD8  }
0x71: {  	_ =	swait.ge [sflag:s20], $0x1400  }
0x72: {  	[sflag:s20] =	ssyncset.done $0x0  }
0x73: {  	[sflag:s20] =	ssyncadd.s32 $0xFFFFEC00  }
0x74: {  	[spmem:s2] =	stream.indirect.scatter.add.f32 [tilespmem:s16], [sflag:$0x5], $0x80, s3, s21, $0xb8;
	[tilespmem:$0x1EF00] =	vst v63  }
0x75: {  	_ =	swait.ge [sflag:s22], $0x1400  }
0x76: {  	[sflag:s22] =	ssyncset.done $0x0  }
0x77: {  	[sflag:s22] =	ssyncadd.s32 $0xFFFFEC00  }
0x78: {  	_ =	swait.ge [sflag:s23], $0x28  }
0x79: {  	[sflag:s23] =	ssyncset.done $0x0  }
0x7a: {  	[sflag:s23] =	ssyncadd.s32 $0xFFFFFFD8  }
0x7b: {  	_ =	swait.ge [sflag:s24], $0x1400  }
.Ltmp3:
0x7c: {  	[sflag:s24] =	ssyncset.done $0x0;
	(pc) =	sbr.rel @p4 .LBB2_6-.Ltmp3, $4  }
0x7d: {  	[sflag:s24] =	ssyncadd.s32 $0xFFFFEC00  }
0x7e: {  	[spmem:s2] =	stream.indirect.scatter.add.f32 [tilespmem:s18], [sflag:$0x5], $0x80, s17, s21, $0xb8;
	[tilespmem:$0x1EF00] =	vst v63  }
0x7f: {  	_ =	swait.ge [sflag:s22], $0x1400  }
0x80: {  	s26 =	sadd.s32 $0x500, s26;
	s29 =	smov.u32 s31;
	[sflag:s22] =	ssyncset.done $0x0  }
.Ltmp4:
0x81: {  	_ = 	snop;
	(pc) =	sbr.rel .LBB2_7-.Ltmp4, $1  }
0x82: {  	_ =	sdelay $0x3  }
.LBB2_2:
0x83: {  	s26 =	sadd.s32 $0x0, s11  }
0x84: {  	[tilespmem:s3], [sflag:$0x1] =	stream.linear.gather [hbm4b:s26+s3], $0x28, $0x38;
	[tilespmem:$0x1EF00] =	vst v63  }
0x85: {  	_ = 	snop  }
0x86: {  	[tilespmem:s16], [sflag:$0x2] =	stream.linear.gather [hbm4b:s10+s3], $0x1400, $0x38;
	[tilespmem:$0x1EF00] =	vst v63  }
0x87: {  	s26 =	sadd.s32 $0x5, s26  }
0x88: {  	[tilespmem:s17], [sflag:$0x3] =	stream.linear.gather [hbm4b:s26+s3], $0x28, $0x38;
	[tilespmem:$0x1EF00] =	vst v63  }
0x89: {  	s31 =	sadd.s32 $0x280, s10  }
0x8a: {  	[tilespmem:s18], [sflag:$0x4] =	stream.linear.gather [hbm4b:s31+s3], $0x1400, $0x38;
	[tilespmem:$0x1EF00] =	vst v63  }
0x8b: {  	_ =	swait.ge [sflag:s19], $0x28  }
0x8c: {  	[sflag:s19] =	ssyncset.done $0x0  }
0x8d: {  	[sflag:s19] =	ssyncadd.s32 $0xFFFFFFD8  }
0x8e: {  	_ =	swait.ge [sflag:s20], $0x1400  }
0x8f: {  	[sflag:s20] =	ssyncset.done $0x0  }
0x90: {  	[sflag:s20] =	ssyncadd.s32 $0xFFFFEC00  }
0x91: {  	[spmem:s2] =	stream.indirect.scatter.add.f32 [tilespmem:s16], [sflag:$0x5], $0x80, s3, s21, $0xb8;
	[tilespmem:$0x1EF00] =	vst v63  }
0x92: {  	_ =	swait.ge [sflag:s22], $0x1400  }
0x93: {  	[sflag:s22] =	ssyncset.done $0x0  }
0x94: {  	[sflag:s22] =	ssyncadd.s32 $0xFFFFEC00  }
0x95: {  	_ =	swait.ge [sflag:s23], $0x28  }
0x96: {  	[sflag:s23] =	ssyncset.done $0x0  }
0x97: {  	[sflag:s23] =	ssyncadd.s32 $0xFFFFFFD8  }
0x98: {  	_ =	swait.ge [sflag:s24], $0x1400  }
0x99: {  	[sflag:s24] =	ssyncset.done $0x0  }
0x9a: {  	[sflag:s24] =	ssyncadd.s32 $0xFFFFEC00  }
0x9b: {  	[spmem:s2] =	stream.indirect.scatter.add.f32 [tilespmem:s18], [sflag:$0x5], $0x80, s17, s21, $0xb8;
	[tilespmem:$0x1EF00] =	vst v63  }
0x9c: {  	s28 =	simm.s32 $0xA;
	_ =	swait.ge [sflag:s22], $0x1400  }
0x9d: {  	s29 =	simm.s32 $0x14;
	s26 =	sadd.s32 $0x500, s10;
	[sflag:s22] =	ssyncset.done $0x0  }
.LBB2_3:
0x9e: {  	s30 =	sadd.s32 s28, s11  }
0x9f: {  	[sflag:s22] =	ssyncadd.s32 $0xFFFFEC00;
	s28 =	smov.u32 s29;
	s31 =	sadd.s32 $0xA, s29  }
0xa0: {  	[tilespmem:s3], [sflag:$0x1] =	stream.linear.gather [hbm4b:s30+s3], $0x28, $0x38;
	[tilespmem:$0x1EF00] =	vst v63  }
0xa1: {  	p4 =	seq.s32 s29, $0xE24  }
0xa2: {  	[tilespmem:s16], [sflag:$0x2] =	stream.linear.gather [hbm4b:s26+s3], $0x1400, $0x38;
	[tilespmem:$0x1EF00] =	vst v63  }
0xa3: {  	s29 =	sadd.s32 $0x5, s30  }
0xa4: {  	[tilespmem:s17], [sflag:$0x3] =	stream.linear.gather [hbm4b:s29+s3], $0x28, $0x38;
	[tilespmem:$0x1EF00] =	vst v63  }
0xa5: {  	s29 =	sadd.s32 $0x280, s26  }
0xa6: {  	[tilespmem:s18], [sflag:$0x4] =	stream.linear.gather [hbm4b:s29+s3], $0x1400, $0x38;
	[tilespmem:$0x1EF00] =	vst v63  }
0xa7: {  	_ =	swait.ge [sflag:s19], $0x28  }
0xa8: {  	[sflag:s19] =	ssyncset.done $0x0  }
0xa9: {  	[sflag:s19] =	ssyncadd.s32 $0xFFFFFFD8  }
0xaa: {  	_ =	swait.ge [sflag:s20], $0x1400  }
0xab: {  	[sflag:s20] =	ssyncset.done $0x0  }
0xac: {  	[sflag:s20] =	ssyncadd.s32 $0xFFFFEC00  }
0xad: {  	[spmem:s2] =	stream.indirect.scatter.add.f32 [tilespmem:s16], [sflag:$0x5], $0x80, s3, s21, $0xb8;
	[tilespmem:$0x1EF00] =	vst v63  }
0xae: {  	_ =	swait.ge [sflag:s22], $0x1400  }
0xaf: {  	[sflag:s22] =	ssyncset.done $0x0  }
0xb0: {  	[sflag:s22] =	ssyncadd.s32 $0xFFFFEC00  }
0xb1: {  	_ =	swait.ge [sflag:s23], $0x28  }
0xb2: {  	[sflag:s23] =	ssyncset.done $0x0  }
0xb3: {  	[sflag:s23] =	ssyncadd.s32 $0xFFFFFFD8  }
0xb4: {  	_ =	swait.ge [sflag:s24], $0x1400  }
.Ltmp5:
0xb5: {  	[sflag:s24] =	ssyncset.done $0x0;
	(pc) =	sbr.rel @!p4 .LBB2_3-.Ltmp5, $4  }
0xb6: {  	[sflag:s24] =	ssyncadd.s32 $0xFFFFEC00  }
0xb7: {  	[spmem:s2] =	stream.indirect.scatter.add.f32 [tilespmem:s18], [sflag:$0x5], $0x80, s17, s21, $0xb8;
	[tilespmem:$0x1EF00] =	vst v63  }
0xb8: {  	_ =	swait.ge [sflag:s22], $0x1400  }
0xb9: {  	s26 =	sadd.s32 $0x500, s26;
	s29 =	smov.u32 s31;
	[sflag:s22] =	ssyncset.done $0x0  }
0xba: {  	s28 =	sadd.s32 s28, s11;
	[sflag:s22] =	ssyncadd.s32 $0xFFFFEC00  }
0xbb: {  	[tilespmem:s3], [sflag:$0x1] =	stream.linear.gather [hbm4b:s28+s3], $0x28, $0x38;
	[tilespmem:$0x1EF00] =	vst v63  }
0xbc: {  	_ = 	snop  }
0xbd: {  	[tilespmem:s16], [sflag:$0x2] =	stream.linear.gather [hbm4b:s26+s3], $0x1400, $0x38;
	[tilespmem:$0x1EF00] =	vst v63  }
0xbe: {  	s28 =	sadd.s32 $0x5, s28  }
0xbf: {  	[tilespmem:s17], [sflag:$0x3] =	stream.linear.gather [hbm4b:s28+s3], $0x28, $0x38;
	[tilespmem:$0x1EF00] =	vst v63  }
0xc0: {  	s31 =	sadd.s32 $0x280, s26  }
0xc1: {  	[tilespmem:s18], [sflag:$0x4] =	stream.linear.gather [hbm4b:s31+s3], $0x1400, $0x38;
	[tilespmem:$0x1EF00] =	vst v63  }
0xc2: {  	_ =	swait.ge [sflag:s19], $0x28  }
0xc3: {  	[sflag:s19] =	ssyncset.done $0x0  }
0xc4: {  	[sflag:s19] =	ssyncadd.s32 $0xFFFFFFD8  }
0xc5: {  	_ =	swait.ge [sflag:s20], $0x1400  }
0xc6: {  	[sflag:s20] =	ssyncset.done $0x0  }
0xc7: {  	[sflag:s20] =	ssyncadd.s32 $0xFFFFEC00  }
0xc8: {  	[spmem:s2] =	stream.indirect.scatter.add.f32 [tilespmem:s16], [sflag:$0x5], $0x80, s3, s21, $0xb8;
	[tilespmem:$0x1EF00] =	vst v63  }
0xc9: {  	_ =	swait.ge [sflag:s22], $0x1400  }
0xca: {  	[sflag:s22] =	ssyncset.done $0x0  }
0xcb: {  	[sflag:s22] =	ssyncadd.s32 $0xFFFFEC00  }
0xcc: {  	_ =	swait.ge [sflag:s23], $0x28  }
0xcd: {  	[sflag:s23] =	ssyncset.done $0x0  }
0xce: {  	[sflag:s23] =	ssyncadd.s32 $0xFFFFFFD8  }
0xcf: {  	_ =	swait.ge [sflag:s24], $0x1400  }
0xd0: {  	[sflag:s24] =	ssyncset.done $0x0  }
.Ltmp6:
0xd1: {  	[sflag:s24] =	ssyncadd.s32 $0xFFFFEC00;
	(pc) =	sbr.rel .LBB2_8-.Ltmp6, $4  }
0xd2: {  	[spmem:s2] =	stream.indirect.scatter.add.f32 [tilespmem:s18], [sflag:$0x5], $0x80, s17, s21, $0xb8;
	[tilespmem:$0x1EF00] =	vst v63  }
0xd3: {  	_ =	swait.ge [sflag:s22], $0x1400  }
0xd4: {  	[sflag:s22] =	ssyncset.done $0x0  }
0xd5: {  	[sflag:s22] =	ssyncadd.s32 $0xFFFFEC00  }
.LBB2_9:
0xd6: {  	_ =	sfence.sel $0x180000  }
0xd7: {  	[bflag:$0x0] =	sbarrier.arrive $0xFFFF  }
0xd8: {  	p0 =	sne.s32 s1, $0x0;
	_ =	strace $0x9000004D  }
0xd9: {  	s0 =	sadd.s32 @!p0 $0x100000, s0;
	[bflag:$0x2] =	sbarrier.arrive $0xFFFF  }
0xda: {  	[sflag:s0] =	ssyncadd.tile.s32 @!p0 $0x1;
	_ =	shalt  }
.Lfunc_end2:
_tile_overlayer_lowered:
.L_overlay_start_2:
0xdb: {  	(tag) =	ssettag $0x2  }
0xdc: {  	s0 =	rddreg [dreg:$0x0];
	s2 =	stileid.u32  }
0xdd: {  	s1 =	rddreg [dreg:$0x1];
	p0 =	sne.s32 s2, $0x0  }
0xde: {  	s3 =	rddreg [dreg:$0x2];
	[bflag:$0x3] =	sbarrier.arrive $0xFFFF;
	s2 =	simm.s32 @!p0 $0x1C05  }
0xdf: {  	[timem:s3], [sflag:s2] =	dma.local @!p0 [hbm:s0], s1  }
0xe0: {  	s0 =	simm.s32 @!p0 $0x5  }
0xe1: {  	_ =	swait.ge @!p0 [sflag:s0], s1  }
0xe2: {  	s1 =	ssub.s32 @!p0 $0x0, s1;
	[sflag:s0] =	ssyncset.done @!p0 $0x0  }
0xe3: {  	[sflag:s0] =	ssyncadd.s32 @!p0 s1  }
0xe4: {  	[bflag:$0x3] =	sbarrier.arrive $0xFFFF  }
0xe5: {  	_ =	shalt  }

// kernel: kernel.16.cloned.1.call-start
scs
__scs_entry_jumppad:
0x0: {  	(pc) =	sbr.rel $0x88, $3  }
0x1: {  	(tag) =	ssettag $0x0;
	lr =	simm.s32 $0x1  }
0x2: {  	[smem:$0x3F91] =	sst lr;
	_ =	strace $0xD0000000  }
0x3: {  	_ = 	snop  }
0x4: {  	_ = 	snop  }
0x5: {  	_ = 	snop  }
0x6: {  	_ = 	snop  }
0x7: {  	_ = 	snop  }
__scs_overlays_trampoline_lowered:
0x8: {  	[smem:$0x3FA0] =	sst s0  }
0x9: {  	[smem:$0x3FA1] =	sst s1  }
0xa: {  	[smem:$0x3FA2] =	sst s2  }
0xb: {  	[smem:$0x3FA3] =	sst s3  }
0xc: {  	[smem:$0x3FA4] =	sst s4  }
0xd: {  	[smem:$0x3FA5] =	sst s5  }
0xe: {  	[smem:$0x3FA6] =	sst s6  }
0xf: {  	[smem:$0x3FA7] =	sst s7  }
0x10: {  	[smem:$0x3FA8] =	sst s8  }
0x11: {  	[smem:$0x3FA9] =	sst s9;
	s0 =	simm.s32 @!p0 $0x0  }
0x12: {  	s1 =	sld [smem:$0x3F8F];
	s0 =	simm.s32 @p0 $0x1  }
0x13: {  	[smem:$0x3FAA] =	sst s0;
	s0 =	simm.s32 @!p1 $0x0  }
0x14: {  	s2 =	sld [smem:$0x3F8E];
	s0 =	simm.s32 @p1 $0x1  }
0x15: {  	[smem:$0x3FAB] =	sst s0;
	s0 =	simm.s32 @!p2 $0x0  }
0x16: {  	s3 =	sld [smem:$0x3FDB];
	s0 =	simm.s32 @p2 $0x1  }
0x17: {  	s4 =	simm.s32 $0x1BF5;
	[smem:$0x3FAD] =	sst s0  }
0x18: {  	s0 =	sld [smem:$0x3F90];
	_ =	swait.ge [sflag:s4], $0x0  }
0x19: {  	s7 =	sld [smem:$0x3F91]  }
0x1a: {  	s8 =	sadd.s32 $0xFFFFE003, lr  }
0x1b: {  	s9 =	sadd.s32 $0xFFFFFEF7, lr;
	s5 =	simm.s32 $0xFFFFFFFF;
	p2 =	slt.u32 s8, $0xFFFFF086  }
0x1c: {  	p1 =	slt.u32 s9, $0xF7A;
	s5 =	simm.s32 @!p2 $0x0  }
0x1d: {  	s5 =	simm.s32 @p1 $0x1;
	p0 =	seq.s32 s7, s2  }
0x1e: {  	s7 =	smul.u32 @!p0 $0xF7A, s2;
	p2 =	seq.s32 @!p0 s5, $0x0  }
0x1f: {  	s9 =	smul.u32 $0xF7A, s1;
	s8 =	simm.s32 @!p0 $0x1BF5;
	p2 =	por !p2, p0  }
0x20: {  	[sflag:s8] =	ssyncset.s32 @!p0 $0xFFFFF086;
	s6 =	sadd.s32 @!p0 s3, s7;
	s7 =	simm.s32 @!p0 $0x108  }
0x21: {  	s3 =	sadd.s32 s3, s9;
	s6 =	sadd.s32 @!p0 $0x88, s6;
	s7 =	simm.s32 @p2 $0x1082  }
0x22: {  	[simem:s7], [sflag:s8] =	dma.local @!p0 [hbm:s6], $0xF7A  }
0x23: {  	s9 =	sor.u32 $0xD0000000, s2;
	s6 =	simm.s32 $0x108;
	_ =	swait.ge @!p0 [sflag:s8], $0x0  }
0x24: {  	s3 =	sadd.s32 $0x88, s3;
	s6 =	simm.s32 @!p1 $0x1082;
	[sflag:s4] =	ssyncset.s32 $0xFFFFF086  }
0x25: {  	[simem:s6], [sflag:s4] =	dma.local [hbm:s3], $0xF7A  }
0x26: {  	[smem:$0x3F91] =	sst s1;
	(tag) =	ssettag s2;
	_ =	strace s9  }
0x27: {  	s1 =	sld [smem:$0x3FA1]  }
0x28: {  	s2 =	sld [smem:$0x3FA2]  }
0x29: {  	s4 =	sld [smem:$0x3FA4]  }
0x2a: {  	p0 =	seq.s32 s5, $0x0;
	s5 =	sld [smem:$0x3FA5]  }
0x2b: {  	s6 =	sld [smem:$0x3FA6]  }
0x2c: {  	s7 =	sld [smem:$0x3FA7]  }
0x2d: {  	s3 =	simm.s32 $0x108;
	s8 =	sld [smem:$0x3FA8]  }
0x2e: {  	s3 =	simm.s32 @!p0 $0x1082;
	s9 =	sld [smem:$0x3FA9]  }
0x2f: {  	lr =	sadd.s32 s0, s3;
	s0 =	sld [smem:$0x3FA0]  }
0x30: {  	s3 =	sld [smem:$0x3FA3]  }
0x31: {  	[smem:$0x3FAC] =	sst s10  }
0x32: {  	s10 =	sld [smem:$0x3FAA];
	_ =	sdelay $0x3  }
0x33: {  	p0 =	seq.s32 s10, $0x1;
	s10 =	sld [smem:$0x3FAC];
	_ =	sdelay $0x3  }
0x34: {  	[smem:$0x3FAC] =	sst s10  }
0x35: {  	s10 =	sld [smem:$0x3FAB];
	_ =	sdelay $0x3  }
0x36: {  	p1 =	seq.s32 s10, $0x1;
	s10 =	sld [smem:$0x3FAC];
	_ =	sdelay $0x3  }
0x37: {  	[smem:$0x3FAC] =	sst s10  }
0x38: {  	s10 =	sld [smem:$0x3FAD]  }
0x39: {  	_ = 	snop;
	(pc) =	sbr.ind lr, $3  }
0x3a: {  	_ = 	snop  }
0x3b: {  	_ = 	snop  }
0x3c: {  	p2 =	seq.s32 s10, $0x1;
	s10 =	sld [smem:$0x3FAC]  }
0x3d: {  	_ =	shalt  }
0x3e: {  	_ =	shalt  }
0x3f: {  	_ =	shalt  }
0x40: {  	_ =	shalt  }
0x41: {  	_ =	shalt  }
0x42: {  	_ =	shalt  }
0x43: {  	_ =	shalt  }
0x44: {  	_ =	shalt  }
0x45: {  	_ =	shalt  }
0x46: {  	_ =	shalt  }
0x47: {  	_ =	shalt  }
0x48: {  	_ =	shalt  }
0x49: {  	_ =	shalt  }
0x4a: {  	_ =	shalt  }
0x4b: {  	_ =	shalt  }
0x4c: {  	_ =	shalt  }
0x4d: {  	_ =	shalt  }
0x4e: {  	_ =	shalt  }
0x4f: {  	_ =	shalt  }
0x50: {  	_ =	shalt  }
0x51: {  	_ =	shalt  }
0x52: {  	_ =	shalt  }
0x53: {  	_ =	shalt  }
0x54: {  	_ =	shalt  }
0x55: {  	_ =	shalt  }
0x56: {  	_ =	shalt  }
0x57: {  	_ =	shalt  }
0x58: {  	_ =	shalt  }
0x59: {  	_ =	shalt  }
0x5a: {  	_ =	shalt  }
0x5b: {  	_ =	shalt  }
0x5c: {  	_ =	shalt  }
0x5d: {  	_ =	shalt  }
0x5e: {  	_ =	shalt  }
0x5f: {  	_ =	shalt  }
0x60: {  	_ =	shalt  }
0x61: {  	_ =	shalt  }
0x62: {  	_ =	shalt  }
0x63: {  	_ =	shalt  }
0x64: {  	_ =	shalt  }
0x65: {  	_ =	shalt  }
0x66: {  	_ =	shalt  }
0x67: {  	_ =	shalt  }
0x68: {  	_ =	shalt  }
0x69: {  	_ =	shalt  }
0x6a: {  	_ =	shalt  }
0x6b: {  	_ =	shalt  }
0x6c: {  	_ =	shalt  }
0x6d: {  	_ =	shalt  }
0x6e: {  	_ =	shalt  }
0x6f: {  	_ =	shalt  }
0x70: {  	_ =	shalt  }
0x71: {  	_ =	shalt  }
0x72: {  	_ =	shalt  }
0x73: {  	_ =	shalt  }
0x74: {  	_ =	shalt  }
0x75: {  	_ =	shalt  }
0x76: {  	_ =	shalt  }
0x77: {  	_ =	shalt  }
0x78: {  	_ =	shalt  }
0x79: {  	_ =	shalt  }
0x7a: {  	_ =	shalt  }
0x7b: {  	_ =	shalt  }
0x7c: {  	_ =	shalt  }
0x7d: {  	_ =	shalt  }
0x7e: {  	_ =	shalt  }
0x7f: {  	_ =	shalt  }
0x80: {  	_ =	shalt  }
0x81: {  	_ =	shalt  }
0x82: {  	_ =	shalt  }
0x83: {  	_ =	shalt  }
0x84: {  	_ =	shalt  }
0x85: {  	_ =	shalt  }
0x86: {  	_ =	shalt  }
0x87: {  	_ =	shalt  }
.Lfunc_end0:
.L_simem_size_0:
called_computation.2_lowered:
.L_overlay_start_0:
0x88: {  	s2 =	sld [smem:$0x3FD9]  }
0x89: {  	s3 =	sld [smem:$0x3FFE];
	_ =	sdelay $0x1  }
0x8a: {  	s1 =	srdreg.scid  }
0x8b: {  	s0 =	sand.u32 $0x1, s1  }
0x8c: {  	s15 =	sshll.u32 s0, $0xA;
	s2 =	sadd.s32 s3, s2  }
0x8d: {  	s2 =	sadd.s32 s2, s15  }
0x8e: {  	[smem:$0x3FB8] =	sst s2  }
0x8f: {  	_ = 	snop  }
0x90: {  	s2 =	sld [smem:$0x3FD0];
	_ =	sdelay $0x2  }
0x91: {  	s4 =	simm.s32 $0xB;
	s16 =	simm.s32 $0x10  }
0x92: {  	[smem:s16], [sflag:s4] =	dma.local [hbm:s2], $0x1  }
0x93: {  	_ =	swait.eq [sflag:s4], $0x1  }
0x94: {  	[sflag:s4] =	ssyncset.done $0x0  }
0x95: {  	s17 =	sld [smem:$0x11];
	[sflag:s4] =	ssyncadd.s32 $0xFFFFFFFF  }
0x96: {  	s18 =	sld [smem:$0x12];
	(tm) =	ssettm $0x1  }
0x97: {  	s19 =	sld [smem:$0x3FFB];
	_ =	sdelay $0x3  }
0x98: {  	_ =	strace s19  }
0x99: {  	s2 =	sld [smem:$0x3FFC];
	_ =	sdelay $0x3  }
0x9a: {  	_ =	strace s2  }
0x9b: {  	s2 =	sld [smem:$0x3FFD];
	_ =	sdelay $0x3  }
0x9c: {  	_ =	strace s2  }
0x9d: {  	_ =	strace $0x8FFFFFFF  }
0x9e: {  	s20 =	sld [smem:$0x3FDB];
	_ =	sdelay $0x1  }
0x9f: {  	s5 =	simm.s32 $_scs_section_size  }
0xa0: {  	s6 =	simm.s32 $_size__tile_overlayer_lowered;
	s7 =	simm.s32 $_tile_overlayer_lowered  }
0xa1: {  	s8 =	simm.s32 $0x1BFF;
	s21 =	sshll.u32 s7, $0x1;
	s5 =	sadd.s32 s5, s20  }
0xa2: {  	s22 =	simm.s32 $0x0;
	s6 =	sshll.u32 s6, $0x1;
	s7 =	sadd.s32 s21, s5  }
0xa3: {  	[timem:s22], [sflag:s8] =	dma.local [hbm:s7], s6  }
0xa4: {  	_ =	swait.ge [sflag:s8], s6  }
0xa5: {  	s6 =	ssub.s32 $0x0, s6;
	[sflag:s8] =	ssyncset.done $0x0  }
0xa6: {  	[sflag:s8] =	ssyncadd.s32 s6;
	_ =	sdelay $0x1  }
0xa7: {  	s23 =	simm.s32 $0x1B8B  }
0xa8: {  	_ =	swait.ge [sflag:s23], $0x1  }
0xa9: {  	[sflag:s23] =	ssyncset.done $0x0  }
0xaa: {  	[sflag:s23] =	ssyncadd.s32 $0xFFFFFFFF  }
0xab: {  	s6 =	sld [smem:$0x0]  }
0xac: {  	s7 =	sand.u32 $0xFFFFFFFE, s1  }
0xad: {  	p0 =	sne.s32 s1, s7  }
0xae: {  	s7 =	sshll.u32 @p0 s7, $0xE  }
0xaf: {  	s7 =	sadd.s32 @p0 $0x11B8D, s7;
	s8 =	sshll.u32 @p0 s6, $0x11  }
0xb0: {  	s7 =	sor.u32 @p0 s8, s7  }
0xb1: {  	[sflag:s7] =	ssyncadd.remote.s32 @p0 $0x1;
	_ =	sdelay $0x1  }
0xb2: {  	s7 =	simm.s32 @p0 $0x1B8D  }
0xb3: {  	_ =	swait.eq @p0 [sflag:s7], $0x1  }
0xb4: {  	[sflag:s7] =	ssyncadd.s32 @p0 $0xFFFFFFFF  }
0xb5: {  	s8 =	sshll.u32 @!p0 s1, $0xE  }
0xb6: {  	s8 =	sor.u32 @!p0 $0x4000, s8;
	s7 =	simm.s32 @!p0 $0x1B8D  }
0xb7: {  	s6 =	sshll.u32 @!p0 s6, $0x11;
	s8 =	sadd.s32 @!p0 $0x11B8D, s8;
	_ =	swait.eq @!p0 [sflag:s7], $0x1  }
0xb8: {  	s6 =	sor.u32 @!p0 s6, s8;
	[sflag:s7] =	ssyncadd.s32 @!p0 $0xFFFFFFFF  }
0xb9: {  	s25 =	simm.s32 $0x1B8E;
	s24 =	sld [smem:$0x3FFE];
	[sflag:s6] =	ssyncadd.remote.s32 @!p0 $0x1  }
0xba: {  	s26 =	simm.s32 $execute0_lowered;
	[smem:$0x3FD2] =	sst s25  }
0xbb: {  	s7 =	sshll.u32 s26, $0x1;
	_ =	strace $0x80000049;
	[dreg:$0x1] =	wrdreg $0xFFFFFFFF  }
0xbc: {  	s28 =	simm.s32 $_size_execute0_lowered;
	s5 =	sadd.s32 s5, s7;
	[dreg:$0x0] =	wrdreg $0x0  }
0xbd: {  	s7 =	sshll.u32 s28, $0x1;
	[dreg:$0x2] =	wrdreg s5  }
0xbe: {  	[dreg:$0x3] =	wrdreg s7  }
0xbf: {  	[dreg:$0x4] =	wrdreg $0xC0  }
0xc0: {  	_ =	task [dreg:s22], $0x5FFFF  }
0xc1: {  	[dreg:$0x1] =	wrdreg $0xFFFFFFFF  }
0xc2: {  	[dreg:$0x0] =	wrdreg $0x60  }
0xc3: {  	[dreg:$0x2] =	wrdreg s24  }
0xc4: {  	[dreg:$0x3] =	wrdreg s18  }
0xc5: {  	[dreg:$0x4] =	wrdreg s17  }
0xc6: {  	[dreg:$0x5] =	wrdreg $0x9  }
0xc7: {  	_ =	task.clear_ibuf [dreg:s22], $0x6FFFF;
	_ =	strace $0x90000049  }
0xc8: {  	s29 =	simm.s32 $0x9;
	_ =	strace $0x8000004B  }
0xc9: {  	_ =	swait.ge [sflag:s29], $0x1  }
0xca: {  	[sflag:s29] =	ssyncadd.s32 $0xFFFFFFFF  }
0xcb: {  	_ =	strace $0x9000004B  }
0xcc: {  	_ =	sfence  }
0xcd: {  	s30 =	sld [smem:$0x0];
	_ =	sdelay $0x2  }
0xce: {  	s31 =	sshll.u32 s1, $0xD;
	s1 =	sshrl.u32 s1, $0x2  }
0xcf: {  	s4 =	sand.u32 $0x4000, s31;
	s1 =	sadd.s32 s1, s30  }
0xd0: {  	s0 =	sor.u32 s4, s0;
	s1 =	sshll.u32 s1, $0x11  }
0xd1: {  	s0 =	sor.u32 s1, s0  }
0xd2: {  	s0 =	sadd.s32 $0x8F2B, s0  }
0xd3: {  	[sflag:s0] =	ssyncadd.remote.s32 $0x1  }
0xd4: {  	_ =	sfence.sel $0xFFFF  }
0xd5: {  	[dreg:$0x0] =	wrdreg $0xFFFFFFFF;
	(pc) =	sbr.abs _section_cstart, $3  }
0xd6: {  	[dreg:$0x1] =	wrdreg $0xFFFFFFFF  }
0xd7: {  	_ =	task.clear_ibuf [dreg:s22], $0x2FFFF;
	_ =	strace $0x9FFFFFFF  }
0xd8: {  	(tm) =	ssettm $0x7FFFFFFF  }
0xd9: {  	_ =	shalt  }
tec
execute0_lowered:
.L_overlay_start_1:
0x0: {  	(tag) =	ssettag $0x1  }
0x1: {  	s0 =	rddreg [dreg:$0x0]  }
0x2: {  	s1 =	rddreg [dreg:$0x1]  }
0x3: {  	s8 =	rddreg [dreg:$0x2];
	s4 =	simm.s32 $0x0  }
0x4: {  	s2 =	srdreg.scid;
	s11 =	stileid.u32;
	s15 =	simm.s32 $0x80  }
0x5: {  	s16 =	simm.s32 $0x78;
	s17 =	simm.s32 $0x200;
	s18 =	simm.s32 $0x3E00  }
0x6: {  	s19 =	simm.s32 $0x100;
	s28 =	simm.s32 $0x5;
	s29 =	simm.s32 $0x6  }
0x7: {  	s30 =	simm.s32 $0x7;
	s31 =	simm.s32 $0x8;
	[smem:$0x7FF] =	sst s4  }
0x8: {  	s2 =	sand.u32 $0x1, s2;
	s6 =	sadd.s32 $0x177200, s0;
	s12 =	smul.u32 $0x71700, s11  }
0x9: {  	s3 =	sshll.u32 s11, $0x1;
	s7 =	sadd.s32 $0x1016A00, s0;
	s14 =	smul.u32 $0x7170, s11  }
0xa: {  	s5 =	sadd.s32 $0x77A00, s0;
	s0 =	sadd.s32 $0x172DA00, s0;
	s13 =	smul.u32 $0x38B80, s2  }
0xb: {  	s3 =	sor.u32 s2, s3;
	s9 =	ssub.s32 $0x2, s2;
	s2 =	smul.u32 $0x38B8, s2  }
0xc: {  	_ =	strace $0x8000004A;
	s3 =	smul.u32 $0x38B8, s3;
	s10 =	sshrl.u32 s9, $0x1  }
0xd: {  	s25 =	sadd.s32 s12, s7;
	s9 =	ssub.s32 s9, s10;
	s2 =	sadd.s32 s2, s14  }
0xe: {  	s14 =	simm.s32 $0x9;
	s3 =	sadd.s32 $0x3840, s3;
	s24 =	smax.u32 s9, $0x1  }
0xf: {  	s26 =	sadd.s32 $0x78, s2;
	s20 =	sshrl.u32 s3, $0x3;
	s3 =	sshll.u32 s3, $0x4  }
0x10: {  	[dreg:$0xa] =	wrdreg s24;
	s24 =	simm.s32 $0x2;
	s1 =	sadd.s32 s1, s20  }
0x11: {  	s21 =	sadd.s32 s8, s20;
	s22 =	sadd.s32 s7, s3;
	[dreg:$0x6] =	wrdreg s1  }
0x12: {  	s23 =	sadd.s32 s0, s3;
	s3 =	sadd.s32 s13, s25;
	[dreg:$0x7] =	wrdreg s21  }
0x13: {  	s0 =	sadd.s32 s12, s0;
	s12 =	sshrl.u32 s2, $0x3;
	[dreg:$0x8] =	wrdreg s22  }
0x14: {  	s20 =	simm.s32 $0x180;
	s25 =	simm.s32 $0x3;
	[dreg:$0x9] =	wrdreg s23  }
0x15: {  	[dreg:$0x4] =	wrdreg s3;
	s0 =	sadd.s32 s13, s0;
	s13 =	sshrl.u32 s26, $0x3  }
0x16: {  	s21 =	simm.s32 $0x7A00;
	s22 =	simm.s32 $0xB600;
	s23 =	simm.s32 $0x1  }
0x17: {  	s26 =	simm.s32 $0x4;
	[dreg:$0x5] =	wrdreg s0;
	s0 =	simm.s32 $0x0  }
.LBB2_1:
0x18: {  	s1 =	rddreg [dreg:$0x1]  }
0x19: {  	s2 =	sadd.s32 s1, s12  }
0x1a: {  	[tilespmem:s4], [sflag:$0x9] =	stream.linear.gather [hbm4b:s2+s4], $0x78, $0x38;
	[tilespmem:$0xF200] =	vst v63  }
0x1b: {  	_ =	swait.ge [sflag:s14], $0x78  }
0x1c: {  	[sflag:s14] =	ssyncset.done $0x0  }
0x1d: {  	s3 =	sadd.s32 s8, s12;
	[sflag:s14] =	ssyncadd.s32 $0xFFFFFF88  }
0x1e: {  	[tilespmem:s15], [sflag:$0x9] =	stream.linear.gather [hbm4b:s3+s4], $0x78, $0x38;
	[tilespmem:$0xF200] =	vst v63  }
0x1f: {  	_ =	swait.ge [sflag:s14], $0x78  }
0x20: {  	[sflag:s14] =	ssyncset.done $0x0  }
0x21: {  	[sflag:s14] =	ssyncadd.s32 $0xFFFFFF88  }
0x22: {  	[tilespmem:s17], [sflag:$0x1] =	stream.indirect.gather [hbm4b:s5+s16], $0x80, s4, s16, $0xb8;
	[tilespmem:$0xF200] =	vst v63  }
0x23: {  	_ = 	snop  }
0x24: {  	[tilespmem:s18], [sflag:$0x2] =	stream.indirect.gather [hbm4b:s6+s16], $0x80, s15, s16, $0xb8;
	[tilespmem:$0xF200] =	vst v63  }
0x25: {  	s7 =	sadd.s32 s1, s13  }
0x26: {  	[tilespmem:s19], [sflag:$0x9] =	stream.linear.gather [hbm4b:s7+s4], $0x78, $0x38;
	[tilespmem:$0xF200] =	vst v63  }
0x27: {  	_ =	swait.ge [sflag:s14], $0x78  }
0x28: {  	[sflag:s14] =	ssyncset.done $0x0  }
0x29: {  	s9 =	sadd.s32 s8, s13;
	[sflag:s14] =	ssyncadd.s32 $0xFFFFFF88  }
0x2a: {  	[tilespmem:s20], [sflag:$0x9] =	stream.linear.gather [hbm4b:s9+s4], $0x78, $0x38;
	[tilespmem:$0xF200] =	vst v63  }
0x2b: {  	_ =	swait.ge [sflag:s14], $0x78  }
0x2c: {  	[sflag:s14] =	ssyncset.done $0x0  }
0x2d: {  	[sflag:s14] =	ssyncadd.s32 $0xFFFFFF88  }
0x2e: {  	[tilespmem:s21], [sflag:$0x3] =	stream.indirect.gather [hbm4b:s5+s16], $0x80, s19, s16, $0xb8;
	[tilespmem:$0xF200] =	vst v63  }
0x2f: {  	_ = 	snop  }
0x30: {  	[tilespmem:s22], [sflag:$0x4] =	stream.indirect.gather [hbm4b:s6+s16], $0x80, s20, s16, $0xb8;
	[tilespmem:$0xF200] =	vst v63  }
0x31: {  	_ =	swait.ge [sflag:s23], $0x3C00  }
0x32: {  	[sflag:s23] =	ssyncset.done $0x0  }
0x33: {  	[sflag:s23] =	ssyncadd.s32 $0xFFFFC400  }
0x34: {  	_ =	swait.ge [sflag:s24], $0x3C00  }
0x35: {  	s10 =	rddreg [dreg:$0x4];
	[sflag:s24] =	ssyncset.done $0x0  }
0x36: {  	s3 =	rddreg [dreg:$0x5];
	[sflag:s24] =	ssyncadd.s32 $0xFFFFC400;
	s2 =	sadd.s32 $0x0, s10  }
0x37: {  	[hbm4b:s2+s4] =	stream.linear.scatter [tilespmem:s17], [sflag:$0x5], $0x3C00, $0x38;
	[tilespmem:$0xF200] =	vst v63  }
0x38: {  	s3 =	sadd.s32 $0x0, s3  }
0x39: {  	[hbm4b:s3+s4] =	stream.linear.scatter [tilespmem:s18], [sflag:$0x6], $0x3C00, $0x38;
	[tilespmem:$0xF200] =	vst v63  }
0x3a: {  	_ =	swait.ge [sflag:s25], $0x3C00  }
0x3b: {  	[sflag:s25] =	ssyncset.done $0x0  }
0x3c: {  	[sflag:s25] =	ssyncadd.s32 $0xFFFFC400  }
0x3d: {  	_ =	swait.ge [sflag:s26], $0x3C00  }
0x3e: {  	[sflag:s26] =	ssyncset.done $0x0  }
0x3f: {  	s2 =	sadd.s32 $0x780, s2;
	[sflag:s26] =	ssyncadd.s32 $0xFFFFC400  }
0x40: {  	[hbm4b:s2+s4] =	stream.linear.scatter [tilespmem:s21], [sflag:$0x7], $0x3C00, $0x38;
	[tilespmem:$0xF200] =	vst v63  }
0x41: {  	s11 =	sadd.s32 $0x780, s3  }
0x42: {  	[hbm4b:s11+s4] =	stream.linear.scatter [tilespmem:s22], [sflag:$0x8], $0x3C00, $0x38;
	[tilespmem:$0xF200] =	vst v63  }
0x43: {  	_ =	swait.ge [sflag:s28], $0x3C00  }
0x44: {  	[sflag:s28] =	ssyncset.done $0x0  }
0x45: {  	[sflag:s28] =	ssyncadd.s32 $0xFFFFC400  }
0x46: {  	_ =	swait.ge [sflag:s29], $0x3C00  }
0x47: {  	[sflag:s29] =	ssyncset.done $0x0  }
0x48: {  	[sflag:s29] =	ssyncadd.s32 $0xFFFFC400  }
0x49: {  	_ =	swait.ge [sflag:s30], $0x3C00  }
0x4a: {  	[sflag:s30] =	ssyncset.done $0x0  }
0x4b: {  	[sflag:s30] =	ssyncadd.s32 $0xFFFFC400  }
0x4c: {  	s7 =	sadd.s32 $0x1E, s1;
	s9 =	simm.s32 $0x1E00;
	_ =	swait.ge [sflag:s31], $0x3C00  }
0x4d: {  	s3 =	smov.u32 s8;
	s2 =	simm.s32 $0xF00;
	[sflag:s31] =	ssyncset.done $0x0  }
.LBB2_2:
0x4e: {  	s11 =	sadd.s32 s7, s12;
	[sflag:s31] =	ssyncadd.s32 $0xFFFFC400  }
0x4f: {  	[tilespmem:s4], [sflag:$0x9] =	stream.linear.gather [hbm4b:s11+s4], $0x78, $0x38;
	[tilespmem:$0xF200] =	vst v63  }
0x50: {  	_ =	swait.ge [sflag:s14], $0x78  }
0x51: {  	s3 =	sadd.s32 $0x1E, s3;
	[sflag:s14] =	ssyncset.done $0x0  }
0x52: {  	s1 =	sadd.s32 s3, s12;
	[sflag:s14] =	ssyncadd.s32 $0xFFFFFF88  }
0x53: {  	[tilespmem:s15], [sflag:$0x9] =	stream.linear.gather [hbm4b:s1+s4], $0x78, $0x38;
	[tilespmem:$0xF200] =	vst v63  }
0x54: {  	_ =	swait.ge [sflag:s14], $0x78  }
0x55: {  	[sflag:s14] =	ssyncset.done $0x0  }
0x56: {  	[sflag:s14] =	ssyncadd.s32 $0xFFFFFF88  }
0x57: {  	[tilespmem:s17], [sflag:$0x1] =	stream.indirect.gather [hbm4b:s5+s16], $0x80, s4, s16, $0xb8;
	[tilespmem:$0xF200] =	vst v63  }
0x58: {  	_ = 	snop  }
0x59: {  	[tilespmem:s18], [sflag:$0x2] =	stream.indirect.gather [hbm4b:s6+s16], $0x80, s15, s16, $0xb8;
	[tilespmem:$0xF200] =	vst v63  }
0x5a: {  	s1 =	sadd.s32 s7, s13  }
0x5b: {  	[tilespmem:s19], [sflag:$0x9] =	stream.linear.gather [hbm4b:s1+s4], $0x78, $0x38;
	[tilespmem:$0xF200] =	vst v63  }
0x5c: {  	_ =	swait.ge [sflag:s14], $0x78  }
0x5d: {  	[sflag:s14] =	ssyncset.done $0x0  }
0x5e: {  	s1 =	sadd.s32 s3, s13;
	[sflag:s14] =	ssyncadd.s32 $0xFFFFFF88  }
0x5f: {  	[tilespmem:s20], [sflag:$0x9] =	stream.linear.gather [hbm4b:s1+s4], $0x78, $0x38;
	[tilespmem:$0xF200] =	vst v63  }
0x60: {  	_ =	swait.ge [sflag:s14], $0x78  }
0x61: {  	[sflag:s14] =	ssyncset.done $0x0  }
0x62: {  	[sflag:s14] =	ssyncadd.s32 $0xFFFFFF88  }
0x63: {  	[tilespmem:s21], [sflag:$0x3] =	stream.indirect.gather [hbm4b:s5+s16], $0x80, s19, s16, $0xb8;
	[tilespmem:$0xF200] =	vst v63  }
0x64: {  	_ = 	snop  }
0x65: {  	[tilespmem:s22], [sflag:$0x4] =	stream.indirect.gather [hbm4b:s6+s16], $0x80, s20, s16, $0xb8;
	[tilespmem:$0xF200] =	vst v63  }
0x66: {  	_ =	swait.ge [sflag:s23], $0x3C00  }
0x67: {  	[sflag:s23] =	ssyncset.done $0x0  }
0x68: {  	[sflag:s23] =	ssyncadd.s32 $0xFFFFC400  }
0x69: {  	_ =	swait.ge [sflag:s24], $0x3C00  }
0x6a: {  	s11 =	rddreg [dreg:$0x4];
	[sflag:s24] =	ssyncset.done $0x0  }
0x6b: {  	s1 =	rddreg [dreg:$0x5];
	[sflag:s24] =	ssyncadd.s32 $0xFFFFC400;
	s11 =	sadd.s32 s2, s11  }
0x6c: {  	[hbm4b:s11+s4] =	stream.linear.scatter [tilespmem:s17], [sflag:$0x5], $0x3C00, $0x38;
	[tilespmem:$0xF200] =	vst v63  }
0x6d: {  	s1 =	sadd.s32 s2, s1  }
0x6e: {  	[hbm4b:s1+s4] =	stream.linear.scatter [tilespmem:s18], [sflag:$0x6], $0x3C00, $0x38;
	[tilespmem:$0xF200] =	vst v63  }
0x6f: {  	_ =	swait.ge [sflag:s25], $0x3C00  }
0x70: {  	[sflag:s25] =	ssyncset.done $0x0  }
0x71: {  	[sflag:s25] =	ssyncadd.s32 $0xFFFFC400  }
0x72: {  	_ =	swait.ge [sflag:s26], $0x3C00  }
0x73: {  	[sflag:s26] =	ssyncset.done $0x0  }
0x74: {  	s11 =	sadd.s32 $0x780, s11;
	[sflag:s26] =	ssyncadd.s32 $0xFFFFC400  }
0x75: {  	[hbm4b:s11+s4] =	stream.linear.scatter [tilespmem:s21], [sflag:$0x7], $0x3C00, $0x38;
	[tilespmem:$0xF200] =	vst v63  }
0x76: {  	s1 =	sadd.s32 $0x780, s1  }
0x77: {  	[hbm4b:s1+s4] =	stream.linear.scatter [tilespmem:s22], [sflag:$0x8], $0x3C00, $0x38;
	[tilespmem:$0xF200] =	vst v63  }
0x78: {  	_ =	swait.ge [sflag:s28], $0x3C00  }
0x79: {  	[sflag:s28] =	ssyncset.done $0x0  }
0x7a: {  	[sflag:s28] =	ssyncadd.s32 $0xFFFFC400  }
0x7b: {  	_ =	swait.ge [sflag:s29], $0x3C00  }
0x7c: {  	[sflag:s29] =	ssyncset.done $0x0  }
0x7d: {  	p0 =	sne.s32 s9, $0x37500;
	[sflag:s29] =	ssyncadd.s32 $0xFFFFC400  }
.Ltmp0:
0x7e: {  	_ =	swait.ge [sflag:s30], $0x3C00;
	(pc) =	sbr.rel @p0 .LBB2_2-.Ltmp0, $4  }
0x7f: {  	[sflag:s30] =	ssyncset.done $0x0  }
0x80: {  	[sflag:s30] =	ssyncadd.s32 $0xFFFFC400  }
0x81: {  	s10 =	smov.u32 s9;
	s9 =	sadd.s32 $0xF00, s9;
	_ =	swait.ge [sflag:s31], $0x3C00  }
0x82: {  	s7 =	sadd.s32 $0x1E, s7;
	s2 =	smov.u32 s10;
	[sflag:s31] =	ssyncset.done $0x0  }
0x83: {  	s1 =	sadd.s32 s7, s12;
	[sflag:s31] =	ssyncadd.s32 $0xFFFFC400  }
0x84: {  	[tilespmem:s4], [sflag:$0x9] =	stream.linear.gather [hbm4b:s1+s4], $0x78, $0x38;
	[tilespmem:$0xF200] =	vst v63  }
0x85: {  	_ =	swait.ge [sflag:s14], $0x78  }
0x86: {  	s11 =	sadd.s32 $0x1E, s3;
	[sflag:s14] =	ssyncset.done $0x0  }
0x87: {  	s3 =	sadd.s32 s11, s12;
	[sflag:s14] =	ssyncadd.s32 $0xFFFFFF88  }
0x88: {  	[tilespmem:s15], [sflag:$0x9] =	stream.linear.gather [hbm4b:s3+s4], $0x78, $0x38;
	[tilespmem:$0xF200] =	vst v63  }
0x89: {  	_ =	swait.ge [sflag:s14], $0x78  }
0x8a: {  	[sflag:s14] =	ssyncset.done $0x0  }
0x8b: {  	[sflag:s14] =	ssyncadd.s32 $0xFFFFFF88  }
0x8c: {  	[tilespmem:s17], [sflag:$0x1] =	stream.indirect.gather [hbm4b:s5+s16], $0x80, s4, s16, $0xb8;
	[tilespmem:$0xF200] =	vst v63  }
0x8d: {  	_ = 	snop  }
0x8e: {  	[tilespmem:s18], [sflag:$0x2] =	stream.indirect.gather [hbm4b:s6+s16], $0x80, s15, s16, $0xb8;
	[tilespmem:$0xF200] =	vst v63  }
0x8f: {  	s7 =	sadd.s32 s7, s13  }
0x90: {  	[tilespmem:s19], [sflag:$0x9] =	stream.linear.gather [hbm4b:s7+s4], $0x78, $0x38;
	[tilespmem:$0xF200] =	vst v63  }
0x91: {  	_ =	swait.ge [sflag:s14], $0x78  }
0x92: {  	[sflag:s14] =	ssyncset.done $0x0  }
0x93: {  	s1 =	sadd.s32 s11, s13;
	[sflag:s14] =	ssyncadd.s32 $0xFFFFFF88  }
0x94: {  	[tilespmem:s20], [sflag:$0x9] =	stream.linear.gather [hbm4b:s1+s4], $0x78, $0x38;
	[tilespmem:$0xF200] =	vst v63  }
0x95: {  	_ =	swait.ge [sflag:s14], $0x78  }
0x96: {  	[sflag:s14] =	ssyncset.done $0x0  }
0x97: {  	[sflag:s14] =	ssyncadd.s32 $0xFFFFFF88  }
0x98: {  	[tilespmem:s21], [sflag:$0x3] =	stream.indirect.gather [hbm4b:s5+s16], $0x80, s19, s16, $0xb8;
	[tilespmem:$0xF200] =	vst v63  }
0x99: {  	_ = 	snop  }
0x9a: {  	[tilespmem:s22], [sflag:$0x4] =	stream.indirect.gather [hbm4b:s6+s16], $0x80, s20, s16, $0xb8;
	[tilespmem:$0xF200] =	vst v63  }
0x9b: {  	_ =	swait.ge [sflag:s23], $0x3C00  }
0x9c: {  	[sflag:s23] =	ssyncset.done $0x0  }
0x9d: {  	[sflag:s23] =	ssyncadd.s32 $0xFFFFC400  }
0x9e: {  	_ =	swait.ge [sflag:s24], $0x3C00  }
0x9f: {  	s9 =	rddreg [dreg:$0x4];
	[sflag:s24] =	ssyncset.done $0x0  }
0xa0: {  	s10 =	rddreg [dreg:$0x5];
	[sflag:s24] =	ssyncadd.s32 $0xFFFFC400;
	s1 =	sadd.s32 s2, s9  }
0xa1: {  	[hbm4b:s1+s4] =	stream.linear.scatter [tilespmem:s17], [sflag:$0x5], $0x3C00, $0x38;
	[tilespmem:$0xF200] =	vst v63  }
0xa2: {  	s11 =	sadd.s32 s2, s10  }
0xa3: {  	[hbm4b:s11+s4] =	stream.linear.scatter [tilespmem:s18], [sflag:$0x6], $0x3C00, $0x38;
	[tilespmem:$0xF200] =	vst v63  }
0xa4: {  	_ =	swait.ge [sflag:s25], $0x3C00  }
0xa5: {  	[sflag:s25] =	ssyncset.done $0x0  }
0xa6: {  	[sflag:s25] =	ssyncadd.s32 $0xFFFFC400  }
0xa7: {  	_ =	swait.ge [sflag:s26], $0x3C00  }
0xa8: {  	[sflag:s26] =	ssyncset.done $0x0  }
0xa9: {  	s1 =	sadd.s32 $0x780, s1;
	[sflag:s26] =	ssyncadd.s32 $0xFFFFC400  }
0xaa: {  	[hbm4b:s1+s4] =	stream.linear.scatter [tilespmem:s21], [sflag:$0x7], $0x3C00, $0x38;
	[tilespmem:$0xF200] =	vst v63  }
0xab: {  	s2 =	sadd.s32 $0x780, s11  }
0xac: {  	[hbm4b:s2+s4] =	stream.linear.scatter [tilespmem:s22], [sflag:$0x8], $0x3C00, $0x38;
	[tilespmem:$0xF200] =	vst v63  }
0xad: {  	_ =	swait.ge [sflag:s28], $0x3C00  }
0xae: {  	[sflag:s28] =	ssyncset.done $0x0  }
0xaf: {  	[sflag:s28] =	ssyncadd.s32 $0xFFFFC400  }
0xb0: {  	_ =	swait.ge [sflag:s29], $0x3C00  }
0xb1: {  	[sflag:s29] =	ssyncset.done $0x0  }
0xb2: {  	[sflag:s29] =	ssyncadd.s32 $0xFFFFC400  }
0xb3: {  	_ =	swait.ge [sflag:s30], $0x3C00  }
0xb4: {  	[sflag:s30] =	ssyncset.done $0x0  }
0xb5: {  	[sflag:s30] =	ssyncadd.s32 $0xFFFFC400  }
0xb6: {  	_ =	swait.ge [sflag:s31], $0x3C00  }
0xb7: {  	[sflag:s31] =	ssyncset.done $0x0  }
0xb8: {  	s3 =	rddreg [dreg:$0x6];
	[sflag:s31] =	ssyncadd.s32 $0xFFFFC400  }
0xb9: {  	[tilespmem:s4], [sflag:$0x9] =	stream.linear.gather [hbm4b:s3+s4], $0x78, $0x38;
	[tilespmem:$0xF200] =	vst v63  }
0xba: {  	_ =	swait.ge [sflag:s14], $0x78  }
0xbb: {  	[sflag:s14] =	ssyncset.done $0x0  }
0xbc: {  	s7 =	rddreg [dreg:$0x7];
	[sflag:s14] =	ssyncadd.s32 $0xFFFFFF88  }
0xbd: {  	[tilespmem:s15], [sflag:$0x9] =	stream.linear.gather [hbm4b:s7+s4], $0x78, $0x38;
	[tilespmem:$0xF200] =	vst v63  }
0xbe: {  	_ =	swait.ge [sflag:s14], $0x78  }
0xbf: {  	[sflag:s14] =	ssyncset.done $0x0  }
0xc0: {  	[sflag:s14] =	ssyncadd.s32 $0xFFFFFF88  }
0xc1: {  	[tilespmem:s17], [sflag:$0x1] =	stream.indirect.gather [hbm4b:s5+s16], $0x80, s4, s16, $0xb8;
	[tilespmem:$0xF200] =	vst v63  }
0xc2: {  	_ = 	snop  }
0xc3: {  	[tilespmem:s18], [sflag:$0x2] =	stream.indirect.gather [hbm4b:s6+s16], $0x80, s15, s16, $0xb8;
	[tilespmem:$0xF200] =	vst v63  }
0xc4: {  	_ =	swait.ge [sflag:s23], $0x3C00  }
0xc5: {  	[sflag:s23] =	ssyncset.done $0x0  }
0xc6: {  	[sflag:s23] =	ssyncadd.s32 $0xFFFFC400  }
0xc7: {  	_ =	swait.ge [sflag:s24], $0x3C00  }
0xc8: {  	[sflag:s24] =	ssyncset.done $0x0  }
0xc9: {  	s9 =	rddreg [dreg:$0x8];
	[sflag:s24] =	ssyncadd.s32 $0xFFFFC400  }
0xca: {  	[hbm4b:s9+s4] =	stream.linear.scatter [tilespmem:s17], [sflag:$0x9], $0x3C00, $0x38;
	[tilespmem:$0xF200] =	vst v63  }
0xcb: {  	_ =	swait.ge [sflag:s14], $0x3C00  }
0xcc: {  	[sflag:s14] =	ssyncset.done $0x0  }
0xcd: {  	s10 =	rddreg [dreg:$0x9];
	[sflag:s14] =	ssyncadd.s32 $0xFFFFC400  }
0xce: {  	[hbm4b:s10+s4] =	stream.linear.scatter [tilespmem:s18], [sflag:$0x9], $0x3C00, $0x38;
	[tilespmem:$0xF200] =	vst v63  }
0xcf: {  	_ =	swait.ge [sflag:s14], $0x3C00  }
0xd0: {  	s0 =	sadd.s32 $0x1, s0;
	s11 =	rddreg [dreg:$0xa]  }
0xd1: {  	p0 =	sne.s32 s0, s11  }
.Ltmp1:
0xd2: {  	_ = 	snop;
	(pc) =	sbr.rel @p0 .LBB2_1-.Ltmp1, $3  }
0xd3: {  	_ =	sdelay $0x1  }
0xd4: {  	[sflag:s14] =	ssyncset.done $0x0  }
0xd5: {  	[sflag:s14] =	ssyncadd.s32 $0xFFFFC400  }
0xd6: {  	_ =	sfence.sel $0x180000  }
0xd7: {  	[bflag:$0x0] =	sbarrier.arrive $0xFFFF  }
0xd8: {  	_ =	strace $0x9000004A  }
0xd9: {  	s0 =	stileid.u32;
	[bflag:$0x2] =	sbarrier.arrive $0xFFFF  }
0xda: {  	p0 =	sne.s32 s0, $0x0;
	s0 =	rddreg [dreg:$0x3]  }
0xdb: {  	s0 =	sadd.s32 @!p0 $0x100000, s0  }
0xdc: {  	[sflag:s0] =	ssyncadd.tile.s32 @!p0 $0x1;
	_ =	shalt  }
.Lfunc_end2:
_tile_overlayer_lowered:
.L_overlay_start_2:
0xdd: {  	(tag) =	ssettag $0x2  }
0xde: {  	s0 =	rddreg [dreg:$0x0];
	s2 =	stileid.u32  }
0xdf: {  	s1 =	rddreg [dreg:$0x1];
	p0 =	sne.s32 s2, $0x0  }
0xe0: {  	s3 =	rddreg [dreg:$0x2];
	[bflag:$0x3] =	sbarrier.arrive $0xFFFF;
	s2 =	simm.s32 @!p0 $0x1C09  }
0xe1: {  	[timem:s3], [sflag:s2] =	dma.local @!p0 [hbm:s0], s1  }
0xe2: {  	s0 =	simm.s32 @!p0 $0x9  }
0xe3: {  	_ =	swait.ge @!p0 [sflag:s0], s1  }
0xe4: {  	s1 =	ssub.s32 @!p0 $0x0, s1;
	[sflag:s0] =	ssyncset.done @!p0 $0x0  }
0xe5: {  	[sflag:s0] =	ssyncadd.s32 @!p0 s1  }
0xe6: {  	[bflag:$0x3] =	sbarrier.arrive $0xFFFF  }
0xe7: {  	_ =	shalt  }

// kernel: kernel.19.cloned.1.call-start
scs
__scs_entry_jumppad:
0x0: {  	(pc) =	sbr.rel $0x88, $3  }
0x1: {  	(tag) =	ssettag $0x0;
	lr =	simm.s32 $0x1  }
0x2: {  	[smem:$0x3F91] =	sst lr;
	_ =	strace $0xD0000000  }
0x3: {  	_ = 	snop  }
0x4: {  	_ = 	snop  }
0x5: {  	_ = 	snop  }
0x6: {  	_ = 	snop  }
0x7: {  	_ = 	snop  }
__scs_overlays_trampoline_lowered:
0x8: {  	[smem:$0x3FA0] =	sst s0  }
0x9: {  	[smem:$0x3FA1] =	sst s1  }
0xa: {  	[smem:$0x3FA2] =	sst s2  }
0xb: {  	[smem:$0x3FA3] =	sst s3  }
0xc: {  	[smem:$0x3FA4] =	sst s4  }
0xd: {  	[smem:$0x3FA5] =	sst s5  }
0xe: {  	[smem:$0x3FA6] =	sst s6  }
0xf: {  	[smem:$0x3FA7] =	sst s7  }
0x10: {  	[smem:$0x3FA8] =	sst s8  }
0x11: {  	[smem:$0x3FA9] =	sst s9;
	s0 =	simm.s32 @!p0 $0x0  }
0x12: {  	s1 =	sld [smem:$0x3F8F];
	s0 =	simm.s32 @p0 $0x1  }
0x13: {  	[smem:$0x3FAA] =	sst s0;
	s0 =	simm.s32 @!p1 $0x0  }
0x14: {  	s2 =	sld [smem:$0x3F8E];
	s0 =	simm.s32 @p1 $0x1  }
0x15: {  	[smem:$0x3FAB] =	sst s0;
	s0 =	simm.s32 @!p2 $0x0  }
0x16: {  	s3 =	sld [smem:$0x3FDB];
	s0 =	simm.s32 @p2 $0x1  }
0x17: {  	s4 =	simm.s32 $0x1BF5;
	[smem:$0x3FAD] =	sst s0  }
0x18: {  	s0 =	sld [smem:$0x3F90];
	_ =	swait.ge [sflag:s4], $0x0  }
0x19: {  	s7 =	sld [smem:$0x3F91]  }
0x1a: {  	s8 =	sadd.s32 $0xFFFFE003, lr  }
0x1b: {  	s9 =	sadd.s32 $0xFFFFFEF7, lr;
	s5 =	simm.s32 $0xFFFFFFFF;
	p2 =	slt.u32 s8, $0xFFFFF086  }
0x1c: {  	p1 =	slt.u32 s9, $0xF7A;
	s5 =	simm.s32 @!p2 $0x0  }
0x1d: {  	s5 =	simm.s32 @p1 $0x1;
	p0 =	seq.s32 s7, s2  }
0x1e: {  	s7 =	smul.u32 @!p0 $0xF7A, s2;
	p2 =	seq.s32 @!p0 s5, $0x0  }
0x1f: {  	s9 =	smul.u32 $0xF7A, s1;
	s8 =	simm.s32 @!p0 $0x1BF5;
	p2 =	por !p2, p0  }
0x20: {  	[sflag:s8] =	ssyncset.s32 @!p0 $0xFFFFF086;
	s6 =	sadd.s32 @!p0 s3, s7;
	s7 =	simm.s32 @!p0 $0x108  }
0x21: {  	s3 =	sadd.s32 s3, s9;
	s6 =	sadd.s32 @!p0 $0x88, s6;
	s7 =	simm.s32 @p2 $0x1082  }
0x22: {  	[simem:s7], [sflag:s8] =	dma.local @!p0 [hbm:s6], $0xF7A  }
0x23: {  	s9 =	sor.u32 $0xD0000000, s2;
	s6 =	simm.s32 $0x108;
	_ =	swait.ge @!p0 [sflag:s8], $0x0  }
0x24: {  	s3 =	sadd.s32 $0x88, s3;
	s6 =	simm.s32 @!p1 $0x1082;
	[sflag:s4] =	ssyncset.s32 $0xFFFFF086  }
0x25: {  	[simem:s6], [sflag:s4] =	dma.local [hbm:s3], $0xF7A  }
0x26: {  	[smem:$0x3F91] =	sst s1;
	(tag) =	ssettag s2;
	_ =	strace s9  }
0x27: {  	s1 =	sld [smem:$0x3FA1]  }
0x28: {  	s2 =	sld [smem:$0x3FA2]  }
0x29: {  	s4 =	sld [smem:$0x3FA4]  }
0x2a: {  	p0 =	seq.s32 s5, $0x0;
	s5 =	sld [smem:$0x3FA5]  }
0x2b: {  	s6 =	sld [smem:$0x3FA6]  }
0x2c: {  	s7 =	sld [smem:$0x3FA7]  }
0x2d: {  	s3 =	simm.s32 $0x108;
	s8 =	sld [smem:$0x3FA8]  }
0x2e: {  	s3 =	simm.s32 @!p0 $0x1082;
	s9 =	sld [smem:$0x3FA9]  }
0x2f: {  	lr =	sadd.s32 s0, s3;
	s0 =	sld [smem:$0x3FA0]  }
0x30: {  	s3 =	sld [smem:$0x3FA3]  }
0x31: {  	[smem:$0x3FAC] =	sst s10  }
0x32: {  	s10 =	sld [smem:$0x3FAA];
	_ =	sdelay $0x3  }
0x33: {  	p0 =	seq.s32 s10, $0x1;
	s10 =	sld [smem:$0x3FAC];
	_ =	sdelay $0x3  }
0x34: {  	[smem:$0x3FAC] =	sst s10  }
0x35: {  	s10 =	sld [smem:$0x3FAB];
	_ =	sdelay $0x3  }
0x36: {  	p1 =	seq.s32 s10, $0x1;
	s10 =	sld [smem:$0x3FAC];
	_ =	sdelay $0x3  }
0x37: {  	[smem:$0x3FAC] =	sst s10  }
0x38: {  	s10 =	sld [smem:$0x3FAD]  }
0x39: {  	_ = 	snop;
	(pc) =	sbr.ind lr, $3  }
0x3a: {  	_ = 	snop  }
0x3b: {  	_ = 	snop  }
0x3c: {  	p2 =	seq.s32 s10, $0x1;
	s10 =	sld [smem:$0x3FAC]  }
0x3d: {  	_ =	shalt  }
0x3e: {  	_ =	shalt  }
0x3f: {  	_ =	shalt  }
0x40: {  	_ =	shalt  }
0x41: {  	_ =	shalt  }
0x42: {  	_ =	shalt  }
0x43: {  	_ =	shalt  }
0x44: {  	_ =	shalt  }
0x45: {  	_ =	shalt  }
0x46: {  	_ =	shalt  }
0x47: {  	_ =	shalt  }
0x48: {  	_ =	shalt  }
0x49: {  	_ =	shalt  }
0x4a: {  	_ =	shalt  }
0x4b: {  	_ =	shalt  }
0x4c: {  	_ =	shalt  }
0x4d: {  	_ =	shalt  }
0x4e: {  	_ =	shalt  }
0x4f: {  	_ =	shalt  }
0x50: {  	_ =	shalt  }
0x51: {  	_ =	shalt  }
0x52: {  	_ =	shalt  }
0x53: {  	_ =	shalt  }
0x54: {  	_ =	shalt  }
0x55: {  	_ =	shalt  }
0x56: {  	_ =	shalt  }
0x57: {  	_ =	shalt  }
0x58: {  	_ =	shalt  }
0x59: {  	_ =	shalt  }
0x5a: {  	_ =	shalt  }
0x5b: {  	_ =	shalt  }
0x5c: {  	_ =	shalt  }
0x5d: {  	_ =	shalt  }
0x5e: {  	_ =	shalt  }
0x5f: {  	_ =	shalt  }
0x60: {  	_ =	shalt  }
0x61: {  	_ =	shalt  }
0x62: {  	_ =	shalt  }
0x63: {  	_ =	shalt  }
0x64: {  	_ =	shalt  }
0x65: {  	_ =	shalt  }
0x66: {  	_ =	shalt  }
0x67: {  	_ =	shalt  }
0x68: {  	_ =	shalt  }
0x69: {  	_ =	shalt  }
0x6a: {  	_ =	shalt  }
0x6b: {  	_ =	shalt  }
0x6c: {  	_ =	shalt  }
0x6d: {  	_ =	shalt  }
0x6e: {  	_ =	shalt  }
0x6f: {  	_ =	shalt  }
0x70: {  	_ =	shalt  }
0x71: {  	_ =	shalt  }
0x72: {  	_ =	shalt  }
0x73: {  	_ =	shalt  }
0x74: {  	_ =	shalt  }
0x75: {  	_ =	shalt  }
0x76: {  	_ =	shalt  }
0x77: {  	_ =	shalt  }
0x78: {  	_ =	shalt  }
0x79: {  	_ =	shalt  }
0x7a: {  	_ =	shalt  }
0x7b: {  	_ =	shalt  }
0x7c: {  	_ =	shalt  }
0x7d: {  	_ =	shalt  }
0x7e: {  	_ =	shalt  }
0x7f: {  	_ =	shalt  }
0x80: {  	_ =	shalt  }
0x81: {  	_ =	shalt  }
0x82: {  	_ =	shalt  }
0x83: {  	_ =	shalt  }
0x84: {  	_ =	shalt  }
0x85: {  	_ =	shalt  }
0x86: {  	_ =	shalt  }
0x87: {  	_ =	shalt  }
.Lfunc_end0:
.L_simem_size_0:
called_computation.3_lowered:
.L_overlay_start_0:
0x88: {  	s2 =	sld [smem:$0x3FD9]  }
0x89: {  	s3 =	sld [smem:$0x3FFE];
	_ =	sdelay $0x1  }
0x8a: {  	s1 =	srdreg.scid  }
0x8b: {  	s0 =	sand.u32 $0x1, s1  }
0x8c: {  	s16 =	sshll.u32 s0, $0xA;
	s2 =	sadd.s32 s3, s2  }
0x8d: {  	s2 =	sadd.s32 s2, s16  }
0x8e: {  	[smem:$0x3FB8] =	sst s2  }
0x8f: {  	_ = 	snop  }
0x90: {  	(tm) =	ssettm $0x1  }
0x91: {  	s17 =	sld [smem:$0x3FFB];
	_ =	sdelay $0x3  }
0x92: {  	_ =	strace s17  }
0x93: {  	s2 =	sld [smem:$0x3FFC];
	_ =	sdelay $0x3  }
0x94: {  	_ =	strace s2  }
0x95: {  	s2 =	sld [smem:$0x3FFD];
	_ =	sdelay $0x3  }
0x96: {  	_ =	strace s2  }
0x97: {  	_ =	strace $0x8FFFFFFF  }
0x98: {  	s18 =	sld [smem:$0x3FDB];
	_ =	sdelay $0x1  }
0x99: {  	s19 =	simm.s32 $_scs_section_size  }
0x9a: {  	s4 =	simm.s32 $_size__tile_overlayer_lowered;
	s5 =	simm.s32 $_tile_overlayer_lowered  }
0x9b: {  	s22 =	simm.s32 $0x1BFF;
	s21 =	sshll.u32 s5, $0x1;
	s2 =	sadd.s32 s19, s18  }
0x9c: {  	s6 =	simm.s32 $0x0;
	s20 =	sshll.u32 s4, $0x1;
	s4 =	sadd.s32 s21, s2  }
0x9d: {  	[timem:s6], [sflag:s22] =	dma.local [hbm:s4], s20  }
0x9e: {  	_ =	swait.ge [sflag:s22], s20  }
0x9f: {  	s3 =	ssub.s32 $0x0, s20;
	[sflag:s22] =	ssyncset.done $0x0  }
0xa0: {  	[sflag:s22] =	ssyncadd.s32 s3;
	_ =	sdelay $0x1  }
0xa1: {  	s23 =	simm.s32 $0x1B8B  }
0xa2: {  	_ =	swait.ge [sflag:s23], $0x1  }
0xa3: {  	[sflag:s23] =	ssyncset.done $0x0  }
0xa4: {  	s25 =	simm.s32 $0x1B8E;
	s24 =	sld [smem:$0x3FFE];
	[sflag:s23] =	ssyncadd.s32 $0xFFFFFFFF  }
0xa5: {  	s26 =	simm.s32 $execute0_lowered;
	[smem:$0x3FD2] =	sst s25  }
0xa6: {  	s4 =	sshll.u32 s26, $0x1;
	_ =	strace $0x8000004F;
	[dreg:$0x1] =	wrdreg $0xFFFFFFFF  }
0xa7: {  	s28 =	simm.s32 $_size_execute0_lowered;
	s2 =	sadd.s32 s2, s4;
	[dreg:$0x0] =	wrdreg $0x0  }
0xa8: {  	s4 =	sshll.u32 s28, $0x1;
	[dreg:$0x2] =	wrdreg s2  }
0xa9: {  	[dreg:$0x3] =	wrdreg s4  }
0xaa: {  	[dreg:$0x4] =	wrdreg $0xC0  }
0xab: {  	_ =	task [dreg:s6], $0x5FFFF  }
0xac: {  	[dreg:$0x1] =	wrdreg $0xFFFFFFFF  }
0xad: {  	[dreg:$0x0] =	wrdreg $0x60  }
0xae: {  	[dreg:$0x2] =	wrdreg s24  }
0xaf: {  	[dreg:$0x3] =	wrdreg $0x29000  }
0xb0: {  	[dreg:$0x4] =	wrdreg $0x9  }
0xb1: {  	_ =	task.clear_ibuf [dreg:s6], $0x5FFFF;
	_ =	strace $0x9000004F  }
0xb2: {  	s29 =	simm.s32 $0x9;
	_ =	strace $0x80000051  }
0xb3: {  	_ =	swait.ge [sflag:s29], $0x1  }
0xb4: {  	[sflag:s29] =	ssyncadd.s32 $0xFFFFFFFF  }
0xb5: {  	_ =	strace $0x90000051  }
0xb6: {  	_ =	sfence  }
0xb7: {  	s30 =	sld [smem:$0x0];
	_ =	sdelay $0x2  }
0xb8: {  	s31 =	sshll.u32 s1, $0xD;
	s1 =	sshrl.u32 s1, $0x2  }
0xb9: {  	s3 =	sand.u32 $0x4000, s31;
	s1 =	sadd.s32 s1, s30  }
0xba: {  	s0 =	sor.u32 s3, s0;
	s1 =	sshll.u32 s1, $0x11  }
0xbb: {  	s0 =	sor.u32 s1, s0  }
0xbc: {  	s0 =	sadd.s32 $0x8F2B, s0  }
0xbd: {  	[sflag:s0] =	ssyncadd.remote.s32 $0x1  }
0xbe: {  	_ =	sfence.sel $0xFFFF  }
0xbf: {  	[dreg:$0x0] =	wrdreg $0xFFFFFFFF;
	(pc) =	sbr.abs _section_cstart, $3  }
0xc0: {  	[dreg:$0x1] =	wrdreg $0xFFFFFFFF  }
0xc1: {  	_ =	task.clear_ibuf [dreg:s6], $0x2FFFF;
	_ =	strace $0x9FFFFFFF  }
0xc2: {  	(tm) =	ssettm $0x7FFFFFFF  }
0xc3: {  	_ =	shalt  }
tec
execute0_lowered:
.L_overlay_start_1:
0x0: {  	(tag) =	ssettag $0x1  }
0x1: {  	s4 =	rddreg [dreg:$0x0]  }
0x2: {  	s2 =	rddreg [dreg:$0x1]  }
0x3: {  	s0 =	rddreg [dreg:$0x2]  }
0x4: {  	s3 =	simm.s32 $0x0;
	s1 =	stileid.u32;
	s7 =	srdreg.scid  }
0x5: {  	s16 =	simm.s32 $0x100;
	s17 =	simm.s32 $0x80;
	s18 =	simm.s32 $0x1500  }
0x6: {  	s19 =	simm.s32 $0x1;
	s20 =	simm.s32 $0x2;
	s21 =	simm.s32 $0x28  }
0x7: {  	s22 =	simm.s32 $0x5;
	s23 =	simm.s32 $0x3;
	s5 =	smul.u32 $0x71700, s1  }
0x8: {  	s24 =	simm.s32 $0x4;
	s25 =	simm.s32 $0x0;
	s6 =	smul.u32 $0xE2E, s1  }
0x9: {  	[smem:$0x7FF] =	sst s3;
	s7 =	sand.u32 $0x1, s7;
	s13 =	smul.u32 $0x718, s1  }
0xa: {  	s28 =	sadd.s32 $0x1EB6200, s4;
	s11 =	sadd.s32 $0x77A00, s4;
	s31 =	smul.u32 $0xE3000, s1  }
0xb: {  	p1 =	sgt.u32 s1, $0x6;
	_ =	strace $0x80000050;
	s26 =	smul.u32 $0x38B8, s7  }
0xc: {  	s8 =	ssub.s32 $0x2, s7;
	s9 =	smul.u32 $0x1C5C00, s7;
	p0 =	seq.s32 s7, $0x1  }
0xd: {  	p3 =	sne.s32 @p1 s1, $0x7;
	s10 =	sadd.s32 s5, s4;
	s12 =	sadd.s32 s6, s4  }
0xe: {  	s29 =	sshrl.u32 s8, $0x1;
	s4 =	sadd.s32 $0x18D400, s2;
	p2 =	por p3, !p1  }
0xf: {  	p3 =	por !p3, !p1;
	s14 =	ssub.s32 s8, s29;
	s30 =	sshrl.u32 s9, $0x3  }
0x10: {  	s13 =	sadd.s32 s13, s26;
	s9 =	sshrl.u32 s31, $0x2;
	s10 =	sadd.s32 $0x8FFA00, s10  }
.Ltmp0:
0x11: {  	s8 =	sadd.s32 $0x31A80, s30;
	s13 =	sshll.u32 s13, $0x4;
	(pc) =	sbr.rel .LBB2_1-.Ltmp0, $4  }
0x12: {  	s15 =	sadd.s32 s9, s2;
	s9 =	smax.u32 s14, $0x1;
	s14 =	sshll.u32 @!p1 s1, $0x6  }
0x13: {  	s5 =	sadd.s32 s28, s8;
	s6 =	sadd.s32 s28, s13;
	s7 =	sadd.s32 s11, s13  }
0x14: {  	s8 =	sadd.s32 s11, s8;
	s11 =	sadd.s32 $0x114800, s12;
	s12 =	sadd.s32 $0x106400, s12  }
0x15: {  	s13 =	sshrl.u32 @!p2 s4, $0x3;
	s14 =	sor.u32 @!p1 $0x1C05, s14;
	s15 =	sshrl.u32 @!p1 s15, $0x3  }
.LBB2_7:
0x16: {  	s28 =	sadd.s32 s28, s12;
	[sflag:s22] =	ssyncadd.s32 $0xFFFFEC00  }
0x17: {  	[tilespmem:s3], [sflag:$0x1] =	stream.linear.gather [hbm4b:s28+s3], $0x28, $0x38;
	[tilespmem:$0x1EF00] =	vst v63  }
0x18: {  	_ = 	snop  }
0x19: {  	[tilespmem:s16], [sflag:$0x2] =	stream.linear.gather [hbm4b:s26+s3], $0x1400, $0x38;
	[tilespmem:$0x1EF00] =	vst v63  }
0x1a: {  	s28 =	sadd.s32 $0x5, s28  }
0x1b: {  	[tilespmem:s17], [sflag:$0x3] =	stream.linear.gather [hbm4b:s28+s3], $0x28, $0x38;
	[tilespmem:$0x1EF00] =	vst v63  }
0x1c: {  	s31 =	sadd.s32 $0x280, s26  }
0x1d: {  	[tilespmem:s18], [sflag:$0x4] =	stream.linear.gather [hbm4b:s31+s3], $0x1400, $0x38;
	[tilespmem:$0x1EF00] =	vst v63  }
0x1e: {  	_ =	swait.ge [sflag:s19], $0x28  }
0x1f: {  	[sflag:s19] =	ssyncset.done $0x0  }
0x20: {  	[sflag:s19] =	ssyncadd.s32 $0xFFFFFFD8  }
0x21: {  	_ =	swait.ge [sflag:s20], $0x1400  }
0x22: {  	[sflag:s20] =	ssyncset.done $0x0  }
0x23: {  	[sflag:s20] =	ssyncadd.s32 $0xFFFFEC00  }
0x24: {  	[spmem:s2] =	stream.indirect.scatter.add.f32 [tilespmem:s16], [sflag:$0x5], $0x80, s3, s21, $0xb8;
	[tilespmem:$0x1EF00] =	vst v63  }
0x25: {  	_ =	swait.ge [sflag:s22], $0x1400  }
0x26: {  	[sflag:s22] =	ssyncset.done $0x0  }
0x27: {  	[sflag:s22] =	ssyncadd.s32 $0xFFFFEC00  }
0x28: {  	_ =	swait.ge [sflag:s23], $0x28  }
0x29: {  	[sflag:s23] =	ssyncset.done $0x0  }
0x2a: {  	[sflag:s23] =	ssyncadd.s32 $0xFFFFFFD8  }
0x2b: {  	_ =	swait.ge [sflag:s24], $0x1400  }
0x2c: {  	[sflag:s24] =	ssyncset.done $0x0  }
0x2d: {  	[sflag:s24] =	ssyncadd.s32 $0xFFFFEC00  }
0x2e: {  	[spmem:s2] =	stream.indirect.scatter.add.f32 [tilespmem:s18], [sflag:$0x5], $0x80, s17, s21, $0xb8;
	[tilespmem:$0x1EF00] =	vst v63  }
0x2f: {  	_ =	swait.ge [sflag:s22], $0x1400  }
0x30: {  	[sflag:s22] =	ssyncset.done $0x0  }
0x31: {  	[sflag:s22] =	ssyncadd.s32 $0xFFFFEC00  }
.LBB2_8:
0x32: {  	p5 =	por @p1 $0x0, $0x0;
	p4 =	por @!p2 $0x1, $0x1;
	[bflag:$0x0] =	sbarrier.arrive $0xFFFF  }
0x33: {  	[hbm:s7], [sflag:s14] =	dma.local @!p1 [spmem:s15], $0x7180  }
0x34: {  	s26 =	simm.s32 @!p1 $0x5;
	p4 =	por @!p3 p5, p5;
	p5 =	por @!p1 $0x0, $0x0  }
0x35: {  	s25 =	sadd.s32 $0x1, s25;
	p4 =	por @!p1 p5, p5;
	_ =	swait.ge @!p1 [sflag:s26], $0x7180  }
0x36: {  	p5 =	sne.s32 s25, s9;
	[sflag:s26] =	ssyncset.done @!p1 $0x0;
	s28 =	sshll.u32 @p4 s1, $0x6  }
0x37: {  	[sflag:s26] =	ssyncadd.s32 @!p1 $0xFFFF8E80;
	s26 =	sor.u32 @p4 $0x1C05, s28;
	s28 =	sshrl.u32 @p4 s4, $0x3  }
0x38: {  	[hbm:s8], [sflag:s26] =	dma.local @p4 [spmem:s28], $0x7100  }
.Ltmp1:
0x39: {  	_ = 	snop;
	(pc) =	sbr.rel @!p5 .LBB2_9-.Ltmp1, $4  }
0x3a: {  	s26 =	simm.s32 @p4 $0x5  }
0x3b: {  	_ =	swait.ge @p4 [sflag:s26], $0x7100  }
0x3c: {  	[sflag:s26] =	ssyncset.done @p4 $0x0  }
0x3d: {  	[sflag:s26] =	ssyncadd.s32 @p4 $0xFFFF8F00  }
.LBB2_1:
0x3e: {  	s26 =	simm.s32 @!p2 $0x1DC5  }
0x3f: {  	[spmem:s13], [sflag:s26] =	dma.local @!p2 [hbm:s5], $0x7100  }
0x40: {  	s26 =	simm.s32 @!p2 $0x5  }
0x41: {  	_ =	swait.ge @!p2 [sflag:s26], $0x7100  }
0x42: {  	[sflag:s26] =	ssyncset.done @!p2 $0x0  }
0x43: {  	[sflag:s26] =	ssyncadd.s32 @!p2 $0xFFFF8F00;
	s26 =	simm.s32 @!p1 $0x5  }
0x44: {  	[spmem:s15], [sflag:s14] =	dma.local @!p1 [hbm:s6], $0x7180  }
.Ltmp2:
0x45: {  	_ =	swait.ge @!p1 [sflag:s26], $0x7180;
	(pc) =	sbr.rel @!p0 .LBB2_2-.Ltmp2, $3  }
0x46: {  	[sflag:s26] =	ssyncset.done @!p1 $0x0  }
0x47: {  	[sflag:s26] =	ssyncadd.s32 @!p1 $0xFFFF8E80  }
0x48: {  	[bflag:$0x0] =	sbarrier.arrive $0xFFFF;
	_ =	sdelay $0x1  }
0x49: {  	s26 =	sadd.s32 $0x0, s12  }
0x4a: {  	[tilespmem:s3], [sflag:$0x1] =	stream.linear.gather [hbm4b:s26+s3], $0x28, $0x38;
	[tilespmem:$0x1EF00] =	vst v63  }
0x4b: {  	_ = 	snop  }
0x4c: {  	[tilespmem:s16], [sflag:$0x2] =	stream.linear.gather [hbm4b:s10+s3], $0x1400, $0x38;
	[tilespmem:$0x1EF00] =	vst v63  }
0x4d: {  	s26 =	sadd.s32 $0x5, s26  }
0x4e: {  	[tilespmem:s17], [sflag:$0x3] =	stream.linear.gather [hbm4b:s26+s3], $0x28, $0x38;
	[tilespmem:$0x1EF00] =	vst v63  }
0x4f: {  	s31 =	sadd.s32 $0x280, s10  }
0x50: {  	[tilespmem:s18], [sflag:$0x4] =	stream.linear.gather [hbm4b:s31+s3], $0x1400, $0x38;
	[tilespmem:$0x1EF00] =	vst v63  }
0x51: {  	_ =	swait.ge [sflag:s19], $0x28  }
0x52: {  	[sflag:s19] =	ssyncset.done $0x0  }
0x53: {  	[sflag:s19] =	ssyncadd.s32 $0xFFFFFFD8  }
0x54: {  	_ =	swait.ge [sflag:s20], $0x1400  }
0x55: {  	[sflag:s20] =	ssyncset.done $0x0  }
0x56: {  	[sflag:s20] =	ssyncadd.s32 $0xFFFFEC00  }
0x57: {  	[spmem:s2] =	stream.indirect.scatter.add.f32 [tilespmem:s16], [sflag:$0x5], $0x80, s3, s21, $0xb8;
	[tilespmem:$0x1EF00] =	vst v63  }
0x58: {  	_ =	swait.ge [sflag:s22], $0x1400  }
0x59: {  	[sflag:s22] =	ssyncset.done $0x0  }
0x5a: {  	[sflag:s22] =	ssyncadd.s32 $0xFFFFEC00  }
0x5b: {  	_ =	swait.ge [sflag:s23], $0x28  }
0x5c: {  	[sflag:s23] =	ssyncset.done $0x0  }
0x5d: {  	[sflag:s23] =	ssyncadd.s32 $0xFFFFFFD8  }
0x5e: {  	_ =	swait.ge [sflag:s24], $0x1400  }
0x5f: {  	[sflag:s24] =	ssyncset.done $0x0  }
0x60: {  	[sflag:s24] =	ssyncadd.s32 $0xFFFFEC00  }
0x61: {  	[spmem:s2] =	stream.indirect.scatter.add.f32 [tilespmem:s18], [sflag:$0x5], $0x80, s17, s21, $0xb8;
	[tilespmem:$0x1EF00] =	vst v63  }
0x62: {  	s28 =	simm.s32 $0xA;
	_ =	swait.ge [sflag:s22], $0x1400  }
0x63: {  	s29 =	simm.s32 $0x14;
	s26 =	sadd.s32 $0x500, s10;
	[sflag:s22] =	ssyncset.done $0x0  }
.LBB2_6:
0x64: {  	s30 =	sadd.s32 s28, s12  }
0x65: {  	[sflag:s22] =	ssyncadd.s32 $0xFFFFEC00;
	s28 =	smov.u32 s29;
	s31 =	sadd.s32 $0xA, s29  }
0x66: {  	[tilespmem:s3], [sflag:$0x1] =	stream.linear.gather [hbm4b:s30+s3], $0x28, $0x38;
	[tilespmem:$0x1EF00] =	vst v63  }
0x67: {  	p4 =	sne.s32 s29, $0xE24  }
0x68: {  	[tilespmem:s16], [sflag:$0x2] =	stream.linear.gather [hbm4b:s26+s3], $0x1400, $0x38;
	[tilespmem:$0x1EF00] =	vst v63  }
0x69: {  	s29 =	sadd.s32 $0x5, s30  }
0x6a: {  	[tilespmem:s17], [sflag:$0x3] =	stream.linear.gather [hbm4b:s29+s3], $0x28, $0x38;
	[tilespmem:$0x1EF00] =	vst v63  }
0x6b: {  	s29 =	sadd.s32 $0x280, s26  }
0x6c: {  	[tilespmem:s18], [sflag:$0x4] =	stream.linear.gather [hbm4b:s29+s3], $0x1400, $0x38;
	[tilespmem:$0x1EF00] =	vst v63  }
0x6d: {  	_ =	swait.ge [sflag:s19], $0x28  }
0x6e: {  	[sflag:s19] =	ssyncset.done $0x0  }
0x6f: {  	[sflag:s19] =	ssyncadd.s32 $0xFFFFFFD8  }
0x70: {  	_ =	swait.ge [sflag:s20], $0x1400  }
0x71: {  	[sflag:s20] =	ssyncset.done $0x0  }
0x72: {  	[sflag:s20] =	ssyncadd.s32 $0xFFFFEC00  }
0x73: {  	[spmem:s2] =	stream.indirect.scatter.add.f32 [tilespmem:s16], [sflag:$0x5], $0x80, s3, s21, $0xb8;
	[tilespmem:$0x1EF00] =	vst v63  }
0x74: {  	_ =	swait.ge [sflag:s22], $0x1400  }
0x75: {  	[sflag:s22] =	ssyncset.done $0x0  }
0x76: {  	[sflag:s22] =	ssyncadd.s32 $0xFFFFEC00  }
0x77: {  	_ =	swait.ge [sflag:s23], $0x28  }
0x78: {  	[sflag:s23] =	ssyncset.done $0x0  }
0x79: {  	[sflag:s23] =	ssyncadd.s32 $0xFFFFFFD8  }
0x7a: {  	_ =	swait.ge [sflag:s24], $0x1400  }
.Ltmp3:
0x7b: {  	[sflag:s24] =	ssyncset.done $0x0;
	(pc) =	sbr.rel @p4 .LBB2_6-.Ltmp3, $4  }
0x7c: {  	[sflag:s24] =	ssyncadd.s32 $0xFFFFEC00  }
0x7d: {  	[spmem:s2] =	stream.indirect.scatter.add.f32 [tilespmem:s18], [sflag:$0x5], $0x80, s17, s21, $0xb8;
	[tilespmem:$0x1EF00] =	vst v63  }
0x7e: {  	_ =	swait.ge [sflag:s22], $0x1400  }
0x7f: {  	s26 =	sadd.s32 $0x500, s26;
	s29 =	smov.u32 s31;
	[sflag:s22] =	ssyncset.done $0x0  }
.Ltmp4:
0x80: {  	_ = 	snop;
	(pc) =	sbr.rel .LBB2_7-.Ltmp4, $1  }
0x81: {  	_ =	sdelay $0x3  }
.LBB2_2:
0x82: {  	s26 =	sadd.s32 $0x0, s11  }
0x83: {  	[tilespmem:s3], [sflag:$0x1] =	stream.linear.gather [hbm4b:s26+s3], $0x28, $0x38;
	[tilespmem:$0x1EF00] =	vst v63  }
0x84: {  	_ = 	snop  }
0x85: {  	[tilespmem:s16], [sflag:$0x2] =	stream.linear.gather [hbm4b:s10+s3], $0x1400, $0x38;
	[tilespmem:$0x1EF00] =	vst v63  }
0x86: {  	s26 =	sadd.s32 $0x5, s26  }
0x87: {  	[tilespmem:s17], [sflag:$0x3] =	stream.linear.gather [hbm4b:s26+s3], $0x28, $0x38;
	[tilespmem:$0x1EF00] =	vst v63  }
0x88: {  	s31 =	sadd.s32 $0x280, s10  }
0x89: {  	[tilespmem:s18], [sflag:$0x4] =	stream.linear.gather [hbm4b:s31+s3], $0x1400, $0x38;
	[tilespmem:$0x1EF00] =	vst v63  }
0x8a: {  	_ =	swait.ge [sflag:s19], $0x28  }
0x8b: {  	[sflag:s19] =	ssyncset.done $0x0  }
0x8c: {  	[sflag:s19] =	ssyncadd.s32 $0xFFFFFFD8  }
0x8d: {  	_ =	swait.ge [sflag:s20], $0x1400  }
0x8e: {  	[sflag:s20] =	ssyncset.done $0x0  }
0x8f: {  	[sflag:s20] =	ssyncadd.s32 $0xFFFFEC00  }
0x90: {  	[spmem:s2] =	stream.indirect.scatter.add.f32 [tilespmem:s16], [sflag:$0x5], $0x80, s3, s21, $0xb8;
	[tilespmem:$0x1EF00] =	vst v63  }
0x91: {  	_ =	swait.ge [sflag:s22], $0x1400  }
0x92: {  	[sflag:s22] =	ssyncset.done $0x0  }
0x93: {  	[sflag:s22] =	ssyncadd.s32 $0xFFFFEC00  }
0x94: {  	_ =	swait.ge [sflag:s23], $0x28  }
0x95: {  	[sflag:s23] =	ssyncset.done $0x0  }
0x96: {  	[sflag:s23] =	ssyncadd.s32 $0xFFFFFFD8  }
0x97: {  	_ =	swait.ge [sflag:s24], $0x1400  }
0x98: {  	[sflag:s24] =	ssyncset.done $0x0  }
0x99: {  	[sflag:s24] =	ssyncadd.s32 $0xFFFFEC00  }
0x9a: {  	[spmem:s2] =	stream.indirect.scatter.add.f32 [tilespmem:s18], [sflag:$0x5], $0x80, s17, s21, $0xb8;
	[tilespmem:$0x1EF00] =	vst v63  }
0x9b: {  	s28 =	simm.s32 $0xA;
	_ =	swait.ge [sflag:s22], $0x1400  }
0x9c: {  	s29 =	simm.s32 $0x14;
	s26 =	sadd.s32 $0x500, s10;
	[sflag:s22] =	ssyncset.done $0x0  }
.LBB2_3:
0x9d: {  	s30 =	sadd.s32 s28, s11  }
0x9e: {  	[sflag:s22] =	ssyncadd.s32 $0xFFFFEC00;
	s28 =	smov.u32 s29;
	s31 =	sadd.s32 $0xA, s29  }
0x9f: {  	[tilespmem:s3], [sflag:$0x1] =	stream.linear.gather [hbm4b:s30+s3], $0x28, $0x38;
	[tilespmem:$0x1EF00] =	vst v63  }
0xa0: {  	p4 =	seq.s32 s29, $0xE24  }
0xa1: {  	[tilespmem:s16], [sflag:$0x2] =	stream.linear.gather [hbm4b:s26+s3], $0x1400, $0x38;
	[tilespmem:$0x1EF00] =	vst v63  }
0xa2: {  	s29 =	sadd.s32 $0x5, s30  }
0xa3: {  	[tilespmem:s17], [sflag:$0x3] =	stream.linear.gather [hbm4b:s29+s3], $0x28, $0x38;
	[tilespmem:$0x1EF00] =	vst v63  }
0xa4: {  	s29 =	sadd.s32 $0x280, s26  }
0xa5: {  	[tilespmem:s18], [sflag:$0x4] =	stream.linear.gather [hbm4b:s29+s3], $0x1400, $0x38;
	[tilespmem:$0x1EF00] =	vst v63  }
0xa6: {  	_ =	swait.ge [sflag:s19], $0x28  }
0xa7: {  	[sflag:s19] =	ssyncset.done $0x0  }
0xa8: {  	[sflag:s19] =	ssyncadd.s32 $0xFFFFFFD8  }
0xa9: {  	_ =	swait.ge [sflag:s20], $0x1400  }
0xaa: {  	[sflag:s20] =	ssyncset.done $0x0  }
0xab: {  	[sflag:s20] =	ssyncadd.s32 $0xFFFFEC00  }
0xac: {  	[spmem:s2] =	stream.indirect.scatter.add.f32 [tilespmem:s16], [sflag:$0x5], $0x80, s3, s21, $0xb8;
	[tilespmem:$0x1EF00] =	vst v63  }
0xad: {  	_ =	swait.ge [sflag:s22], $0x1400  }
0xae: {  	[sflag:s22] =	ssyncset.done $0x0  }
0xaf: {  	[sflag:s22] =	ssyncadd.s32 $0xFFFFEC00  }
0xb0: {  	_ =	swait.ge [sflag:s23], $0x28  }
0xb1: {  	[sflag:s23] =	ssyncset.done $0x0  }
0xb2: {  	[sflag:s23] =	ssyncadd.s32 $0xFFFFFFD8  }
0xb3: {  	_ =	swait.ge [sflag:s24], $0x1400  }
.Ltmp5:
0xb4: {  	[sflag:s24] =	ssyncset.done $0x0;
	(pc) =	sbr.rel @!p4 .LBB2_3-.Ltmp5, $4  }
0xb5: {  	[sflag:s24] =	ssyncadd.s32 $0xFFFFEC00  }
0xb6: {  	[spmem:s2] =	stream.indirect.scatter.add.f32 [tilespmem:s18], [sflag:$0x5], $0x80, s17, s21, $0xb8;
	[tilespmem:$0x1EF00] =	vst v63  }
0xb7: {  	_ =	swait.ge [sflag:s22], $0x1400  }
0xb8: {  	s26 =	sadd.s32 $0x500, s26;
	s29 =	smov.u32 s31;
	[sflag:s22] =	ssyncset.done $0x0  }
0xb9: {  	s28 =	sadd.s32 s28, s11;
	[sflag:s22] =	ssyncadd.s32 $0xFFFFEC00  }
0xba: {  	[tilespmem:s3], [sflag:$0x1] =	stream.linear.gather [hbm4b:s28+s3], $0x28, $0x38;
	[tilespmem:$0x1EF00] =	vst v63  }
0xbb: {  	_ = 	snop  }
0xbc: {  	[tilespmem:s16], [sflag:$0x2] =	stream.linear.gather [hbm4b:s26+s3], $0x1400, $0x38;
	[tilespmem:$0x1EF00] =	vst v63  }
0xbd: {  	s28 =	sadd.s32 $0x5, s28  }
0xbe: {  	[tilespmem:s17], [sflag:$0x3] =	stream.linear.gather [hbm4b:s28+s3], $0x28, $0x38;
	[tilespmem:$0x1EF00] =	vst v63  }
0xbf: {  	s31 =	sadd.s32 $0x280, s26  }
0xc0: {  	[tilespmem:s18], [sflag:$0x4] =	stream.linear.gather [hbm4b:s31+s3], $0x1400, $0x38;
	[tilespmem:$0x1EF00] =	vst v63  }
0xc1: {  	_ =	swait.ge [sflag:s19], $0x28  }
0xc2: {  	[sflag:s19] =	ssyncset.done $0x0  }
0xc3: {  	[sflag:s19] =	ssyncadd.s32 $0xFFFFFFD8  }
0xc4: {  	_ =	swait.ge [sflag:s20], $0x1400  }
0xc5: {  	[sflag:s20] =	ssyncset.done $0x0  }
0xc6: {  	[sflag:s20] =	ssyncadd.s32 $0xFFFFEC00  }
0xc7: {  	[spmem:s2] =	stream.indirect.scatter.add.f32 [tilespmem:s16], [sflag:$0x5], $0x80, s3, s21, $0xb8;
	[tilespmem:$0x1EF00] =	vst v63  }
0xc8: {  	_ =	swait.ge [sflag:s22], $0x1400  }
0xc9: {  	[sflag:s22] =	ssyncset.done $0x0  }
0xca: {  	[sflag:s22] =	ssyncadd.s32 $0xFFFFEC00  }
0xcb: {  	_ =	swait.ge [sflag:s23], $0x28  }
0xcc: {  	[sflag:s23] =	ssyncset.done $0x0  }
0xcd: {  	[sflag:s23] =	ssyncadd.s32 $0xFFFFFFD8  }
0xce: {  	_ =	swait.ge [sflag:s24], $0x1400  }
0xcf: {  	[sflag:s24] =	ssyncset.done $0x0  }
.Ltmp6:
0xd0: {  	[sflag:s24] =	ssyncadd.s32 $0xFFFFEC00;
	(pc) =	sbr.rel .LBB2_8-.Ltmp6, $4  }
0xd1: {  	[spmem:s2] =	stream.indirect.scatter.add.f32 [tilespmem:s18], [sflag:$0x5], $0x80, s17, s21, $0xb8;
	[tilespmem:$0x1EF00] =	vst v63  }
0xd2: {  	_ =	swait.ge [sflag:s22], $0x1400  }
0xd3: {  	[sflag:s22] =	ssyncset.done $0x0  }
0xd4: {  	[sflag:s22] =	ssyncadd.s32 $0xFFFFEC00  }
.LBB2_9:
0xd5: {  	_ =	sfence.sel $0x180000  }
0xd6: {  	[bflag:$0x0] =	sbarrier.arrive $0xFFFF  }
0xd7: {  	p0 =	sne.s32 s1, $0x0;
	_ =	strace $0x90000050  }
0xd8: {  	s0 =	sadd.s32 @!p0 $0x100000, s0;
	[bflag:$0x2] =	sbarrier.arrive $0xFFFF  }
0xd9: {  	[sflag:s0] =	ssyncadd.tile.s32 @!p0 $0x1;
	_ =	shalt  }
.Lfunc_end2:
_tile_overlayer_lowered:
.L_overlay_start_2:
0xda: {  	(tag) =	ssettag $0x2  }
0xdb: {  	s0 =	rddreg [dreg:$0x0];
	s2 =	stileid.u32  }
0xdc: {  	s1 =	rddreg [dreg:$0x1];
	p0 =	sne.s32 s2, $0x0  }
0xdd: {  	s3 =	rddreg [dreg:$0x2];
	[bflag:$0x3] =	sbarrier.arrive $0xFFFF;
	s2 =	simm.s32 @!p0 $0x1C05  }
0xde: {  	[timem:s3], [sflag:s2] =	dma.local @!p0 [hbm:s0], s1  }
0xdf: {  	s0 =	simm.s32 @!p0 $0x5  }
0xe0: {  	_ =	swait.ge @!p0 [sflag:s0], s1  }
0xe1: {  	s1 =	ssub.s32 @!p0 $0x0, s1;
	[sflag:s0] =	ssyncset.done @!p0 $0x0  }
0xe2: {  	[sflag:s0] =	ssyncadd.s32 @!p0 s1  }
0xe3: {  	[bflag:$0x3] =	sbarrier.arrive $0xFFFF  }
0xe4: {  	_ =	shalt  }

</sc_bundles>
